<compile_context>
chip_gen: v7x
topology: tpu7x:2x2x1
jax: 0.10.2.dev20260603
libtpu: 0.0.44.dev20260713+nightly
codegen_flags: <defaults>
</compile_context>

<pallas_src>
import functools

import jax
import jax.numpy as jnp
import numpy as np
from jax import lax
from jax.experimental import pallas as pl
from jax.experimental.pallas import tpu as pltpu
from jax.experimental.pallas import tpu_sc as plsc

T = 2048
C = 64
H = 32
HD = 2
SOFT_CAP = 30.0
INV_SQRT_HD = 1.0 / np.sqrt(HD).astype(np.float32)
NC = 2
L = 16
NB = T // L


def _proj_norm_body(x_ref, wqkv_ref, wq_ref, wk_ref, qn_ref, kn_ref, v_ref):
    x = x_ref[...]
    qkv = jax.lax.dot_general(
        x, wqkv_ref[...], (((1,), (0,)), ((), ())),
        preferred_element_type=jnp.float32)
    q = qkv[:, 0:C]
    k = qkv[:, C:2 * C]
    v = qkv[:, 2 * C:3 * C]
    row = jax.lax.broadcasted_iota(jnp.int32, (C, C), 0) // 2
    col = jax.lax.broadcasted_iota(jnp.int32, (C, C), 1) // 2
    P = (row == col).astype(jnp.float32)

    def pairnorm(u, w_full):
        u2 = u * u
        ps = jax.lax.dot_general(
            u2, P, (((1,), (0,)), ((), ())),
            preferred_element_type=jnp.float32)
        return u * jax.lax.rsqrt(ps * 0.5 + 1e-6) * w_full

    qn_ref[...] = pairnorm(q, wq_ref[...]) * INV_SQRT_HD
    kn_ref[...] = pairnorm(k, wk_ref[...])
    v_ref[...] = v


def _out_proj_body(y_ref, wo_ref, o_ref):
    o_ref[...] = jax.lax.dot_general(
        y_ref[...], wo_ref[...], (((1,), (0,)), ((), ())),
        preferred_element_type=jnp.float32)


def _splat(vec, m):
    idx = jnp.full((L,), m, dtype=jnp.int32)
    dn = jax.lax.GatherDimensionNumbers(
        offset_dims=(), collapsed_slice_dims=(0,), start_index_map=(0,))
    return jax.lax.gather(
        vec, idx[:, None], dn, slice_sizes=(1,),
        mode=jax.lax.GatherScatterMode.PROMISE_IN_BOUNDS)


_sc_mesh = plsc.VectorSubcoreMesh(core_axis_name="c", subcore_axis_name="s")


@functools.partial(
    pl.kernel, mesh=_sc_mesh,
    out_type=[jax.ShapeDtypeStruct((H, T), jnp.float32)] * 2,
    scratch_types=[
        pltpu.VMEM((T,), jnp.float32),
        pltpu.VMEM((T,), jnp.float32),
        pltpu.VMEM((T,), jnp.float32),
        pltpu.VMEM((T,), jnp.float32),
        pltpu.VMEM((T * L,), jnp.float32),
        pltpu.VMEM((T * L,), jnp.float32),
        pltpu.VMEM((T,), jnp.float32),
        pltpu.VMEM((T,), jnp.float32),
    ],
)
def _sc_attn(q0_hbm, q1_hbm, k0_hbm, k1_hbm, v0s_hbm, v1s_hbm,
             y0_hbm, y1_hbm,
             q0_v, q1_v, k0_v, k1_v, v0s_v, v1s_v, y0o_v, y1o_v):
    wid = lax.axis_index("s") * NC + lax.axis_index("c")
    pltpu.sync_copy(q0_hbm.at[wid], q0_v)
    pltpu.sync_copy(q1_hbm.at[wid], q1_v)
    pltpu.sync_copy(k0_hbm.at[wid], k0_v)
    pltpu.sync_copy(k1_hbm.at[wid], k1_v)
    pltpu.sync_copy(v0s_hbm.at[wid], v0s_v)
    pltpu.sync_copy(v1s_hbm.at[wid], v1s_v)

    z = jnp.zeros((L,), jnp.float32)

    def step(q0v, q1v, k0s, k1s, v0s, v1s, accs):
        a_s, a0, a1 = accs
        logit = q0v * k0s + q1v * k1s
        capped = logit * (1.0 - logit * logit
                          * (1.0 / (3.0 * SOFT_CAP * SOFT_CAP)))
        p = jnp.exp(capped)
        return p, (a_s + p, a0 + p * v0s, a1 + p * v1s)

    def qblock(qb, _):
        q0v = q0_v[pl.ds(qb * L, L)]
        q1v = q1_v[pl.ds(qb * L, L)]

        def chunk(c, accs):
            kc0 = k0_v[pl.ds(c * L, L)]
            kc1 = k1_v[pl.ds(c * L, L)]
            for m in range(L):
                v0s = v0s_v[pl.ds(c * (L * L) + m * L, L)]
                v1s = v1s_v[pl.ds(c * (L * L) + m * L, L)]
                p, accs = step(q0v, q1v, _splat(kc0, m), _splat(kc1, m),
                               v0s, v1s, accs)
            return accs

        a_s, a0, a1 = lax.fori_loop(0, qb, chunk, (z, z, z))

        kc0 = k0_v[pl.ds(qb * L, L)]
        kc1 = k1_v[pl.ds(qb * L, L)]
        for m in range(L):
            v0s = v0s_v[pl.ds(qb * (L * L) + m * L, L)]
            v1s = v1s_v[pl.ds(qb * (L * L) + m * L, L)]
            p, _ = step(q0v, q1v, _splat(kc0, m), _splat(kc1, m), v0s, v1s,
                        (z, z, z))
            lane_m = lax.broadcasted_iota(jnp.int32, (L,), 0)
            p = jnp.where(lane_m >= m, p, 0.0)
            a_s = a_s + p
            a0 = a0 + p * v0s
            a1 = a1 + p * v1s

        y0o_v[pl.ds(qb * L, L)] = a0 / a_s
        y1o_v[pl.ds(qb * L, L)] = a1 / a_s
        return 0

    lax.fori_loop(0, NB, qblock, 0)
    pltpu.sync_copy(y0o_v, y0_hbm.at[wid])
    pltpu.sync_copy(y1o_v, y1_hbm.at[wid])


@jax.jit
def kernel(x, W_qkv, W_o, qn_w, kn_w):
    b, t, c = x.shape
    x2 = x.reshape(t, c)
    wq_full = jnp.tile(qn_w, c // HD).reshape(1, c)
    wk_full = jnp.tile(kn_w, c // HD).reshape(1, c)

    qn, kn, v = pl.pallas_call(
        _proj_norm_body,
        out_shape=[jax.ShapeDtypeStruct((t, c), jnp.float32)] * 3,
    )(x2, W_qkv, wq_full, wk_full)

    q0 = qn[:, 0::2].T
    q1 = qn[:, 1::2].T
    k0 = kn[:, 0::2].T
    k1 = kn[:, 1::2].T
    v0s = jnp.repeat(v[:, 0::2].T, L, axis=1)
    v1s = jnp.repeat(v[:, 1::2].T, L, axis=1)

    y0, y1 = _sc_attn(q0, q1, k0, k1, v0s, v1s)

    y = jnp.stack([y0, y1], axis=-1)
    y = y.transpose(1, 0, 2).reshape(t, c)

    out = pl.pallas_call(
        _out_proj_body,
        out_shape=jax.ShapeDtypeStruct((t, c), jnp.float32),
    )(y, W_o)
    return out.reshape(b, t, c)

# --- scband reference (transcript-rebuilt; emitter-appended) ---
"""Pipeline reference for scband-two-dcausal-self-attention-84507776516554 (READ-ONLY COPY).

The authoritative reference and input builder live on the scoring server;
editing this copy changes nothing except your own understanding.
"""

import jax, jax.numpy as jnp
import numpy as np

B, T, C, H = 1, 2048, 64, 32
HD = C // H  # = 2, the 2D-attention invariant
SOFT_CAP = 30.0


def rmsnorm(x, w, eps=1e-6):
    return x * jax.lax.rsqrt(jnp.mean(x * x, axis=-1, keepdims=True) + eps) * w


def setup_inputs(seed: int = 0) -> dict:
    key = jax.random.key(seed)
    k1, k2, k3 = jax.random.split(key, 3)
    x = jax.random.normal(k1, (B, T, C), dtype=jnp.float32)
    W_qkv = (jax.random.normal(k2, (C, 3 * C), dtype=jnp.float32) * 0.02)
    W_o = (jax.random.normal(k3, (C, C), dtype=jnp.float32) * 0.02)
    qn_w = jnp.ones((HD,), dtype=jnp.float32)
    kn_w = jnp.ones((HD,), dtype=jnp.float32)
    return {"x": x, "W_qkv": W_qkv, "W_o": W_o, "qn_w": qn_w, "kn_w": kn_w}


def reference(x, W_qkv, W_o, qn_w, kn_w):
    b, t, c = x.shape
    qkv = x @ W_qkv  # (B, T, 3C), bias=False per config
    q, k, v = jnp.split(qkv, 3, axis=-1)

    def to_heads(u):
        return u.reshape(b, t, H, HD).transpose(0, 2, 1, 3)  # (B, H, T, hd)

    q, k, v = to_heads(q), to_heads(k), to_heads(v)
    # qk_norm = True: RMSNorm over head_dim for q and k
    q = rmsnorm(q, qn_w)
    k = rmsnorm(k, kn_w)
    # use_rope = False -> no rotary embedding
    att = (q @ k.transpose(0, 1, 3, 2)) / np.sqrt(HD).astype(np.float32)
    # logit soft cap
    att = SOFT_CAP * jnp.tanh(att / SOFT_CAP)
    mask = jnp.tril(jnp.ones((t, t), dtype=bool))
    att = jnp.where(mask[None, None, :, :], att, -jnp.inf)
    att = jax.nn.softmax(att, axis=-1)
    y = att @ v  # (B, H, T, hd)
    y = y.transpose(0, 2, 1, 3).reshape(b, t, c)
    return y @ W_o

if __name__ == "__main__":
    import jax
    _d = setup_inputs()
    print(jax.jit(kernel)(*tuple(_d.values())))

</pallas_src>

<mosaic_0001>
#map = affine_map<(d0, d1) -> (0, 0)>
module attributes {stable_mosaic.version = 14 : i64} {
  func.func @_sc_attn(%arg0: i32, %arg1: i32, %arg2: memref<32x2048xf32, #tpu.memory_space<hbm>>, %arg3: memref<32x2048xf32, #tpu.memory_space<hbm>>, %arg4: memref<32x2048xf32, #tpu.memory_space<hbm>>, %arg5: memref<32x2048xf32, #tpu.memory_space<hbm>>, %arg6: memref<32x32768xf32, #tpu.memory_space<hbm>>, %arg7: memref<32x32768xf32, #tpu.memory_space<hbm>>, %arg8: memref<32x2048xf32, #tpu.memory_space<hbm>>, %arg9: memref<32x2048xf32, #tpu.memory_space<hbm>>, %arg10: memref<2048xf32, #tpu.memory_space<vmem>>, %arg11: memref<2048xf32, #tpu.memory_space<vmem>>, %arg12: memref<2048xf32, #tpu.memory_space<vmem>>, %arg13: memref<2048xf32, #tpu.memory_space<vmem>>, %arg14: memref<32768xf32, #tpu.memory_space<vmem>>, %arg15: memref<32768xf32, #tpu.memory_space<vmem>>, %arg16: memref<2048xf32, #tpu.memory_space<vmem>>, %arg17: memref<2048xf32, #tpu.memory_space<vmem>>) attributes {dimension_semantics = [#tpu.dimension_semantics<core_parallel>, #tpu.dimension_semantics<subcore_parallel>], iteration_bounds = array<i64: 2, 16>, scalar_prefetch = 0 : i64, scratch_operands = 8 : i64, tpu.core_type = #tpu.core_type<sc_vector_subcore>, window_params = [{transform_indices = #map}, {transform_indices = #map}, {transform_indices = #map}, {transform_indices = #map}, {transform_indices = #map}, {transform_indices = #map}, {transform_indices = #map}, {transform_indices = #map}]} {
    %mul3A = arith.constant 2 : i32
    %mul3A_0 = arith.muli %arg1, %mul3A : i32
    %add3A = arith.addi %mul3A_0, %arg0 : i32
    "tpu.region"() ({
      %run_scoped3A = tpu.sem_alloc : memref<!tpu.dma_semaphore, #tpu.memory_space<semaphore_mem>>
      %dma_start3A = arith.constant 0 : i32
      %dma_start3A_8 = tpu.memref_slice %arg2[%add3A, %dma_start3A] : memref<32x2048xf32, #tpu.memory_space<hbm>> -> memref<1x2048xf32, #tpu.memory_space<hbm>>
      %dma_start3A_9 = tpu.memref_squeeze %dma_start3A_8 : memref<1x2048xf32, #tpu.memory_space<hbm>> -> memref<2048xf32, #tpu.memory_space<hbm>>
      %dma_start3A_10 = arith.constant 0 : i32
      %dma_start3A_11 = tpu.memref_slice %arg2[%add3A, %dma_start3A_10] : memref<32x2048xf32, #tpu.memory_space<hbm>> -> memref<1x2048xf32, #tpu.memory_space<hbm>>
      %dma_start3A_12 = tpu.memref_squeeze %dma_start3A_11 : memref<1x2048xf32, #tpu.memory_space<hbm>> -> memref<2048xf32, #tpu.memory_space<hbm>>
      tpu.enqueue_dma source(%dma_start3A_12 : memref<2048xf32, #tpu.memory_space<hbm>>) target(%arg10 : memref<2048xf32, #tpu.memory_space<vmem>>) target_semaphore(%run_scoped3A : memref<!tpu.dma_semaphore, #tpu.memory_space<semaphore_mem>>)
      %dma_wait3A = arith.constant 0 : i32
      %dma_wait3A_13 = tpu.memref_slice %arg2[%add3A, %dma_wait3A] : memref<32x2048xf32, #tpu.memory_space<hbm>> -> memref<1x2048xf32, #tpu.memory_space<hbm>>
      %dma_wait3A_14 = tpu.memref_squeeze %dma_wait3A_13 : memref<1x2048xf32, #tpu.memory_space<hbm>> -> memref<2048xf32, #tpu.memory_space<hbm>>
      %dma_wait3A_15 = arith.constant 0 : i32
      %dma_wait3A_16 = tpu.memref_slice %arg2[%add3A, %dma_wait3A_15] : memref<32x2048xf32, #tpu.memory_space<hbm>> -> memref<1x2048xf32, #tpu.memory_space<hbm>>
      %dma_wait3A_17 = tpu.memref_squeeze %dma_wait3A_16 : memref<1x2048xf32, #tpu.memory_space<hbm>> -> memref<2048xf32, #tpu.memory_space<hbm>>
      tpu.wait_dma2 semaphore(%run_scoped3A : memref<!tpu.dma_semaphore, #tpu.memory_space<semaphore_mem>>) src(%dma_wait3A_17 : memref<2048xf32, #tpu.memory_space<hbm>>) dst(%arg10 : memref<2048xf32, #tpu.memory_space<vmem>>)
      tpu.yield
    }) : () -> ()
    "tpu.region"() ({
      %run_scoped3A = tpu.sem_alloc : memref<!tpu.dma_semaphore, #tpu.memory_space<semaphore_mem>>
      %dma_start3A = arith.constant 0 : i32
      %dma_start3A_8 = tpu.memref_slice %arg3[%add3A, %dma_start3A] : memref<32x2048xf32, #tpu.memory_space<hbm>> -> memref<1x2048xf32, #tpu.memory_space<hbm>>
      %dma_start3A_9 = tpu.memref_squeeze %dma_start3A_8 : memref<1x2048xf32, #tpu.memory_space<hbm>> -> memref<2048xf32, #tpu.memory_space<hbm>>
      %dma_start3A_10 = arith.constant 0 : i32
      %dma_start3A_11 = tpu.memref_slice %arg3[%add3A, %dma_start3A_10] : memref<32x2048xf32, #tpu.memory_space<hbm>> -> memref<1x2048xf32, #tpu.memory_space<hbm>>
      %dma_start3A_12 = tpu.memref_squeeze %dma_start3A_11 : memref<1x2048xf32, #tpu.memory_space<hbm>> -> memref<2048xf32, #tpu.memory_space<hbm>>
      tpu.enqueue_dma source(%dma_start3A_12 : memref<2048xf32, #tpu.memory_space<hbm>>) target(%arg11 : memref<2048xf32, #tpu.memory_space<vmem>>) target_semaphore(%run_scoped3A : memref<!tpu.dma_semaphore, #tpu.memory_space<semaphore_mem>>)
      %dma_wait3A = arith.constant 0 : i32
      %dma_wait3A_13 = tpu.memref_slice %arg3[%add3A, %dma_wait3A] : memref<32x2048xf32, #tpu.memory_space<hbm>> -> memref<1x2048xf32, #tpu.memory_space<hbm>>
      %dma_wait3A_14 = tpu.memref_squeeze %dma_wait3A_13 : memref<1x2048xf32, #tpu.memory_space<hbm>> -> memref<2048xf32, #tpu.memory_space<hbm>>
      %dma_wait3A_15 = arith.constant 0 : i32
      %dma_wait3A_16 = tpu.memref_slice %arg3[%add3A, %dma_wait3A_15] : memref<32x2048xf32, #tpu.memory_space<hbm>> -> memref<1x2048xf32, #tpu.memory_space<hbm>>
      %dma_wait3A_17 = tpu.memref_squeeze %dma_wait3A_16 : memref<1x2048xf32, #tpu.memory_space<hbm>> -> memref<2048xf32, #tpu.memory_space<hbm>>
      tpu.wait_dma2 semaphore(%run_scoped3A : memref<!tpu.dma_semaphore, #tpu.memory_space<semaphore_mem>>) src(%dma_wait3A_17 : memref<2048xf32, #tpu.memory_space<hbm>>) dst(%arg11 : memref<2048xf32, #tpu.memory_space<vmem>>)
      tpu.yield
    }) : () -> ()
    "tpu.region"() ({
      %run_scoped3A = tpu.sem_alloc : memref<!tpu.dma_semaphore, #tpu.memory_space<semaphore_mem>>
      %dma_start3A = arith.constant 0 : i32
      %dma_start3A_8 = tpu.memref_slice %arg4[%add3A, %dma_start3A] : memref<32x2048xf32, #tpu.memory_space<hbm>> -> memref<1x2048xf32, #tpu.memory_space<hbm>>
      %dma_start3A_9 = tpu.memref_squeeze %dma_start3A_8 : memref<1x2048xf32, #tpu.memory_space<hbm>> -> memref<2048xf32, #tpu.memory_space<hbm>>
      %dma_start3A_10 = arith.constant 0 : i32
      %dma_start3A_11 = tpu.memref_slice %arg4[%add3A, %dma_start3A_10] : memref<32x2048xf32, #tpu.memory_space<hbm>> -> memref<1x2048xf32, #tpu.memory_space<hbm>>
      %dma_start3A_12 = tpu.memref_squeeze %dma_start3A_11 : memref<1x2048xf32, #tpu.memory_space<hbm>> -> memref<2048xf32, #tpu.memory_space<hbm>>
      tpu.enqueue_dma source(%dma_start3A_12 : memref<2048xf32, #tpu.memory_space<hbm>>) target(%arg12 : memref<2048xf32, #tpu.memory_space<vmem>>) target_semaphore(%run_scoped3A : memref<!tpu.dma_semaphore, #tpu.memory_space<semaphore_mem>>)
      %dma_wait3A = arith.constant 0 : i32
      %dma_wait3A_13 = tpu.memref_slice %arg4[%add3A, %dma_wait3A] : memref<32x2048xf32, #tpu.memory_space<hbm>> -> memref<1x2048xf32, #tpu.memory_space<hbm>>
      %dma_wait3A_14 = tpu.memref_squeeze %dma_wait3A_13 : memref<1x2048xf32, #tpu.memory_space<hbm>> -> memref<2048xf32, #tpu.memory_space<hbm>>
      %dma_wait3A_15 = arith.constant 0 : i32
      %dma_wait3A_16 = tpu.memref_slice %arg4[%add3A, %dma_wait3A_15] : memref<32x2048xf32, #tpu.memory_space<hbm>> -> memref<1x2048xf32, #tpu.memory_space<hbm>>
      %dma_wait3A_17 = tpu.memref_squeeze %dma_wait3A_16 : memref<1x2048xf32, #tpu.memory_space<hbm>> -> memref<2048xf32, #tpu.memory_space<hbm>>
      tpu.wait_dma2 semaphore(%run_scoped3A : memref<!tpu.dma_semaphore, #tpu.memory_space<semaphore_mem>>) src(%dma_wait3A_17 : memref<2048xf32, #tpu.memory_space<hbm>>) dst(%arg12 : memref<2048xf32, #tpu.memory_space<vmem>>)
      tpu.yield
    }) : () -> ()
    "tpu.region"() ({
      %run_scoped3A = tpu.sem_alloc : memref<!tpu.dma_semaphore, #tpu.memory_space<semaphore_mem>>
      %dma_start3A = arith.constant 0 : i32
      %dma_start3A_8 = tpu.memref_slice %arg5[%add3A, %dma_start3A] : memref<32x2048xf32, #tpu.memory_space<hbm>> -> memref<1x2048xf32, #tpu.memory_space<hbm>>
      %dma_start3A_9 = tpu.memref_squeeze %dma_start3A_8 : memref<1x2048xf32, #tpu.memory_space<hbm>> -> memref<2048xf32, #tpu.memory_space<hbm>>
      %dma_start3A_10 = arith.constant 0 : i32
      %dma_start3A_11 = tpu.memref_slice %arg5[%add3A, %dma_start3A_10] : memref<32x2048xf32, #tpu.memory_space<hbm>> -> memref<1x2048xf32, #tpu.memory_space<hbm>>
      %dma_start3A_12 = tpu.memref_squeeze %dma_start3A_11 : memref<1x2048xf32, #tpu.memory_space<hbm>> -> memref<2048xf32, #tpu.memory_space<hbm>>
      tpu.enqueue_dma source(%dma_start3A_12 : memref<2048xf32, #tpu.memory_space<hbm>>) target(%arg13 : memref<2048xf32, #tpu.memory_space<vmem>>) target_semaphore(%run_scoped3A : memref<!tpu.dma_semaphore, #tpu.memory_space<semaphore_mem>>)
      %dma_wait3A = arith.constant 0 : i32
      %dma_wait3A_13 = tpu.memref_slice %arg5[%add3A, %dma_wait3A] : memref<32x2048xf32, #tpu.memory_space<hbm>> -> memref<1x2048xf32, #tpu.memory_space<hbm>>
      %dma_wait3A_14 = tpu.memref_squeeze %dma_wait3A_13 : memref<1x2048xf32, #tpu.memory_space<hbm>> -> memref<2048xf32, #tpu.memory_space<hbm>>
      %dma_wait3A_15 = arith.constant 0 : i32
      %dma_wait3A_16 = tpu.memref_slice %arg5[%add3A, %dma_wait3A_15] : memref<32x2048xf32, #tpu.memory_space<hbm>> -> memref<1x2048xf32, #tpu.memory_space<hbm>>
      %dma_wait3A_17 = tpu.memref_squeeze %dma_wait3A_16 : memref<1x2048xf32, #tpu.memory_space<hbm>> -> memref<2048xf32, #tpu.memory_space<hbm>>
      tpu.wait_dma2 semaphore(%run_scoped3A : memref<!tpu.dma_semaphore, #tpu.memory_space<semaphore_mem>>) src(%dma_wait3A_17 : memref<2048xf32, #tpu.memory_space<hbm>>) dst(%arg13 : memref<2048xf32, #tpu.memory_space<vmem>>)
      tpu.yield
    }) : () -> ()
    "tpu.region"() ({
      %run_scoped3A = tpu.sem_alloc : memref<!tpu.dma_semaphore, #tpu.memory_space<semaphore_mem>>
      %dma_start3A = arith.constant 0 : i32
      %dma_start3A_8 = tpu.memref_slice %arg6[%add3A, %dma_start3A] : memref<32x32768xf32, #tpu.memory_space<hbm>> -> memref<1x32768xf32, #tpu.memory_space<hbm>>
      %dma_start3A_9 = tpu.memref_squeeze %dma_start3A_8 : memref<1x32768xf32, #tpu.memory_space<hbm>> -> memref<32768xf32, #tpu.memory_space<hbm>>
      %dma_start3A_10 = arith.constant 0 : i32
      %dma_start3A_11 = tpu.memref_slice %arg6[%add3A, %dma_start3A_10] : memref<32x32768xf32, #tpu.memory_space<hbm>> -> memref<1x32768xf32, #tpu.memory_space<hbm>>
      %dma_start3A_12 = tpu.memref_squeeze %dma_start3A_11 : memref<1x32768xf32, #tpu.memory_space<hbm>> -> memref<32768xf32, #tpu.memory_space<hbm>>
      tpu.enqueue_dma source(%dma_start3A_12 : memref<32768xf32, #tpu.memory_space<hbm>>) target(%arg14 : memref<32768xf32, #tpu.memory_space<vmem>>) target_semaphore(%run_scoped3A : memref<!tpu.dma_semaphore, #tpu.memory_space<semaphore_mem>>)
      %dma_wait3A = arith.constant 0 : i32
      %dma_wait3A_13 = tpu.memref_slice %arg6[%add3A, %dma_wait3A] : memref<32x32768xf32, #tpu.memory_space<hbm>> -> memref<1x32768xf32, #tpu.memory_space<hbm>>
      %dma_wait3A_14 = tpu.memref_squeeze %dma_wait3A_13 : memref<1x32768xf32, #tpu.memory_space<hbm>> -> memref<32768xf32, #tpu.memory_space<hbm>>
      %dma_wait3A_15 = arith.constant 0 : i32
      %dma_wait3A_16 = tpu.memref_slice %arg6[%add3A, %dma_wait3A_15] : memref<32x32768xf32, #tpu.memory_space<hbm>> -> memref<1x32768xf32, #tpu.memory_space<hbm>>
      %dma_wait3A_17 = tpu.memref_squeeze %dma_wait3A_16 : memref<1x32768xf32, #tpu.memory_space<hbm>> -> memref<32768xf32, #tpu.memory_space<hbm>>
      tpu.wait_dma2 semaphore(%run_scoped3A : memref<!tpu.dma_semaphore, #tpu.memory_space<semaphore_mem>>) src(%dma_wait3A_17 : memref<32768xf32, #tpu.memory_space<hbm>>) dst(%arg14 : memref<32768xf32, #tpu.memory_space<vmem>>)
      tpu.yield
    }) : () -> ()
    "tpu.region"() ({
      %run_scoped3A = tpu.sem_alloc : memref<!tpu.dma_semaphore, #tpu.memory_space<semaphore_mem>>
      %dma_start3A = arith.constant 0 : i32
      %dma_start3A_8 = tpu.memref_slice %arg7[%add3A, %dma_start3A] : memref<32x32768xf32, #tpu.memory_space<hbm>> -> memref<1x32768xf32, #tpu.memory_space<hbm>>
      %dma_start3A_9 = tpu.memref_squeeze %dma_start3A_8 : memref<1x32768xf32, #tpu.memory_space<hbm>> -> memref<32768xf32, #tpu.memory_space<hbm>>
      %dma_start3A_10 = arith.constant 0 : i32
      %dma_start3A_11 = tpu.memref_slice %arg7[%add3A, %dma_start3A_10] : memref<32x32768xf32, #tpu.memory_space<hbm>> -> memref<1x32768xf32, #tpu.memory_space<hbm>>
      %dma_start3A_12 = tpu.memref_squeeze %dma_start3A_11 : memref<1x32768xf32, #tpu.memory_space<hbm>> -> memref<32768xf32, #tpu.memory_space<hbm>>
      tpu.enqueue_dma source(%dma_start3A_12 : memref<32768xf32, #tpu.memory_space<hbm>>) target(%arg15 : memref<32768xf32, #tpu.memory_space<vmem>>) target_semaphore(%run_scoped3A : memref<!tpu.dma_semaphore, #tpu.memory_space<semaphore_mem>>)
      %dma_wait3A = arith.constant 0 : i32
      %dma_wait3A_13 = tpu.memref_slice %arg7[%add3A, %dma_wait3A] : memref<32x32768xf32, #tpu.memory_space<hbm>> -> memref<1x32768xf32, #tpu.memory_space<hbm>>
      %dma_wait3A_14 = tpu.memref_squeeze %dma_wait3A_13 : memref<1x32768xf32, #tpu.memory_space<hbm>> -> memref<32768xf32, #tpu.memory_space<hbm>>
      %dma_wait3A_15 = arith.constant 0 : i32
      %dma_wait3A_16 = tpu.memref_slice %arg7[%add3A, %dma_wait3A_15] : memref<32x32768xf32, #tpu.memory_space<hbm>> -> memref<1x32768xf32, #tpu.memory_space<hbm>>
      %dma_wait3A_17 = tpu.memref_squeeze %dma_wait3A_16 : memref<1x32768xf32, #tpu.memory_space<hbm>> -> memref<32768xf32, #tpu.memory_space<hbm>>
      tpu.wait_dma2 semaphore(%run_scoped3A : memref<!tpu.dma_semaphore, #tpu.memory_space<semaphore_mem>>) src(%dma_wait3A_17 : memref<32768xf32, #tpu.memory_space<hbm>>) dst(%arg15 : memref<32768xf32, #tpu.memory_space<vmem>>)
      tpu.yield
    }) : () -> ()
    %broadcast_in_dim3A = arith.constant 0.000000e+00 : f32
    %broadcast_in_dim3A_1 = vector.broadcast %broadcast_in_dim3A : f32 to vector<16xf32>
    %scan3A = arith.constant 0 : i32
    %scan3A_2 = arith.constant 0 : i32
    %scan3A_3 = arith.constant 128 : i32
    %scan3A_4 = arith.addi %scan3A_2, %scan3A_3 : i32
    %scan3A_5 = arith.constant 1 : i32
    %scan3A_6 = scf.for %scan3A_8 = %scan3A_2 to %scan3A_4 step %scan3A_5 iter_args(%scan3A_9 = %scan3A) -> (i32)  : i32 {
      %mul3A_10 = arith.constant 16 : i32
      %mul3A_11 = arith.muli %scan3A_8, %mul3A_10 : i32
      %get3A = arith.index_cast %mul3A_11 : i32 to index
      %get3A_12 = tpu.vector_load %arg10[%get3A] {strides = array<i32>} : memref<2048xf32, #tpu.memory_space<vmem>>, vector<16xf32>,
      %get3A_13 = vector.shape_cast %get3A_12 : vector<16xf32> to vector<16xf32>
      %mul3A_14 = arith.constant 16 : i32
      %mul3A_15 = arith.muli %scan3A_8, %mul3A_14 : i32
      %get3A_16 = arith.index_cast %mul3A_15 : i32 to index
      %get3A_17 = tpu.vector_load %arg11[%get3A_16] {strides = array<i32>} : memref<2048xf32, #tpu.memory_space<vmem>>, vector<16xf32>,
      %get3A_18 = vector.shape_cast %get3A_17 : vector<16xf32> to vector<16xf32>
      %while3A = arith.constant 0 : i32
      %while3A_19 = arith.subi %scan3A_8, %while3A : i32
      %while3A_20 = arith.addi %while3A, %while3A_19 : i32
      %while3A_21 = arith.constant 1 : i32
      %while3A_22 = arith.divsi %while3A_19, %while3A_21 : i32
      %while3A_23 = arith.muli %while3A_22, %while3A_21 : i32
      %while3A_24 = arith.addi %while3A, %while3A_23 : i32
      %while3A_25 = arith.constant 1 : i32
      %while3A_26:3 = scf.for %while3A_893 = %while3A to %while3A_24 step %while3A_25 iter_args(%while3A_894 = %broadcast_in_dim3A_1, %while3A_895 = %broadcast_in_dim3A_1, %while3A_896 = %broadcast_in_dim3A_1) -> (vector<16xf32>, vector<16xf32>, vector<16xf32>)  : i32 {
        %mul3A_897 = arith.constant 16 : i32
        %mul3A_898 = arith.muli %while3A_893, %mul3A_897 : i32
        %get3A_899 = arith.index_cast %mul3A_898 : i32 to index
        %get3A_900 = tpu.vector_load %arg12[%get3A_899] {strides = array<i32>} : memref<2048xf32, #tpu.memory_space<vmem>>, vector<16xf32>,
        %get3A_901 = vector.shape_cast %get3A_900 : vector<16xf32> to vector<16xf32>
        %mul3A_902 = arith.constant 16 : i32
        %mul3A_903 = arith.muli %while3A_893, %mul3A_902 : i32
        %get3A_904 = arith.index_cast %mul3A_903 : i32 to index
        %get3A_905 = tpu.vector_load %arg13[%get3A_904] {strides = array<i32>} : memref<2048xf32, #tpu.memory_space<vmem>>, vector<16xf32>,
        %get3A_906 = vector.shape_cast %get3A_905 : vector<16xf32> to vector<16xf32>
        %mul3A_907 = arith.constant 256 : i32
        %mul3A_908 = arith.muli %while3A_893, %mul3A_907 : i32
        %add3A_909 = arith.constant 0 : i32
        %add3A_910 = arith.addi %mul3A_908, %add3A_909 : i32
        %get3A_911 = arith.index_cast %add3A_910 : i32 to index
        %get3A_912 = tpu.vector_load %arg14[%get3A_911] {strides = array<i32>} : memref<32768xf32, #tpu.memory_space<vmem>>, vector<16xf32>,
        %get3A_913 = vector.shape_cast %get3A_912 : vector<16xf32> to vector<16xf32>
        %mul3A_914 = arith.constant 256 : i32
        %mul3A_915 = arith.muli %while3A_893, %mul3A_914 : i32
        %add3A_916 = arith.constant 0 : i32
        %add3A_917 = arith.addi %mul3A_915, %add3A_916 : i32
        %get3A_918 = arith.index_cast %add3A_917 : i32 to index
        %get3A_919 = tpu.vector_load %arg15[%get3A_918] {strides = array<i32>} : memref<32768xf32, #tpu.memory_space<vmem>>, vector<16xf32>,
        %get3A_920 = vector.shape_cast %get3A_919 : vector<16xf32> to vector<16xf32>
        %broadcast_in_dim3A_921 = arith.constant 0 : i32
        %broadcast_in_dim3A_922 = vector.broadcast %broadcast_in_dim3A_921 : i32 to vector<16xi32>
        %broadcast_in_dim3A_923 = vector.shape_cast %broadcast_in_dim3A_922 : vector<16xi32> to vector<16x1xi32>
        %gather3A_924 = vector.shape_cast %broadcast_in_dim3A_923 : vector<16x1xi32> to vector<16xi32>
        %gather3A_925 = tpu.dynamic_gather %get3A_901[%gather3A_924] in [0] : vector<16xf32>, vector<16xi32> -> vector<16xf32>
        %broadcast_in_dim3A_926 = arith.constant 0 : i32
        %broadcast_in_dim3A_927 = vector.broadcast %broadcast_in_dim3A_926 : i32 to vector<16xi32>
        %broadcast_in_dim3A_928 = vector.shape_cast %broadcast_in_dim3A_927 : vector<16xi32> to vector<16x1xi32>
        %gather3A_929 = vector.shape_cast %broadcast_in_dim3A_928 : vector<16x1xi32> to vector<16xi32>
        %gather3A_930 = tpu.dynamic_gather %get3A_906[%gather3A_929] in [0] : vector<16xf32>, vector<16xi32> -> vector<16xf32>
        %mul3A_931 = arith.mulf %get3A_13, %gather3A_925 : vector<16xf32>
        %mul3A_932 = arith.mulf %get3A_18, %gather3A_930 : vector<16xf32>
        %add3A_933 = arith.addf %mul3A_931, %mul3A_932 : vector<16xf32>
        %mul3A_934 = arith.mulf %add3A_933, %add3A_933 : vector<16xf32>
        %mul3A_935 = arith.constant 3.7037037E-4 : f32
        %mul3A_936 = vector.broadcast %mul3A_935 : f32 to vector<16xf32>
        %mul3A_937 = arith.mulf %mul3A_934, %mul3A_936 : vector<16xf32>
        %sub3A_938 = arith.constant 1.000000e+00 : f32
        %sub3A_939 = vector.broadcast %sub3A_938 : f32 to vector<16xf32>
        %sub3A_940 = arith.subf %sub3A_939, %mul3A_937 : vector<16xf32>
        %mul3A_941 = arith.mulf %add3A_933, %sub3A_940 : vector<16xf32>
        %exp3A_942 = math.exp %mul3A_941 : vector<16xf32>
        %add3A_943 = arith.addf %while3A_894, %exp3A_942 : vector<16xf32>
        %mul3A_944 = arith.mulf %exp3A_942, %get3A_913 : vector<16xf32>
        %add3A_945 = arith.addf %while3A_895, %mul3A_944 : vector<16xf32>
        %mul3A_946 = arith.mulf %exp3A_942, %get3A_920 : vector<16xf32>
        %add3A_947 = arith.addf %while3A_896, %mul3A_946 : vector<16xf32>
        %mul3A_948 = arith.constant 256 : i32
        %mul3A_949 = arith.muli %while3A_893, %mul3A_948 : i32
        %add3A_950 = arith.constant 16 : i32
        %add3A_951 = arith.addi %mul3A_949, %add3A_950 : i32
        %get3A_952 = arith.index_cast %add3A_951 : i32 to index
        %get3A_953 = tpu.vector_load %arg14[%get3A_952] {strides = array<i32>} : memref<32768xf32, #tpu.memory_space<vmem>>, vector<16xf32>,
        %get3A_954 = vector.shape_cast %get3A_953 : vector<16xf32> to vector<16xf32>
        %mul3A_955 = arith.constant 256 : i32
        %mul3A_956 = arith.muli %while3A_893, %mul3A_955 : i32
        %add3A_957 = arith.constant 16 : i32
        %add3A_958 = arith.addi %mul3A_956, %add3A_957 : i32
        %get3A_959 = arith.index_cast %add3A_958 : i32 to index
        %get3A_960 = tpu.vector_load %arg15[%get3A_959] {strides = array<i32>} : memref<32768xf32, #tpu.memory_space<vmem>>, vector<16xf32>,
        %get3A_961 = vector.shape_cast %get3A_960 : vector<16xf32> to vector<16xf32>
        %broadcast_in_dim3A_962 = arith.constant 1 : i32
        %broadcast_in_dim3A_963 = vector.broadcast %broadcast_in_dim3A_962 : i32 to vector<16xi32>
        %broadcast_in_dim3A_964 = vector.shape_cast %broadcast_in_dim3A_963 : vector<16xi32> to vector<16x1xi32>
        %gather3A_965 = vector.shape_cast %broadcast_in_dim3A_964 : vector<16x1xi32> to vector<16xi32>
        %gather3A_966 = tpu.dynamic_gather %get3A_901[%gather3A_965] in [0] : vector<16xf32>, vector<16xi32> -> vector<16xf32>
        %broadcast_in_dim3A_967 = arith.constant 1 : i32
        %broadcast_in_dim3A_968 = vector.broadcast %broadcast_in_dim3A_967 : i32 to vector<16xi32>
        %broadcast_in_dim3A_969 = vector.shape_cast %broadcast_in_dim3A_968 : vector<16xi32> to vector<16x1xi32>
        %gather3A_970 = vector.shape_cast %broadcast_in_dim3A_969 : vector<16x1xi32> to vector<16xi32>
        %gather3A_971 = tpu.dynamic_gather %get3A_906[%gather3A_970] in [0] : vector<16xf32>, vector<16xi32> -> vector<16xf32>
        %mul3A_972 = arith.mulf %get3A_13, %gather3A_966 : vector<16xf32>
        %mul3A_973 = arith.mulf %get3A_18, %gather3A_971 : vector<16xf32>
        %add3A_974 = arith.addf %mul3A_972, %mul3A_973 : vector<16xf32>
        %mul3A_975 = arith.mulf %add3A_974, %add3A_974 : vector<16xf32>
        %mul3A_976 = arith.constant 3.7037037E-4 : f32
        %mul3A_977 = vector.broadcast %mul3A_976 : f32 to vector<16xf32>
        %mul3A_978 = arith.mulf %mul3A_975, %mul3A_977 : vector<16xf32>
        %sub3A_979 = arith.constant 1.000000e+00 : f32
        %sub3A_980 = vector.broadcast %sub3A_979 : f32 to vector<16xf32>
        %sub3A_981 = arith.subf %sub3A_980, %mul3A_978 : vector<16xf32>
        %mul3A_982 = arith.mulf %add3A_974, %sub3A_981 : vector<16xf32>
        %exp3A_983 = math.exp %mul3A_982 : vector<16xf32>
        %add3A_984 = arith.addf %add3A_943, %exp3A_983 : vector<16xf32>
        %mul3A_985 = arith.mulf %exp3A_983, %get3A_954 : vector<16xf32>
        %add3A_986 = arith.addf %add3A_945, %mul3A_985 : vector<16xf32>
        %mul3A_987 = arith.mulf %exp3A_983, %get3A_961 : vector<16xf32>
        %add3A_988 = arith.addf %add3A_947, %mul3A_987 : vector<16xf32>
        %mul3A_989 = arith.constant 256 : i32
        %mul3A_990 = arith.muli %while3A_893, %mul3A_989 : i32
        %add3A_991 = arith.constant 32 : i32
        %add3A_992 = arith.addi %mul3A_990, %add3A_991 : i32
        %get3A_993 = arith.index_cast %add3A_992 : i32 to index
        %get3A_994 = tpu.vector_load %arg14[%get3A_993] {strides = array<i32>} : memref<32768xf32, #tpu.memory_space<vmem>>, vector<16xf32>,
        %get3A_995 = vector.shape_cast %get3A_994 : vector<16xf32> to vector<16xf32>
        %mul3A_996 = arith.constant 256 : i32
        %mul3A_997 = arith.muli %while3A_893, %mul3A_996 : i32
        %add3A_998 = arith.constant 32 : i32
        %add3A_999 = arith.addi %mul3A_997, %add3A_998 : i32
        %get3A_1000 = arith.index_cast %add3A_999 : i32 to index
        %get3A_1001 = tpu.vector_load %arg15[%get3A_1000] {strides = array<i32>} : memref<32768xf32, #tpu.memory_space<vmem>>, vector<16xf32>,
        %get3A_1002 = vector.shape_cast %get3A_1001 : vector<16xf32> to vector<16xf32>
        %broadcast_in_dim3A_1003 = arith.constant 2 : i32
        %broadcast_in_dim3A_1004 = vector.broadcast %broadcast_in_dim3A_1003 : i32 to vector<16xi32>
        %broadcast_in_dim3A_1005 = vector.shape_cast %broadcast_in_dim3A_1004 : vector<16xi32> to vector<16x1xi32>
        %gather3A_1006 = vector.shape_cast %broadcast_in_dim3A_1005 : vector<16x1xi32> to vector<16xi32>
        %gather3A_1007 = tpu.dynamic_gather %get3A_901[%gather3A_1006] in [0] : vector<16xf32>, vector<16xi32> -> vector<16xf32>
        %broadcast_in_dim3A_1008 = arith.constant 2 : i32
        %broadcast_in_dim3A_1009 = vector.broadcast %broadcast_in_dim3A_1008 : i32 to vector<16xi32>
        %broadcast_in_dim3A_1010 = vector.shape_cast %broadcast_in_dim3A_1009 : vector<16xi32> to vector<16x1xi32>
        %gather3A_1011 = vector.shape_cast %broadcast_in_dim3A_1010 : vector<16x1xi32> to vector<16xi32>
        %gather3A_1012 = tpu.dynamic_gather %get3A_906[%gather3A_1011] in [0] : vector<16xf32>, vector<16xi32> -> vector<16xf32>
        %mul3A_1013 = arith.mulf %get3A_13, %gather3A_1007 : vector<16xf32>
        %mul3A_1014 = arith.mulf %get3A_18, %gather3A_1012 : vector<16xf32>
        %add3A_1015 = arith.addf %mul3A_1013, %mul3A_1014 : vector<16xf32>
        %mul3A_1016 = arith.mulf %add3A_1015, %add3A_1015 : vector<16xf32>
        %mul3A_1017 = arith.constant 3.7037037E-4 : f32
        %mul3A_1018 = vector.broadcast %mul3A_1017 : f32 to vector<16xf32>
        %mul3A_1019 = arith.mulf %mul3A_1016, %mul3A_1018 : vector<16xf32>
        %sub3A_1020 = arith.constant 1.000000e+00 : f32
        %sub3A_1021 = vector.broadcast %sub3A_1020 : f32 to vector<16xf32>
        %sub3A_1022 = arith.subf %sub3A_1021, %mul3A_1019 : vector<16xf32>
        %mul3A_1023 = arith.mulf %add3A_1015, %sub3A_1022 : vector<16xf32>
        %exp3A_1024 = math.exp %mul3A_1023 : vector<16xf32>
        %add3A_1025 = arith.addf %add3A_984, %exp3A_1024 : vector<16xf32>
        %mul3A_1026 = arith.mulf %exp3A_1024, %get3A_995 : vector<16xf32>
        %add3A_1027 = arith.addf %add3A_986, %mul3A_1026 : vector<16xf32>
        %mul3A_1028 = arith.mulf %exp3A_1024, %get3A_1002 : vector<16xf32>
        %add3A_1029 = arith.addf %add3A_988, %mul3A_1028 : vector<16xf32>
        %mul3A_1030 = arith.constant 256 : i32
        %mul3A_1031 = arith.muli %while3A_893, %mul3A_1030 : i32
        %add3A_1032 = arith.constant 48 : i32
        %add3A_1033 = arith.addi %mul3A_1031, %add3A_1032 : i32
        %get3A_1034 = arith.index_cast %add3A_1033 : i32 to index
        %get3A_1035 = tpu.vector_load %arg14[%get3A_1034] {strides = array<i32>} : memref<32768xf32, #tpu.memory_space<vmem>>, vector<16xf32>,
        %get3A_1036 = vector.shape_cast %get3A_1035 : vector<16xf32> to vector<16xf32>
        %mul3A_1037 = arith.constant 256 : i32
        %mul3A_1038 = arith.muli %while3A_893, %mul3A_1037 : i32
        %add3A_1039 = arith.constant 48 : i32
        %add3A_1040 = arith.addi %mul3A_1038, %add3A_1039 : i32
        %get3A_1041 = arith.index_cast %add3A_1040 : i32 to index
        %get3A_1042 = tpu.vector_load %arg15[%get3A_1041] {strides = array<i32>} : memref<32768xf32, #tpu.memory_space<vmem>>, vector<16xf32>,
        %get3A_1043 = vector.shape_cast %get3A_1042 : vector<16xf32> to vector<16xf32>
        %broadcast_in_dim3A_1044 = arith.constant 3 : i32
        %broadcast_in_dim3A_1045 = vector.broadcast %broadcast_in_dim3A_1044 : i32 to vector<16xi32>
        %broadcast_in_dim3A_1046 = vector.shape_cast %broadcast_in_dim3A_1045 : vector<16xi32> to vector<16x1xi32>
        %gather3A_1047 = vector.shape_cast %broadcast_in_dim3A_1046 : vector<16x1xi32> to vector<16xi32>
        %gather3A_1048 = tpu.dynamic_gather %get3A_901[%gather3A_1047] in [0] : vector<16xf32>, vector<16xi32> -> vector<16xf32>
        %broadcast_in_dim3A_1049 = arith.constant 3 : i32
        %broadcast_in_dim3A_1050 = vector.broadcast %broadcast_in_dim3A_1049 : i32 to vector<16xi32>
        %broadcast_in_dim3A_1051 = vector.shape_cast %broadcast_in_dim3A_1050 : vector<16xi32> to vector<16x1xi32>
        %gather3A_1052 = vector.shape_cast %broadcast_in_dim3A_1051 : vector<16x1xi32> to vector<16xi32>
        %gather3A_1053 = tpu.dynamic_gather %get3A_906[%gather3A_1052] in [0] : vector<16xf32>, vector<16xi32> -> vector<16xf32>
        %mul3A_1054 = arith.mulf %get3A_13, %gather3A_1048 : vector<16xf32>
        %mul3A_1055 = arith.mulf %get3A_18, %gather3A_1053 : vector<16xf32>
        %add3A_1056 = arith.addf %mul3A_1054, %mul3A_1055 : vector<16xf32>
        %mul3A_1057 = arith.mulf %add3A_1056, %add3A_1056 : vector<16xf32>
        %mul3A_1058 = arith.constant 3.7037037E-4 : f32
        %mul3A_1059 = vector.broadcast %mul3A_1058 : f32 to vector<16xf32>
        %mul3A_1060 = arith.mulf %mul3A_1057, %mul3A_1059 : vector<16xf32>
        %sub3A_1061 = arith.constant 1.000000e+00 : f32
        %sub3A_1062 = vector.broadcast %sub3A_1061 : f32 to vector<16xf32>
        %sub3A_1063 = arith.subf %sub3A_1062, %mul3A_1060 : vector<16xf32>
        %mul3A_1064 = arith.mulf %add3A_1056, %sub3A_1063 : vector<16xf32>
        %exp3A_1065 = math.exp %mul3A_1064 : vector<16xf32>
        %add3A_1066 = arith.addf %add3A_1025, %exp3A_1065 : vector<16xf32>
        %mul3A_1067 = arith.mulf %exp3A_1065, %get3A_1036 : vector<16xf32>
        %add3A_1068 = arith.addf %add3A_1027, %mul3A_1067 : vector<16xf32>
        %mul3A_1069 = arith.mulf %exp3A_1065, %get3A_1043 : vector<16xf32>
        %add3A_1070 = arith.addf %add3A_1029, %mul3A_1069 : vector<16xf32>
        %mul3A_1071 = arith.constant 256 : i32
        %mul3A_1072 = arith.muli %while3A_893, %mul3A_1071 : i32
        %add3A_1073 = arith.constant 64 : i32
        %add3A_1074 = arith.addi %mul3A_1072, %add3A_1073 : i32
        %get3A_1075 = arith.index_cast %add3A_1074 : i32 to index
        %get3A_1076 = tpu.vector_load %arg14[%get3A_1075] {strides = array<i32>} : memref<32768xf32, #tpu.memory_space<vmem>>, vector<16xf32>,
        %get3A_1077 = vector.shape_cast %get3A_1076 : vector<16xf32> to vector<16xf32>
        %mul3A_1078 = arith.constant 256 : i32
        %mul3A_1079 = arith.muli %while3A_893, %mul3A_1078 : i32
        %add3A_1080 = arith.constant 64 : i32
        %add3A_1081 = arith.addi %mul3A_1079, %add3A_1080 : i32
        %get3A_1082 = arith.index_cast %add3A_1081 : i32 to index
        %get3A_1083 = tpu.vector_load %arg15[%get3A_1082] {strides = array<i32>} : memref<32768xf32, #tpu.memory_space<vmem>>, vector<16xf32>,
        %get3A_1084 = vector.shape_cast %get3A_1083 : vector<16xf32> to vector<16xf32>
        %broadcast_in_dim3A_1085 = arith.constant 4 : i32
        %broadcast_in_dim3A_1086 = vector.broadcast %broadcast_in_dim3A_1085 : i32 to vector<16xi32>
        %broadcast_in_dim3A_1087 = vector.shape_cast %broadcast_in_dim3A_1086 : vector<16xi32> to vector<16x1xi32>
        %gather3A_1088 = vector.shape_cast %broadcast_in_dim3A_1087 : vector<16x1xi32> to vector<16xi32>
        %gather3A_1089 = tpu.dynamic_gather %get3A_901[%gather3A_1088] in [0] : vector<16xf32>, vector<16xi32> -> vector<16xf32>
        %broadcast_in_dim3A_1090 = arith.constant 4 : i32
        %broadcast_in_dim3A_1091 = vector.broadcast %broadcast_in_dim3A_1090 : i32 to vector<16xi32>
        %broadcast_in_dim3A_1092 = vector.shape_cast %broadcast_in_dim3A_1091 : vector<16xi32> to vector<16x1xi32>
        %gather3A_1093 = vector.shape_cast %broadcast_in_dim3A_1092 : vector<16x1xi32> to vector<16xi32>
        %gather3A_1094 = tpu.dynamic_gather %get3A_906[%gather3A_1093] in [0] : vector<16xf32>, vector<16xi32> -> vector<16xf32>
        %mul3A_1095 = arith.mulf %get3A_13, %gather3A_1089 : vector<16xf32>
        %mul3A_1096 = arith.mulf %get3A_18, %gather3A_1094 : vector<16xf32>
        %add3A_1097 = arith.addf %mul3A_1095, %mul3A_1096 : vector<16xf32>
        %mul3A_1098 = arith.mulf %add3A_1097, %add3A_1097 : vector<16xf32>
        %mul3A_1099 = arith.constant 3.7037037E-4 : f32
        %mul3A_1100 = vector.broadcast %mul3A_1099 : f32 to vector<16xf32>
        %mul3A_1101 = arith.mulf %mul3A_1098, %mul3A_1100 : vector<16xf32>
        %sub3A_1102 = arith.constant 1.000000e+00 : f32
        %sub3A_1103 = vector.broadcast %sub3A_1102 : f32 to vector<16xf32>
        %sub3A_1104 = arith.subf %sub3A_1103, %mul3A_1101 : vector<16xf32>
        %mul3A_1105 = arith.mulf %add3A_1097, %sub3A_1104 : vector<16xf32>
        %exp3A_1106 = math.exp %mul3A_1105 : vector<16xf32>
        %add3A_1107 = arith.addf %add3A_1066, %exp3A_1106 : vector<16xf32>
        %mul3A_1108 = arith.mulf %exp3A_1106, %get3A_1077 : vector<16xf32>
        %add3A_1109 = arith.addf %add3A_1068, %mul3A_1108 : vector<16xf32>
        %mul3A_1110 = arith.mulf %exp3A_1106, %get3A_1084 : vector<16xf32>
        %add3A_1111 = arith.addf %add3A_1070, %mul3A_1110 : vector<16xf32>
        %mul3A_1112 = arith.constant 256 : i32
        %mul3A_1113 = arith.muli %while3A_893, %mul3A_1112 : i32
        %add3A_1114 = arith.constant 80 : i32
        %add3A_1115 = arith.addi %mul3A_1113, %add3A_1114 : i32
        %get3A_1116 = arith.index_cast %add3A_1115 : i32 to index
        %get3A_1117 = tpu.vector_load %arg14[%get3A_1116] {strides = array<i32>} : memref<32768xf32, #tpu.memory_space<vmem>>, vector<16xf32>,
        %get3A_1118 = vector.shape_cast %get3A_1117 : vector<16xf32> to vector<16xf32>
        %mul3A_1119 = arith.constant 256 : i32
        %mul3A_1120 = arith.muli %while3A_893, %mul3A_1119 : i32
        %add3A_1121 = arith.constant 80 : i32
        %add3A_1122 = arith.addi %mul3A_1120, %add3A_1121 : i32
        %get3A_1123 = arith.index_cast %add3A_1122 : i32 to index
        %get3A_1124 = tpu.vector_load %arg15[%get3A_1123] {strides = array<i32>} : memref<32768xf32, #tpu.memory_space<vmem>>, vector<16xf32>,
        %get3A_1125 = vector.shape_cast %get3A_1124 : vector<16xf32> to vector<16xf32>
        %broadcast_in_dim3A_1126 = arith.constant 5 : i32
        %broadcast_in_dim3A_1127 = vector.broadcast %broadcast_in_dim3A_1126 : i32 to vector<16xi32>
        %broadcast_in_dim3A_1128 = vector.shape_cast %broadcast_in_dim3A_1127 : vector<16xi32> to vector<16x1xi32>
        %gather3A_1129 = vector.shape_cast %broadcast_in_dim3A_1128 : vector<16x1xi32> to vector<16xi32>
        %gather3A_1130 = tpu.dynamic_gather %get3A_901[%gather3A_1129] in [0] : vector<16xf32>, vector<16xi32> -> vector<16xf32>
        %broadcast_in_dim3A_1131 = arith.constant 5 : i32
        %broadcast_in_dim3A_1132 = vector.broadcast %broadcast_in_dim3A_1131 : i32 to vector<16xi32>
        %broadcast_in_dim3A_1133 = vector.shape_cast %broadcast_in_dim3A_1132 : vector<16xi32> to vector<16x1xi32>
        %gather3A_1134 = vector.shape_cast %broadcast_in_dim3A_1133 : vector<16x1xi32> to vector<16xi32>
        %gather3A_1135 = tpu.dynamic_gather %get3A_906[%gather3A_1134] in [0] : vector<16xf32>, vector<16xi32> -> vector<16xf32>
        %mul3A_1136 = arith.mulf %get3A_13, %gather3A_1130 : vector<16xf32>
        %mul3A_1137 = arith.mulf %get3A_18, %gather3A_1135 : vector<16xf32>
        %add3A_1138 = arith.addf %mul3A_1136, %mul3A_1137 : vector<16xf32>
        %mul3A_1139 = arith.mulf %add3A_1138, %add3A_1138 : vector<16xf32>
        %mul3A_1140 = arith.constant 3.7037037E-4 : f32
        %mul3A_1141 = vector.broadcast %mul3A_1140 : f32 to vector<16xf32>
        %mul3A_1142 = arith.mulf %mul3A_1139, %mul3A_1141 : vector<16xf32>
        %sub3A_1143 = arith.constant 1.000000e+00 : f32
        %sub3A_1144 = vector.broadcast %sub3A_1143 : f32 to vector<16xf32>
        %sub3A_1145 = arith.subf %sub3A_1144, %mul3A_1142 : vector<16xf32>
        %mul3A_1146 = arith.mulf %add3A_1138, %sub3A_1145 : vector<16xf32>
        %exp3A_1147 = math.exp %mul3A_1146 : vector<16xf32>
        %add3A_1148 = arith.addf %add3A_1107, %exp3A_1147 : vector<16xf32>
        %mul3A_1149 = arith.mulf %exp3A_1147, %get3A_1118 : vector<16xf32>
        %add3A_1150 = arith.addf %add3A_1109, %mul3A_1149 : vector<16xf32>
        %mul3A_1151 = arith.mulf %exp3A_1147, %get3A_1125 : vector<16xf32>
        %add3A_1152 = arith.addf %add3A_1111, %mul3A_1151 : vector<16xf32>
        %mul3A_1153 = arith.constant 256 : i32
        %mul3A_1154 = arith.muli %while3A_893, %mul3A_1153 : i32
        %add3A_1155 = arith.constant 96 : i32
        %add3A_1156 = arith.addi %mul3A_1154, %add3A_1155 : i32
        %get3A_1157 = arith.index_cast %add3A_1156 : i32 to index
        %get3A_1158 = tpu.vector_load %arg14[%get3A_1157] {strides = array<i32>} : memref<32768xf32, #tpu.memory_space<vmem>>, vector<16xf32>,
        %get3A_1159 = vector.shape_cast %get3A_1158 : vector<16xf32> to vector<16xf32>
        %mul3A_1160 = arith.constant 256 : i32
        %mul3A_1161 = arith.muli %while3A_893, %mul3A_1160 : i32
        %add3A_1162 = arith.constant 96 : i32
        %add3A_1163 = arith.addi %mul3A_1161, %add3A_1162 : i32
        %get3A_1164 = arith.index_cast %add3A_1163 : i32 to index
        %get3A_1165 = tpu.vector_load %arg15[%get3A_1164] {strides = array<i32>} : memref<32768xf32, #tpu.memory_space<vmem>>, vector<16xf32>,
        %get3A_1166 = vector.shape_cast %get3A_1165 : vector<16xf32> to vector<16xf32>
        %broadcast_in_dim3A_1167 = arith.constant 6 : i32
        %broadcast_in_dim3A_1168 = vector.broadcast %broadcast_in_dim3A_1167 : i32 to vector<16xi32>
        %broadcast_in_dim3A_1169 = vector.shape_cast %broadcast_in_dim3A_1168 : vector<16xi32> to vector<16x1xi32>
        %gather3A_1170 = vector.shape_cast %broadcast_in_dim3A_1169 : vector<16x1xi32> to vector<16xi32>
        %gather3A_1171 = tpu.dynamic_gather %get3A_901[%gather3A_1170] in [0] : vector<16xf32>, vector<16xi32> -> vector<16xf32>
        %broadcast_in_dim3A_1172 = arith.constant 6 : i32
        %broadcast_in_dim3A_1173 = vector.broadcast %broadcast_in_dim3A_1172 : i32 to vector<16xi32>
        %broadcast_in_dim3A_1174 = vector.shape_cast %broadcast_in_dim3A_1173 : vector<16xi32> to vector<16x1xi32>
        %gather3A_1175 = vector.shape_cast %broadcast_in_dim3A_1174 : vector<16x1xi32> to vector<16xi32>
        %gather3A_1176 = tpu.dynamic_gather %get3A_906[%gather3A_1175] in [0] : vector<16xf32>, vector<16xi32> -> vector<16xf32>
        %mul3A_1177 = arith.mulf %get3A_13, %gather3A_1171 : vector<16xf32>
        %mul3A_1178 = arith.mulf %get3A_18, %gather3A_1176 : vector<16xf32>
        %add3A_1179 = arith.addf %mul3A_1177, %mul3A_1178 : vector<16xf32>
        %mul3A_1180 = arith.mulf %add3A_1179, %add3A_1179 : vector<16xf32>
        %mul3A_1181 = arith.constant 3.7037037E-4 : f32
        %mul3A_1182 = vector.broadcast %mul3A_1181 : f32 to vector<16xf32>
        %mul3A_1183 = arith.mulf %mul3A_1180, %mul3A_1182 : vector<16xf32>
        %sub3A_1184 = arith.constant 1.000000e+00 : f32
        %sub3A_1185 = vector.broadcast %sub3A_1184 : f32 to vector<16xf32>
        %sub3A_1186 = arith.subf %sub3A_1185, %mul3A_1183 : vector<16xf32>
        %mul3A_1187 = arith.mulf %add3A_1179, %sub3A_1186 : vector<16xf32>
        %exp3A_1188 = math.exp %mul3A_1187 : vector<16xf32>
        %add3A_1189 = arith.addf %add3A_1148, %exp3A_1188 : vector<16xf32>
        %mul3A_1190 = arith.mulf %exp3A_1188, %get3A_1159 : vector<16xf32>
        %add3A_1191 = arith.addf %add3A_1150, %mul3A_1190 : vector<16xf32>
        %mul3A_1192 = arith.mulf %exp3A_1188, %get3A_1166 : vector<16xf32>
        %add3A_1193 = arith.addf %add3A_1152, %mul3A_1192 : vector<16xf32>
        %mul3A_1194 = arith.constant 256 : i32
        %mul3A_1195 = arith.muli %while3A_893, %mul3A_1194 : i32
        %add3A_1196 = arith.constant 112 : i32
        %add3A_1197 = arith.addi %mul3A_1195, %add3A_1196 : i32
        %get3A_1198 = arith.index_cast %add3A_1197 : i32 to index
        %get3A_1199 = tpu.vector_load %arg14[%get3A_1198] {strides = array<i32>} : memref<32768xf32, #tpu.memory_space<vmem>>, vector<16xf32>,
        %get3A_1200 = vector.shape_cast %get3A_1199 : vector<16xf32> to vector<16xf32>
        %mul3A_1201 = arith.constant 256 : i32
        %mul3A_1202 = arith.muli %while3A_893, %mul3A_1201 : i32
        %add3A_1203 = arith.constant 112 : i32
        %add3A_1204 = arith.addi %mul3A_1202, %add3A_1203 : i32
        %get3A_1205 = arith.index_cast %add3A_1204 : i32 to index
        %get3A_1206 = tpu.vector_load %arg15[%get3A_1205] {strides = array<i32>} : memref<32768xf32, #tpu.memory_space<vmem>>, vector<16xf32>,
        %get3A_1207 = vector.shape_cast %get3A_1206 : vector<16xf32> to vector<16xf32>
        %broadcast_in_dim3A_1208 = arith.constant 7 : i32
        %broadcast_in_dim3A_1209 = vector.broadcast %broadcast_in_dim3A_1208 : i32 to vector<16xi32>
        %broadcast_in_dim3A_1210 = vector.shape_cast %broadcast_in_dim3A_1209 : vector<16xi32> to vector<16x1xi32>
        %gather3A_1211 = vector.shape_cast %broadcast_in_dim3A_1210 : vector<16x1xi32> to vector<16xi32>
        %gather3A_1212 = tpu.dynamic_gather %get3A_901[%gather3A_1211] in [0] : vector<16xf32>, vector<16xi32> -> vector<16xf32>
        %broadcast_in_dim3A_1213 = arith.constant 7 : i32
        %broadcast_in_dim3A_1214 = vector.broadcast %broadcast_in_dim3A_1213 : i32 to vector<16xi32>
        %broadcast_in_dim3A_1215 = vector.shape_cast %broadcast_in_dim3A_1214 : vector<16xi32> to vector<16x1xi32>
        %gather3A_1216 = vector.shape_cast %broadcast_in_dim3A_1215 : vector<16x1xi32> to vector<16xi32>
        %gather3A_1217 = tpu.dynamic_gather %get3A_906[%gather3A_1216] in [0] : vector<16xf32>, vector<16xi32> -> vector<16xf32>
        %mul3A_1218 = arith.mulf %get3A_13, %gather3A_1212 : vector<16xf32>
        %mul3A_1219 = arith.mulf %get3A_18, %gather3A_1217 : vector<16xf32>
        %add3A_1220 = arith.addf %mul3A_1218, %mul3A_1219 : vector<16xf32>
        %mul3A_1221 = arith.mulf %add3A_1220, %add3A_1220 : vector<16xf32>
        %mul3A_1222 = arith.constant 3.7037037E-4 : f32
        %mul3A_1223 = vector.broadcast %mul3A_1222 : f32 to vector<16xf32>
        %mul3A_1224 = arith.mulf %mul3A_1221, %mul3A_1223 : vector<16xf32>
        %sub3A_1225 = arith.constant 1.000000e+00 : f32
        %sub3A_1226 = vector.broadcast %sub3A_1225 : f32 to vector<16xf32>
        %sub3A_1227 = arith.subf %sub3A_1226, %mul3A_1224 : vector<16xf32>
        %mul3A_1228 = arith.mulf %add3A_1220, %sub3A_1227 : vector<16xf32>
        %exp3A_1229 = math.exp %mul3A_1228 : vector<16xf32>
        %add3A_1230 = arith.addf %add3A_1189, %exp3A_1229 : vector<16xf32>
        %mul3A_1231 = arith.mulf %exp3A_1229, %get3A_1200 : vector<16xf32>
        %add3A_1232 = arith.addf %add3A_1191, %mul3A_1231 : vector<16xf32>
        %mul3A_1233 = arith.mulf %exp3A_1229, %get3A_1207 : vector<16xf32>
        %add3A_1234 = arith.addf %add3A_1193, %mul3A_1233 : vector<16xf32>
        %mul3A_1235 = arith.constant 256 : i32
        %mul3A_1236 = arith.muli %while3A_893, %mul3A_1235 : i32
        %add3A_1237 = arith.constant 128 : i32
        %add3A_1238 = arith.addi %mul3A_1236, %add3A_1237 : i32
        %get3A_1239 = arith.index_cast %add3A_1238 : i32 to index
        %get3A_1240 = tpu.vector_load %arg14[%get3A_1239] {strides = array<i32>} : memref<32768xf32, #tpu.memory_space<vmem>>, vector<16xf32>,
        %get3A_1241 = vector.shape_cast %get3A_1240 : vector<16xf32> to vector<16xf32>
        %mul3A_1242 = arith.constant 256 : i32
        %mul3A_1243 = arith.muli %while3A_893, %mul3A_1242 : i32
        %add3A_1244 = arith.constant 128 : i32
        %add3A_1245 = arith.addi %mul3A_1243, %add3A_1244 : i32
        %get3A_1246 = arith.index_cast %add3A_1245 : i32 to index
        %get3A_1247 = tpu.vector_load %arg15[%get3A_1246] {strides = array<i32>} : memref<32768xf32, #tpu.memory_space<vmem>>, vector<16xf32>,
        %get3A_1248 = vector.shape_cast %get3A_1247 : vector<16xf32> to vector<16xf32>
        %broadcast_in_dim3A_1249 = arith.constant 8 : i32
        %broadcast_in_dim3A_1250 = vector.broadcast %broadcast_in_dim3A_1249 : i32 to vector<16xi32>
        %broadcast_in_dim3A_1251 = vector.shape_cast %broadcast_in_dim3A_1250 : vector<16xi32> to vector<16x1xi32>
        %gather3A_1252 = vector.shape_cast %broadcast_in_dim3A_1251 : vector<16x1xi32> to vector<16xi32>
        %gather3A_1253 = tpu.dynamic_gather %get3A_901[%gather3A_1252] in [0] : vector<16xf32>, vector<16xi32> -> vector<16xf32>
        %broadcast_in_dim3A_1254 = arith.constant 8 : i32
        %broadcast_in_dim3A_1255 = vector.broadcast %broadcast_in_dim3A_1254 : i32 to vector<16xi32>
        %broadcast_in_dim3A_1256 = vector.shape_cast %broadcast_in_dim3A_1255 : vector<16xi32> to vector<16x1xi32>
        %gather3A_1257 = vector.shape_cast %broadcast_in_dim3A_1256 : vector<16x1xi32> to vector<16xi32>
        %gather3A_1258 = tpu.dynamic_gather %get3A_906[%gather3A_1257] in [0] : vector<16xf32>, vector<16xi32> -> vector<16xf32>
        %mul3A_1259 = arith.mulf %get3A_13, %gather3A_1253 : vector<16xf32>
        %mul3A_1260 = arith.mulf %get3A_18, %gather3A_1258 : vector<16xf32>
        %add3A_1261 = arith.addf %mul3A_1259, %mul3A_1260 : vector<16xf32>
        %mul3A_1262 = arith.mulf %add3A_1261, %add3A_1261 : vector<16xf32>
        %mul3A_1263 = arith.constant 3.7037037E-4 : f32
        %mul3A_1264 = vector.broadcast %mul3A_1263 : f32 to vector<16xf32>
        %mul3A_1265 = arith.mulf %mul3A_1262, %mul3A_1264 : vector<16xf32>
        %sub3A_1266 = arith.constant 1.000000e+00 : f32
        %sub3A_1267 = vector.broadcast %sub3A_1266 : f32 to vector<16xf32>
        %sub3A_1268 = arith.subf %sub3A_1267, %mul3A_1265 : vector<16xf32>
        %mul3A_1269 = arith.mulf %add3A_1261, %sub3A_1268 : vector<16xf32>
        %exp3A_1270 = math.exp %mul3A_1269 : vector<16xf32>
        %add3A_1271 = arith.addf %add3A_1230, %exp3A_1270 : vector<16xf32>
        %mul3A_1272 = arith.mulf %exp3A_1270, %get3A_1241 : vector<16xf32>
        %add3A_1273 = arith.addf %add3A_1232, %mul3A_1272 : vector<16xf32>
        %mul3A_1274 = arith.mulf %exp3A_1270, %get3A_1248 : vector<16xf32>
        %add3A_1275 = arith.addf %add3A_1234, %mul3A_1274 : vector<16xf32>
        %mul3A_1276 = arith.constant 256 : i32
        %mul3A_1277 = arith.muli %while3A_893, %mul3A_1276 : i32
        %add3A_1278 = arith.constant 144 : i32
        %add3A_1279 = arith.addi %mul3A_1277, %add3A_1278 : i32
        %get3A_1280 = arith.index_cast %add3A_1279 : i32 to index
        %get3A_1281 = tpu.vector_load %arg14[%get3A_1280] {strides = array<i32>} : memref<32768xf32, #tpu.memory_space<vmem>>, vector<16xf32>,
        %get3A_1282 = vector.shape_cast %get3A_1281 : vector<16xf32> to vector<16xf32>
        %mul3A_1283 = arith.constant 256 : i32
        %mul3A_1284 = arith.muli %while3A_893, %mul3A_1283 : i32
        %add3A_1285 = arith.constant 144 : i32
        %add3A_1286 = arith.addi %mul3A_1284, %add3A_1285 : i32
        %get3A_1287 = arith.index_cast %add3A_1286 : i32 to index
        %get3A_1288 = tpu.vector_load %arg15[%get3A_1287] {strides = array<i32>} : memref<32768xf32, #tpu.memory_space<vmem>>, vector<16xf32>,
        %get3A_1289 = vector.shape_cast %get3A_1288 : vector<16xf32> to vector<16xf32>
        %broadcast_in_dim3A_1290 = arith.constant 9 : i32
        %broadcast_in_dim3A_1291 = vector.broadcast %broadcast_in_dim3A_1290 : i32 to vector<16xi32>
        %broadcast_in_dim3A_1292 = vector.shape_cast %broadcast_in_dim3A_1291 : vector<16xi32> to vector<16x1xi32>
        %gather3A_1293 = vector.shape_cast %broadcast_in_dim3A_1292 : vector<16x1xi32> to vector<16xi32>
        %gather3A_1294 = tpu.dynamic_gather %get3A_901[%gather3A_1293] in [0] : vector<16xf32>, vector<16xi32> -> vector<16xf32>
        %broadcast_in_dim3A_1295 = arith.constant 9 : i32
        %broadcast_in_dim3A_1296 = vector.broadcast %broadcast_in_dim3A_1295 : i32 to vector<16xi32>
        %broadcast_in_dim3A_1297 = vector.shape_cast %broadcast_in_dim3A_1296 : vector<16xi32> to vector<16x1xi32>
        %gather3A_1298 = vector.shape_cast %broadcast_in_dim3A_1297 : vector<16x1xi32> to vector<16xi32>
        %gather3A_1299 = tpu.dynamic_gather %get3A_906[%gather3A_1298] in [0] : vector<16xf32>, vector<16xi32> -> vector<16xf32>
        %mul3A_1300 = arith.mulf %get3A_13, %gather3A_1294 : vector<16xf32>
        %mul3A_1301 = arith.mulf %get3A_18, %gather3A_1299 : vector<16xf32>
        %add3A_1302 = arith.addf %mul3A_1300, %mul3A_1301 : vector<16xf32>
        %mul3A_1303 = arith.mulf %add3A_1302, %add3A_1302 : vector<16xf32>
        %mul3A_1304 = arith.constant 3.7037037E-4 : f32
        %mul3A_1305 = vector.broadcast %mul3A_1304 : f32 to vector<16xf32>
        %mul3A_1306 = arith.mulf %mul3A_1303, %mul3A_1305 : vector<16xf32>
        %sub3A_1307 = arith.constant 1.000000e+00 : f32
        %sub3A_1308 = vector.broadcast %sub3A_1307 : f32 to vector<16xf32>
        %sub3A_1309 = arith.subf %sub3A_1308, %mul3A_1306 : vector<16xf32>
        %mul3A_1310 = arith.mulf %add3A_1302, %sub3A_1309 : vector<16xf32>
        %exp3A_1311 = math.exp %mul3A_1310 : vector<16xf32>
        %add3A_1312 = arith.addf %add3A_1271, %exp3A_1311 : vector<16xf32>
        %mul3A_1313 = arith.mulf %exp3A_1311, %get3A_1282 : vector<16xf32>
        %add3A_1314 = arith.addf %add3A_1273, %mul3A_1313 : vector<16xf32>
        %mul3A_1315 = arith.mulf %exp3A_1311, %get3A_1289 : vector<16xf32>
        %add3A_1316 = arith.addf %add3A_1275, %mul3A_1315 : vector<16xf32>
        %mul3A_1317 = arith.constant 256 : i32
        %mul3A_1318 = arith.muli %while3A_893, %mul3A_1317 : i32
        %add3A_1319 = arith.constant 160 : i32
        %add3A_1320 = arith.addi %mul3A_1318, %add3A_1319 : i32
        %get3A_1321 = arith.index_cast %add3A_1320 : i32 to index
        %get3A_1322 = tpu.vector_load %arg14[%get3A_1321] {strides = array<i32>} : memref<32768xf32, #tpu.memory_space<vmem>>, vector<16xf32>,
        %get3A_1323 = vector.shape_cast %get3A_1322 : vector<16xf32> to vector<16xf32>
        %mul3A_1324 = arith.constant 256 : i32
        %mul3A_1325 = arith.muli %while3A_893, %mul3A_1324 : i32
        %add3A_1326 = arith.constant 160 : i32
        %add3A_1327 = arith.addi %mul3A_1325, %add3A_1326 : i32
        %get3A_1328 = arith.index_cast %add3A_1327 : i32 to index
        %get3A_1329 = tpu.vector_load %arg15[%get3A_1328] {strides = array<i32>} : memref<32768xf32, #tpu.memory_space<vmem>>, vector<16xf32>,
        %get3A_1330 = vector.shape_cast %get3A_1329 : vector<16xf32> to vector<16xf32>
        %broadcast_in_dim3A_1331 = arith.constant 10 : i32
        %broadcast_in_dim3A_1332 = vector.broadcast %broadcast_in_dim3A_1331 : i32 to vector<16xi32>
        %broadcast_in_dim3A_1333 = vector.shape_cast %broadcast_in_dim3A_1332 : vector<16xi32> to vector<16x1xi32>
        %gather3A_1334 = vector.shape_cast %broadcast_in_dim3A_1333 : vector<16x1xi32> to vector<16xi32>
        %gather3A_1335 = tpu.dynamic_gather %get3A_901[%gather3A_1334] in [0] : vector<16xf32>, vector<16xi32> -> vector<16xf32>
        %broadcast_in_dim3A_1336 = arith.constant 10 : i32
        %broadcast_in_dim3A_1337 = vector.broadcast %broadcast_in_dim3A_1336 : i32 to vector<16xi32>
        %broadcast_in_dim3A_1338 = vector.shape_cast %broadcast_in_dim3A_1337 : vector<16xi32> to vector<16x1xi32>
        %gather3A_1339 = vector.shape_cast %broadcast_in_dim3A_1338 : vector<16x1xi32> to vector<16xi32>
        %gather3A_1340 = tpu.dynamic_gather %get3A_906[%gather3A_1339] in [0] : vector<16xf32>, vector<16xi32> -> vector<16xf32>
        %mul3A_1341 = arith.mulf %get3A_13, %gather3A_1335 : vector<16xf32>
        %mul3A_1342 = arith.mulf %get3A_18, %gather3A_1340 : vector<16xf32>
        %add3A_1343 = arith.addf %mul3A_1341, %mul3A_1342 : vector<16xf32>
        %mul3A_1344 = arith.mulf %add3A_1343, %add3A_1343 : vector<16xf32>
        %mul3A_1345 = arith.constant 3.7037037E-4 : f32
        %mul3A_1346 = vector.broadcast %mul3A_1345 : f32 to vector<16xf32>
        %mul3A_1347 = arith.mulf %mul3A_1344, %mul3A_1346 : vector<16xf32>
        %sub3A_1348 = arith.constant 1.000000e+00 : f32
        %sub3A_1349 = vector.broadcast %sub3A_1348 : f32 to vector<16xf32>
        %sub3A_1350 = arith.subf %sub3A_1349, %mul3A_1347 : vector<16xf32>
        %mul3A_1351 = arith.mulf %add3A_1343, %sub3A_1350 : vector<16xf32>
        %exp3A_1352 = math.exp %mul3A_1351 : vector<16xf32>
        %add3A_1353 = arith.addf %add3A_1312, %exp3A_1352 : vector<16xf32>
        %mul3A_1354 = arith.mulf %exp3A_1352, %get3A_1323 : vector<16xf32>
        %add3A_1355 = arith.addf %add3A_1314, %mul3A_1354 : vector<16xf32>
        %mul3A_1356 = arith.mulf %exp3A_1352, %get3A_1330 : vector<16xf32>
        %add3A_1357 = arith.addf %add3A_1316, %mul3A_1356 : vector<16xf32>
        %mul3A_1358 = arith.constant 256 : i32
        %mul3A_1359 = arith.muli %while3A_893, %mul3A_1358 : i32
        %add3A_1360 = arith.constant 176 : i32
        %add3A_1361 = arith.addi %mul3A_1359, %add3A_1360 : i32
        %get3A_1362 = arith.index_cast %add3A_1361 : i32 to index
        %get3A_1363 = tpu.vector_load %arg14[%get3A_1362] {strides = array<i32>} : memref<32768xf32, #tpu.memory_space<vmem>>, vector<16xf32>,
        %get3A_1364 = vector.shape_cast %get3A_1363 : vector<16xf32> to vector<16xf32>
        %mul3A_1365 = arith.constant 256 : i32
        %mul3A_1366 = arith.muli %while3A_893, %mul3A_1365 : i32
        %add3A_1367 = arith.constant 176 : i32
        %add3A_1368 = arith.addi %mul3A_1366, %add3A_1367 : i32
        %get3A_1369 = arith.index_cast %add3A_1368 : i32 to index
        %get3A_1370 = tpu.vector_load %arg15[%get3A_1369] {strides = array<i32>} : memref<32768xf32, #tpu.memory_space<vmem>>, vector<16xf32>,
        %get3A_1371 = vector.shape_cast %get3A_1370 : vector<16xf32> to vector<16xf32>
        %broadcast_in_dim3A_1372 = arith.constant 11 : i32
        %broadcast_in_dim3A_1373 = vector.broadcast %broadcast_in_dim3A_1372 : i32 to vector<16xi32>
        %broadcast_in_dim3A_1374 = vector.shape_cast %broadcast_in_dim3A_1373 : vector<16xi32> to vector<16x1xi32>
        %gather3A_1375 = vector.shape_cast %broadcast_in_dim3A_1374 : vector<16x1xi32> to vector<16xi32>
        %gather3A_1376 = tpu.dynamic_gather %get3A_901[%gather3A_1375] in [0] : vector<16xf32>, vector<16xi32> -> vector<16xf32>
        %broadcast_in_dim3A_1377 = arith.constant 11 : i32
        %broadcast_in_dim3A_1378 = vector.broadcast %broadcast_in_dim3A_1377 : i32 to vector<16xi32>
        %broadcast_in_dim3A_1379 = vector.shape_cast %broadcast_in_dim3A_1378 : vector<16xi32> to vector<16x1xi32>
        %gather3A_1380 = vector.shape_cast %broadcast_in_dim3A_1379 : vector<16x1xi32> to vector<16xi32>
        %gather3A_1381 = tpu.dynamic_gather %get3A_906[%gather3A_1380] in [0] : vector<16xf32>, vector<16xi32> -> vector<16xf32>
        %mul3A_1382 = arith.mulf %get3A_13, %gather3A_1376 : vector<16xf32>
        %mul3A_1383 = arith.mulf %get3A_18, %gather3A_1381 : vector<16xf32>
        %add3A_1384 = arith.addf %mul3A_1382, %mul3A_1383 : vector<16xf32>
        %mul3A_1385 = arith.mulf %add3A_1384, %add3A_1384 : vector<16xf32>
        %mul3A_1386 = arith.constant 3.7037037E-4 : f32
        %mul3A_1387 = vector.broadcast %mul3A_1386 : f32 to vector<16xf32>
        %mul3A_1388 = arith.mulf %mul3A_1385, %mul3A_1387 : vector<16xf32>
        %sub3A_1389 = arith.constant 1.000000e+00 : f32
        %sub3A_1390 = vector.broadcast %sub3A_1389 : f32 to vector<16xf32>
        %sub3A_1391 = arith.subf %sub3A_1390, %mul3A_1388 : vector<16xf32>
        %mul3A_1392 = arith.mulf %add3A_1384, %sub3A_1391 : vector<16xf32>
        %exp3A_1393 = math.exp %mul3A_1392 : vector<16xf32>
        %add3A_1394 = arith.addf %add3A_1353, %exp3A_1393 : vector<16xf32>
        %mul3A_1395 = arith.mulf %exp3A_1393, %get3A_1364 : vector<16xf32>
        %add3A_1396 = arith.addf %add3A_1355, %mul3A_1395 : vector<16xf32>
        %mul3A_1397 = arith.mulf %exp3A_1393, %get3A_1371 : vector<16xf32>
        %add3A_1398 = arith.addf %add3A_1357, %mul3A_1397 : vector<16xf32>
        %mul3A_1399 = arith.constant 256 : i32
        %mul3A_1400 = arith.muli %while3A_893, %mul3A_1399 : i32
        %add3A_1401 = arith.constant 192 : i32
        %add3A_1402 = arith.addi %mul3A_1400, %add3A_1401 : i32
        %get3A_1403 = arith.index_cast %add3A_1402 : i32 to index
        %get3A_1404 = tpu.vector_load %arg14[%get3A_1403] {strides = array<i32>} : memref<32768xf32, #tpu.memory_space<vmem>>, vector<16xf32>,
        %get3A_1405 = vector.shape_cast %get3A_1404 : vector<16xf32> to vector<16xf32>
        %mul3A_1406 = arith.constant 256 : i32
        %mul3A_1407 = arith.muli %while3A_893, %mul3A_1406 : i32
        %add3A_1408 = arith.constant 192 : i32
        %add3A_1409 = arith.addi %mul3A_1407, %add3A_1408 : i32
        %get3A_1410 = arith.index_cast %add3A_1409 : i32 to index
        %get3A_1411 = tpu.vector_load %arg15[%get3A_1410] {strides = array<i32>} : memref<32768xf32, #tpu.memory_space<vmem>>, vector<16xf32>,
        %get3A_1412 = vector.shape_cast %get3A_1411 : vector<16xf32> to vector<16xf32>
        %broadcast_in_dim3A_1413 = arith.constant 12 : i32
        %broadcast_in_dim3A_1414 = vector.broadcast %broadcast_in_dim3A_1413 : i32 to vector<16xi32>
        %broadcast_in_dim3A_1415 = vector.shape_cast %broadcast_in_dim3A_1414 : vector<16xi32> to vector<16x1xi32>
        %gather3A_1416 = vector.shape_cast %broadcast_in_dim3A_1415 : vector<16x1xi32> to vector<16xi32>
        %gather3A_1417 = tpu.dynamic_gather %get3A_901[%gather3A_1416] in [0] : vector<16xf32>, vector<16xi32> -> vector<16xf32>
        %broadcast_in_dim3A_1418 = arith.constant 12 : i32
        %broadcast_in_dim3A_1419 = vector.broadcast %broadcast_in_dim3A_1418 : i32 to vector<16xi32>
        %broadcast_in_dim3A_1420 = vector.shape_cast %broadcast_in_dim3A_1419 : vector<16xi32> to vector<16x1xi32>
        %gather3A_1421 = vector.shape_cast %broadcast_in_dim3A_1420 : vector<16x1xi32> to vector<16xi32>
        %gather3A_1422 = tpu.dynamic_gather %get3A_906[%gather3A_1421] in [0] : vector<16xf32>, vector<16xi32> -> vector<16xf32>
        %mul3A_1423 = arith.mulf %get3A_13, %gather3A_1417 : vector<16xf32>
        %mul3A_1424 = arith.mulf %get3A_18, %gather3A_1422 : vector<16xf32>
        %add3A_1425 = arith.addf %mul3A_1423, %mul3A_1424 : vector<16xf32>
        %mul3A_1426 = arith.mulf %add3A_1425, %add3A_1425 : vector<16xf32>
        %mul3A_1427 = arith.constant 3.7037037E-4 : f32
        %mul3A_1428 = vector.broadcast %mul3A_1427 : f32 to vector<16xf32>
        %mul3A_1429 = arith.mulf %mul3A_1426, %mul3A_1428 : vector<16xf32>
        %sub3A_1430 = arith.constant 1.000000e+00 : f32
        %sub3A_1431 = vector.broadcast %sub3A_1430 : f32 to vector<16xf32>
        %sub3A_1432 = arith.subf %sub3A_1431, %mul3A_1429 : vector<16xf32>
        %mul3A_1433 = arith.mulf %add3A_1425, %sub3A_1432 : vector<16xf32>
        %exp3A_1434 = math.exp %mul3A_1433 : vector<16xf32>
        %add3A_1435 = arith.addf %add3A_1394, %exp3A_1434 : vector<16xf32>
        %mul3A_1436 = arith.mulf %exp3A_1434, %get3A_1405 : vector<16xf32>
        %add3A_1437 = arith.addf %add3A_1396, %mul3A_1436 : vector<16xf32>
        %mul3A_1438 = arith.mulf %exp3A_1434, %get3A_1412 : vector<16xf32>
        %add3A_1439 = arith.addf %add3A_1398, %mul3A_1438 : vector<16xf32>
        %mul3A_1440 = arith.constant 256 : i32
        %mul3A_1441 = arith.muli %while3A_893, %mul3A_1440 : i32
        %add3A_1442 = arith.constant 208 : i32
        %add3A_1443 = arith.addi %mul3A_1441, %add3A_1442 : i32
        %get3A_1444 = arith.index_cast %add3A_1443 : i32 to index
        %get3A_1445 = tpu.vector_load %arg14[%get3A_1444] {strides = array<i32>} : memref<32768xf32, #tpu.memory_space<vmem>>, vector<16xf32>,
        %get3A_1446 = vector.shape_cast %get3A_1445 : vector<16xf32> to vector<16xf32>
        %mul3A_1447 = arith.constant 256 : i32
        %mul3A_1448 = arith.muli %while3A_893, %mul3A_1447 : i32
        %add3A_1449 = arith.constant 208 : i32
        %add3A_1450 = arith.addi %mul3A_1448, %add3A_1449 : i32
        %get3A_1451 = arith.index_cast %add3A_1450 : i32 to index
        %get3A_1452 = tpu.vector_load %arg15[%get3A_1451] {strides = array<i32>} : memref<32768xf32, #tpu.memory_space<vmem>>, vector<16xf32>,
        %get3A_1453 = vector.shape_cast %get3A_1452 : vector<16xf32> to vector<16xf32>
        %broadcast_in_dim3A_1454 = arith.constant 13 : i32
        %broadcast_in_dim3A_1455 = vector.broadcast %broadcast_in_dim3A_1454 : i32 to vector<16xi32>
        %broadcast_in_dim3A_1456 = vector.shape_cast %broadcast_in_dim3A_1455 : vector<16xi32> to vector<16x1xi32>
        %gather3A_1457 = vector.shape_cast %broadcast_in_dim3A_1456 : vector<16x1xi32> to vector<16xi32>
        %gather3A_1458 = tpu.dynamic_gather %get3A_901[%gather3A_1457] in [0] : vector<16xf32>, vector<16xi32> -> vector<16xf32>
        %broadcast_in_dim3A_1459 = arith.constant 13 : i32
        %broadcast_in_dim3A_1460 = vector.broadcast %broadcast_in_dim3A_1459 : i32 to vector<16xi32>
        %broadcast_in_dim3A_1461 = vector.shape_cast %broadcast_in_dim3A_1460 : vector<16xi32> to vector<16x1xi32>
        %gather3A_1462 = vector.shape_cast %broadcast_in_dim3A_1461 : vector<16x1xi32> to vector<16xi32>
        %gather3A_1463 = tpu.dynamic_gather %get3A_906[%gather3A_1462] in [0] : vector<16xf32>, vector<16xi32> -> vector<16xf32>
        %mul3A_1464 = arith.mulf %get3A_13, %gather3A_1458 : vector<16xf32>
        %mul3A_1465 = arith.mulf %get3A_18, %gather3A_1463 : vector<16xf32>
        %add3A_1466 = arith.addf %mul3A_1464, %mul3A_1465 : vector<16xf32>
        %mul3A_1467 = arith.mulf %add3A_1466, %add3A_1466 : vector<16xf32>
        %mul3A_1468 = arith.constant 3.7037037E-4 : f32
        %mul3A_1469 = vector.broadcast %mul3A_1468 : f32 to vector<16xf32>
        %mul3A_1470 = arith.mulf %mul3A_1467, %mul3A_1469 : vector<16xf32>
        %sub3A_1471 = arith.constant 1.000000e+00 : f32
        %sub3A_1472 = vector.broadcast %sub3A_1471 : f32 to vector<16xf32>
        %sub3A_1473 = arith.subf %sub3A_1472, %mul3A_1470 : vector<16xf32>
        %mul3A_1474 = arith.mulf %add3A_1466, %sub3A_1473 : vector<16xf32>
        %exp3A_1475 = math.exp %mul3A_1474 : vector<16xf32>
        %add3A_1476 = arith.addf %add3A_1435, %exp3A_1475 : vector<16xf32>
        %mul3A_1477 = arith.mulf %exp3A_1475, %get3A_1446 : vector<16xf32>
        %add3A_1478 = arith.addf %add3A_1437, %mul3A_1477 : vector<16xf32>
        %mul3A_1479 = arith.mulf %exp3A_1475, %get3A_1453 : vector<16xf32>
        %add3A_1480 = arith.addf %add3A_1439, %mul3A_1479 : vector<16xf32>
        %mul3A_1481 = arith.constant 256 : i32
        %mul3A_1482 = arith.muli %while3A_893, %mul3A_1481 : i32
        %add3A_1483 = arith.constant 224 : i32
        %add3A_1484 = arith.addi %mul3A_1482, %add3A_1483 : i32
        %get3A_1485 = arith.index_cast %add3A_1484 : i32 to index
        %get3A_1486 = tpu.vector_load %arg14[%get3A_1485] {strides = array<i32>} : memref<32768xf32, #tpu.memory_space<vmem>>, vector<16xf32>,
        %get3A_1487 = vector.shape_cast %get3A_1486 : vector<16xf32> to vector<16xf32>
        %mul3A_1488 = arith.constant 256 : i32
        %mul3A_1489 = arith.muli %while3A_893, %mul3A_1488 : i32
        %add3A_1490 = arith.constant 224 : i32
        %add3A_1491 = arith.addi %mul3A_1489, %add3A_1490 : i32
        %get3A_1492 = arith.index_cast %add3A_1491 : i32 to index
        %get3A_1493 = tpu.vector_load %arg15[%get3A_1492] {strides = array<i32>} : memref<32768xf32, #tpu.memory_space<vmem>>, vector<16xf32>,
        %get3A_1494 = vector.shape_cast %get3A_1493 : vector<16xf32> to vector<16xf32>
        %broadcast_in_dim3A_1495 = arith.constant 14 : i32
        %broadcast_in_dim3A_1496 = vector.broadcast %broadcast_in_dim3A_1495 : i32 to vector<16xi32>
        %broadcast_in_dim3A_1497 = vector.shape_cast %broadcast_in_dim3A_1496 : vector<16xi32> to vector<16x1xi32>
        %gather3A_1498 = vector.shape_cast %broadcast_in_dim3A_1497 : vector<16x1xi32> to vector<16xi32>
        %gather3A_1499 = tpu.dynamic_gather %get3A_901[%gather3A_1498] in [0] : vector<16xf32>, vector<16xi32> -> vector<16xf32>
        %broadcast_in_dim3A_1500 = arith.constant 14 : i32
        %broadcast_in_dim3A_1501 = vector.broadcast %broadcast_in_dim3A_1500 : i32 to vector<16xi32>
        %broadcast_in_dim3A_1502 = vector.shape_cast %broadcast_in_dim3A_1501 : vector<16xi32> to vector<16x1xi32>
        %gather3A_1503 = vector.shape_cast %broadcast_in_dim3A_1502 : vector<16x1xi32> to vector<16xi32>
        %gather3A_1504 = tpu.dynamic_gather %get3A_906[%gather3A_1503] in [0] : vector<16xf32>, vector<16xi32> -> vector<16xf32>
        %mul3A_1505 = arith.mulf %get3A_13, %gather3A_1499 : vector<16xf32>
        %mul3A_1506 = arith.mulf %get3A_18, %gather3A_1504 : vector<16xf32>
        %add3A_1507 = arith.addf %mul3A_1505, %mul3A_1506 : vector<16xf32>
        %mul3A_1508 = arith.mulf %add3A_1507, %add3A_1507 : vector<16xf32>
        %mul3A_1509 = arith.constant 3.7037037E-4 : f32
        %mul3A_1510 = vector.broadcast %mul3A_1509 : f32 to vector<16xf32>
        %mul3A_1511 = arith.mulf %mul3A_1508, %mul3A_1510 : vector<16xf32>
        %sub3A_1512 = arith.constant 1.000000e+00 : f32
        %sub3A_1513 = vector.broadcast %sub3A_1512 : f32 to vector<16xf32>
        %sub3A_1514 = arith.subf %sub3A_1513, %mul3A_1511 : vector<16xf32>
        %mul3A_1515 = arith.mulf %add3A_1507, %sub3A_1514 : vector<16xf32>
        %exp3A_1516 = math.exp %mul3A_1515 : vector<16xf32>
        %add3A_1517 = arith.addf %add3A_1476, %exp3A_1516 : vector<16xf32>
        %mul3A_1518 = arith.mulf %exp3A_1516, %get3A_1487 : vector<16xf32>
        %add3A_1519 = arith.addf %add3A_1478, %mul3A_1518 : vector<16xf32>
        %mul3A_1520 = arith.mulf %exp3A_1516, %get3A_1494 : vector<16xf32>
        %add3A_1521 = arith.addf %add3A_1480, %mul3A_1520 : vector<16xf32>
        %mul3A_1522 = arith.constant 256 : i32
        %mul3A_1523 = arith.muli %while3A_893, %mul3A_1522 : i32
        %add3A_1524 = arith.constant 240 : i32
        %add3A_1525 = arith.addi %mul3A_1523, %add3A_1524 : i32
        %get3A_1526 = arith.index_cast %add3A_1525 : i32 to index
        %get3A_1527 = tpu.vector_load %arg14[%get3A_1526] {strides = array<i32>} : memref<32768xf32, #tpu.memory_space<vmem>>, vector<16xf32>,
        %get3A_1528 = vector.shape_cast %get3A_1527 : vector<16xf32> to vector<16xf32>
        %mul3A_1529 = arith.constant 256 : i32
        %mul3A_1530 = arith.muli %while3A_893, %mul3A_1529 : i32
        %add3A_1531 = arith.constant 240 : i32
        %add3A_1532 = arith.addi %mul3A_1530, %add3A_1531 : i32
        %get3A_1533 = arith.index_cast %add3A_1532 : i32 to index
        %get3A_1534 = tpu.vector_load %arg15[%get3A_1533] {strides = array<i32>} : memref<32768xf32, #tpu.memory_space<vmem>>, vector<16xf32>,
        %get3A_1535 = vector.shape_cast %get3A_1534 : vector<16xf32> to vector<16xf32>
        %broadcast_in_dim3A_1536 = arith.constant 15 : i32
        %broadcast_in_dim3A_1537 = vector.broadcast %broadcast_in_dim3A_1536 : i32 to vector<16xi32>
        %broadcast_in_dim3A_1538 = vector.shape_cast %broadcast_in_dim3A_1537 : vector<16xi32> to vector<16x1xi32>
        %gather3A_1539 = vector.shape_cast %broadcast_in_dim3A_1538 : vector<16x1xi32> to vector<16xi32>
        %gather3A_1540 = tpu.dynamic_gather %get3A_901[%gather3A_1539] in [0] : vector<16xf32>, vector<16xi32> -> vector<16xf32>
        %broadcast_in_dim3A_1541 = arith.constant 15 : i32
        %broadcast_in_dim3A_1542 = vector.broadcast %broadcast_in_dim3A_1541 : i32 to vector<16xi32>
        %broadcast_in_dim3A_1543 = vector.shape_cast %broadcast_in_dim3A_1542 : vector<16xi32> to vector<16x1xi32>
        %gather3A_1544 = vector.shape_cast %broadcast_in_dim3A_1543 : vector<16x1xi32> to vector<16xi32>
        %gather3A_1545 = tpu.dynamic_gather %get3A_906[%gather3A_1544] in [0] : vector<16xf32>, vector<16xi32> -> vector<16xf32>
        %mul3A_1546 = arith.mulf %get3A_13, %gather3A_1540 : vector<16xf32>
        %mul3A_1547 = arith.mulf %get3A_18, %gather3A_1545 : vector<16xf32>
        %add3A_1548 = arith.addf %mul3A_1546, %mul3A_1547 : vector<16xf32>
        %mul3A_1549 = arith.mulf %add3A_1548, %add3A_1548 : vector<16xf32>
        %mul3A_1550 = arith.constant 3.7037037E-4 : f32
        %mul3A_1551 = vector.broadcast %mul3A_1550 : f32 to vector<16xf32>
        %mul3A_1552 = arith.mulf %mul3A_1549, %mul3A_1551 : vector<16xf32>
        %sub3A_1553 = arith.constant 1.000000e+00 : f32
        %sub3A_1554 = vector.broadcast %sub3A_1553 : f32 to vector<16xf32>
        %sub3A_1555 = arith.subf %sub3A_1554, %mul3A_1552 : vector<16xf32>
        %mul3A_1556 = arith.mulf %add3A_1548, %sub3A_1555 : vector<16xf32>
        %exp3A_1557 = math.exp %mul3A_1556 : vector<16xf32>
        %add3A_1558 = arith.addf %add3A_1517, %exp3A_1557 : vector<16xf32>
        %mul3A_1559 = arith.mulf %exp3A_1557, %get3A_1528 : vector<16xf32>
        %add3A_1560 = arith.addf %add3A_1519, %mul3A_1559 : vector<16xf32>
        %mul3A_1561 = arith.mulf %exp3A_1557, %get3A_1535 : vector<16xf32>
        %add3A_1562 = arith.addf %add3A_1521, %mul3A_1561 : vector<16xf32>
        scf.yield %add3A_1558, %add3A_1560, %add3A_1562 : vector<16xf32>, vector<16xf32>, vector<16xf32>
      }
      %while3A_27 = arith.constant 1 : i32
      %while3A_28:3 = scf.for %while3A_893 = %while3A_24 to %while3A_20 step %while3A_27 iter_args(%while3A_894 = %while3A_26#0, %while3A_895 = %while3A_26#1, %while3A_896 = %while3A_26#2) -> (vector<16xf32>, vector<16xf32>, vector<16xf32>)  : i32 {
        %mul3A_897 = arith.constant 16 : i32
        %mul3A_898 = arith.muli %while3A_893, %mul3A_897 : i32
        %get3A_899 = arith.index_cast %mul3A_898 : i32 to index
        %get3A_900 = tpu.vector_load %arg12[%get3A_899] {strides = array<i32>} : memref<2048xf32, #tpu.memory_space<vmem>>, vector<16xf32>,
        %get3A_901 = vector.shape_cast %get3A_900 : vector<16xf32> to vector<16xf32>
        %mul3A_902 = arith.constant 16 : i32
        %mul3A_903 = arith.muli %while3A_893, %mul3A_902 : i32
        %get3A_904 = arith.index_cast %mul3A_903 : i32 to index
        %get3A_905 = tpu.vector_load %arg13[%get3A_904] {strides = array<i32>} : memref<2048xf32, #tpu.memory_space<vmem>>, vector<16xf32>,
        %get3A_906 = vector.shape_cast %get3A_905 : vector<16xf32> to vector<16xf32>
        %mul3A_907 = arith.constant 256 : i32
        %mul3A_908 = arith.muli %while3A_893, %mul3A_907 : i32
        %add3A_909 = arith.constant 0 : i32
        %add3A_910 = arith.addi %mul3A_908, %add3A_909 : i32
        %get3A_911 = arith.index_cast %add3A_910 : i32 to index
        %get3A_912 = tpu.vector_load %arg14[%get3A_911] {strides = array<i32>} : memref<32768xf32, #tpu.memory_space<vmem>>, vector<16xf32>,
        %get3A_913 = vector.shape_cast %get3A_912 : vector<16xf32> to vector<16xf32>
        %mul3A_914 = arith.constant 256 : i32
        %mul3A_915 = arith.muli %while3A_893, %mul3A_914 : i32
        %add3A_916 = arith.constant 0 : i32
        %add3A_917 = arith.addi %mul3A_915, %add3A_916 : i32
        %get3A_918 = arith.index_cast %add3A_917 : i32 to index
        %get3A_919 = tpu.vector_load %arg15[%get3A_918] {strides = array<i32>} : memref<32768xf32, #tpu.memory_space<vmem>>, vector<16xf32>,
        %get3A_920 = vector.shape_cast %get3A_919 : vector<16xf32> to vector<16xf32>
        %broadcast_in_dim3A_921 = arith.constant 0 : i32
        %broadcast_in_dim3A_922 = vector.broadcast %broadcast_in_dim3A_921 : i32 to vector<16xi32>
        %broadcast_in_dim3A_923 = vector.shape_cast %broadcast_in_dim3A_922 : vector<16xi32> to vector<16x1xi32>
        %gather3A_924 = vector.shape_cast %broadcast_in_dim3A_923 : vector<16x1xi32> to vector<16xi32>
        %gather3A_925 = tpu.dynamic_gather %get3A_901[%gather3A_924] in [0] : vector<16xf32>, vector<16xi32> -> vector<16xf32>
        %broadcast_in_dim3A_926 = arith.constant 0 : i32
        %broadcast_in_dim3A_927 = vector.broadcast %broadcast_in_dim3A_926 : i32 to vector<16xi32>
        %broadcast_in_dim3A_928 = vector.shape_cast %broadcast_in_dim3A_927 : vector<16xi32> to vector<16x1xi32>
        %gather3A_929 = vector.shape_cast %broadcast_in_dim3A_928 : vector<16x1xi32> to vector<16xi32>
        %gather3A_930 = tpu.dynamic_gather %get3A_906[%gather3A_929] in [0] : vector<16xf32>, vector<16xi32> -> vector<16xf32>
        %mul3A_931 = arith.mulf %get3A_13, %gather3A_925 : vector<16xf32>
        %mul3A_932 = arith.mulf %get3A_18, %gather3A_930 : vector<16xf32>
        %add3A_933 = arith.addf %mul3A_931, %mul3A_932 : vector<16xf32>
        %mul3A_934 = arith.mulf %add3A_933, %add3A_933 : vector<16xf32>
        %mul3A_935 = arith.constant 3.7037037E-4 : f32
        %mul3A_936 = vector.broadcast %mul3A_935 : f32 to vector<16xf32>
        %mul3A_937 = arith.mulf %mul3A_934, %mul3A_936 : vector<16xf32>
        %sub3A_938 = arith.constant 1.000000e+00 : f32
        %sub3A_939 = vector.broadcast %sub3A_938 : f32 to vector<16xf32>
        %sub3A_940 = arith.subf %sub3A_939, %mul3A_937 : vector<16xf32>
        %mul3A_941 = arith.mulf %add3A_933, %sub3A_940 : vector<16xf32>
        %exp3A_942 = math.exp %mul3A_941 : vector<16xf32>
        %add3A_943 = arith.addf %while3A_894, %exp3A_942 : vector<16xf32>
        %mul3A_944 = arith.mulf %exp3A_942, %get3A_913 : vector<16xf32>
        %add3A_945 = arith.addf %while3A_895, %mul3A_944 : vector<16xf32>
        %mul3A_946 = arith.mulf %exp3A_942, %get3A_920 : vector<16xf32>
        %add3A_947 = arith.addf %while3A_896, %mul3A_946 : vector<16xf32>
        %mul3A_948 = arith.constant 256 : i32
        %mul3A_949 = arith.muli %while3A_893, %mul3A_948 : i32
        %add3A_950 = arith.constant 16 : i32
        %add3A_951 = arith.addi %mul3A_949, %add3A_950 : i32
        %get3A_952 = arith.index_cast %add3A_951 : i32 to index
        %get3A_953 = tpu.vector_load %arg14[%get3A_952] {strides = array<i32>} : memref<32768xf32, #tpu.memory_space<vmem>>, vector<16xf32>,
        %get3A_954 = vector.shape_cast %get3A_953 : vector<16xf32> to vector<16xf32>
        %mul3A_955 = arith.constant 256 : i32
        %mul3A_956 = arith.muli %while3A_893, %mul3A_955 : i32
        %add3A_957 = arith.constant 16 : i32
        %add3A_958 = arith.addi %mul3A_956, %add3A_957 : i32
        %get3A_959 = arith.index_cast %add3A_958 : i32 to index
        %get3A_960 = tpu.vector_load %arg15[%get3A_959] {strides = array<i32>} : memref<32768xf32, #tpu.memory_space<vmem>>, vector<16xf32>,
        %get3A_961 = vector.shape_cast %get3A_960 : vector<16xf32> to vector<16xf32>
        %broadcast_in_dim3A_962 = arith.constant 1 : i32
        %broadcast_in_dim3A_963 = vector.broadcast %broadcast_in_dim3A_962 : i32 to vector<16xi32>
        %broadcast_in_dim3A_964 = vector.shape_cast %broadcast_in_dim3A_963 : vector<16xi32> to vector<16x1xi32>
        %gather3A_965 = vector.shape_cast %broadcast_in_dim3A_964 : vector<16x1xi32> to vector<16xi32>
        %gather3A_966 = tpu.dynamic_gather %get3A_901[%gather3A_965] in [0] : vector<16xf32>, vector<16xi32> -> vector<16xf32>
        %broadcast_in_dim3A_967 = arith.constant 1 : i32
        %broadcast_in_dim3A_968 = vector.broadcast %broadcast_in_dim3A_967 : i32 to vector<16xi32>
        %broadcast_in_dim3A_969 = vector.shape_cast %broadcast_in_dim3A_968 : vector<16xi32> to vector<16x1xi32>
        %gather3A_970 = vector.shape_cast %broadcast_in_dim3A_969 : vector<16x1xi32> to vector<16xi32>
        %gather3A_971 = tpu.dynamic_gather %get3A_906[%gather3A_970] in [0] : vector<16xf32>, vector<16xi32> -> vector<16xf32>
        %mul3A_972 = arith.mulf %get3A_13, %gather3A_966 : vector<16xf32>
        %mul3A_973 = arith.mulf %get3A_18, %gather3A_971 : vector<16xf32>
        %add3A_974 = arith.addf %mul3A_972, %mul3A_973 : vector<16xf32>
        %mul3A_975 = arith.mulf %add3A_974, %add3A_974 : vector<16xf32>
        %mul3A_976 = arith.constant 3.7037037E-4 : f32
        %mul3A_977 = vector.broadcast %mul3A_976 : f32 to vector<16xf32>
        %mul3A_978 = arith.mulf %mul3A_975, %mul3A_977 : vector<16xf32>
        %sub3A_979 = arith.constant 1.000000e+00 : f32
        %sub3A_980 = vector.broadcast %sub3A_979 : f32 to vector<16xf32>
        %sub3A_981 = arith.subf %sub3A_980, %mul3A_978 : vector<16xf32>
        %mul3A_982 = arith.mulf %add3A_974, %sub3A_981 : vector<16xf32>
        %exp3A_983 = math.exp %mul3A_982 : vector<16xf32>
        %add3A_984 = arith.addf %add3A_943, %exp3A_983 : vector<16xf32>
        %mul3A_985 = arith.mulf %exp3A_983, %get3A_954 : vector<16xf32>
        %add3A_986 = arith.addf %add3A_945, %mul3A_985 : vector<16xf32>
        %mul3A_987 = arith.mulf %exp3A_983, %get3A_961 : vector<16xf32>
        %add3A_988 = arith.addf %add3A_947, %mul3A_987 : vector<16xf32>
        %mul3A_989 = arith.constant 256 : i32
        %mul3A_990 = arith.muli %while3A_893, %mul3A_989 : i32
        %add3A_991 = arith.constant 32 : i32
        %add3A_992 = arith.addi %mul3A_990, %add3A_991 : i32
        %get3A_993 = arith.index_cast %add3A_992 : i32 to index
        %get3A_994 = tpu.vector_load %arg14[%get3A_993] {strides = array<i32>} : memref<32768xf32, #tpu.memory_space<vmem>>, vector<16xf32>,
        %get3A_995 = vector.shape_cast %get3A_994 : vector<16xf32> to vector<16xf32>
        %mul3A_996 = arith.constant 256 : i32
        %mul3A_997 = arith.muli %while3A_893, %mul3A_996 : i32
        %add3A_998 = arith.constant 32 : i32
        %add3A_999 = arith.addi %mul3A_997, %add3A_998 : i32
        %get3A_1000 = arith.index_cast %add3A_999 : i32 to index
        %get3A_1001 = tpu.vector_load %arg15[%get3A_1000] {strides = array<i32>} : memref<32768xf32, #tpu.memory_space<vmem>>, vector<16xf32>,
        %get3A_1002 = vector.shape_cast %get3A_1001 : vector<16xf32> to vector<16xf32>
        %broadcast_in_dim3A_1003 = arith.constant 2 : i32
        %broadcast_in_dim3A_1004 = vector.broadcast %broadcast_in_dim3A_1003 : i32 to vector<16xi32>
        %broadcast_in_dim3A_1005 = vector.shape_cast %broadcast_in_dim3A_1004 : vector<16xi32> to vector<16x1xi32>
        %gather3A_1006 = vector.shape_cast %broadcast_in_dim3A_1005 : vector<16x1xi32> to vector<16xi32>
        %gather3A_1007 = tpu.dynamic_gather %get3A_901[%gather3A_1006] in [0] : vector<16xf32>, vector<16xi32> -> vector<16xf32>
        %broadcast_in_dim3A_1008 = arith.constant 2 : i32
        %broadcast_in_dim3A_1009 = vector.broadcast %broadcast_in_dim3A_1008 : i32 to vector<16xi32>
        %broadcast_in_dim3A_1010 = vector.shape_cast %broadcast_in_dim3A_1009 : vector<16xi32> to vector<16x1xi32>
        %gather3A_1011 = vector.shape_cast %broadcast_in_dim3A_1010 : vector<16x1xi32> to vector<16xi32>
        %gather3A_1012 = tpu.dynamic_gather %get3A_906[%gather3A_1011] in [0] : vector<16xf32>, vector<16xi32> -> vector<16xf32>
        %mul3A_1013 = arith.mulf %get3A_13, %gather3A_1007 : vector<16xf32>
        %mul3A_1014 = arith.mulf %get3A_18, %gather3A_1012 : vector<16xf32>
        %add3A_1015 = arith.addf %mul3A_1013, %mul3A_1014 : vector<16xf32>
        %mul3A_1016 = arith.mulf %add3A_1015, %add3A_1015 : vector<16xf32>
        %mul3A_1017 = arith.constant 3.7037037E-4 : f32
        %mul3A_1018 = vector.broadcast %mul3A_1017 : f32 to vector<16xf32>
        %mul3A_1019 = arith.mulf %mul3A_1016, %mul3A_1018 : vector<16xf32>
        %sub3A_1020 = arith.constant 1.000000e+00 : f32
        %sub3A_1021 = vector.broadcast %sub3A_1020 : f32 to vector<16xf32>
        %sub3A_1022 = arith.subf %sub3A_1021, %mul3A_1019 : vector<16xf32>
        %mul3A_1023 = arith.mulf %add3A_1015, %sub3A_1022 : vector<16xf32>
        %exp3A_1024 = math.exp %mul3A_1023 : vector<16xf32>
        %add3A_1025 = arith.addf %add3A_984, %exp3A_1024 : vector<16xf32>
        %mul3A_1026 = arith.mulf %exp3A_1024, %get3A_995 : vector<16xf32>
        %add3A_1027 = arith.addf %add3A_986, %mul3A_1026 : vector<16xf32>
        %mul3A_1028 = arith.mulf %exp3A_1024, %get3A_1002 : vector<16xf32>
        %add3A_1029 = arith.addf %add3A_988, %mul3A_1028 : vector<16xf32>
        %mul3A_1030 = arith.constant 256 : i32
        %mul3A_1031 = arith.muli %while3A_893, %mul3A_1030 : i32
        %add3A_1032 = arith.constant 48 : i32
        %add3A_1033 = arith.addi %mul3A_1031, %add3A_1032 : i32
        %get3A_1034 = arith.index_cast %add3A_1033 : i32 to index
        %get3A_1035 = tpu.vector_load %arg14[%get3A_1034] {strides = array<i32>} : memref<32768xf32, #tpu.memory_space<vmem>>, vector<16xf32>,
        %get3A_1036 = vector.shape_cast %get3A_1035 : vector<16xf32> to vector<16xf32>
        %mul3A_1037 = arith.constant 256 : i32
        %mul3A_1038 = arith.muli %while3A_893, %mul3A_1037 : i32
        %add3A_1039 = arith.constant 48 : i32
        %add3A_1040 = arith.addi %mul3A_1038, %add3A_1039 : i32
        %get3A_1041 = arith.index_cast %add3A_1040 : i32 to index
        %get3A_1042 = tpu.vector_load %arg15[%get3A_1041] {strides = array<i32>} : memref<32768xf32, #tpu.memory_space<vmem>>, vector<16xf32>,
        %get3A_1043 = vector.shape_cast %get3A_1042 : vector<16xf32> to vector<16xf32>
        %broadcast_in_dim3A_1044 = arith.constant 3 : i32
        %broadcast_in_dim3A_1045 = vector.broadcast %broadcast_in_dim3A_1044 : i32 to vector<16xi32>
        %broadcast_in_dim3A_1046 = vector.shape_cast %broadcast_in_dim3A_1045 : vector<16xi32> to vector<16x1xi32>
        %gather3A_1047 = vector.shape_cast %broadcast_in_dim3A_1046 : vector<16x1xi32> to vector<16xi32>
        %gather3A_1048 = tpu.dynamic_gather %get3A_901[%gather3A_1047] in [0] : vector<16xf32>, vector<16xi32> -> vector<16xf32>
        %broadcast_in_dim3A_1049 = arith.constant 3 : i32
        %broadcast_in_dim3A_1050 = vector.broadcast %broadcast_in_dim3A_1049 : i32 to vector<16xi32>
        %broadcast_in_dim3A_1051 = vector.shape_cast %broadcast_in_dim3A_1050 : vector<16xi32> to vector<16x1xi32>
        %gather3A_1052 = vector.shape_cast %broadcast_in_dim3A_1051 : vector<16x1xi32> to vector<16xi32>
        %gather3A_1053 = tpu.dynamic_gather %get3A_906[%gather3A_1052] in [0] : vector<16xf32>, vector<16xi32> -> vector<16xf32>
        %mul3A_1054 = arith.mulf %get3A_13, %gather3A_1048 : vector<16xf32>
        %mul3A_1055 = arith.mulf %get3A_18, %gather3A_1053 : vector<16xf32>
        %add3A_1056 = arith.addf %mul3A_1054, %mul3A_1055 : vector<16xf32>
        %mul3A_1057 = arith.mulf %add3A_1056, %add3A_1056 : vector<16xf32>
        %mul3A_1058 = arith.constant 3.7037037E-4 : f32
        %mul3A_1059 = vector.broadcast %mul3A_1058 : f32 to vector<16xf32>
        %mul3A_1060 = arith.mulf %mul3A_1057, %mul3A_1059 : vector<16xf32>
        %sub3A_1061 = arith.constant 1.000000e+00 : f32
        %sub3A_1062 = vector.broadcast %sub3A_1061 : f32 to vector<16xf32>
        %sub3A_1063 = arith.subf %sub3A_1062, %mul3A_1060 : vector<16xf32>
        %mul3A_1064 = arith.mulf %add3A_1056, %sub3A_1063 : vector<16xf32>
        %exp3A_1065 = math.exp %mul3A_1064 : vector<16xf32>
        %add3A_1066 = arith.addf %add3A_1025, %exp3A_1065 : vector<16xf32>
        %mul3A_1067 = arith.mulf %exp3A_1065, %get3A_1036 : vector<16xf32>
        %add3A_1068 = arith.addf %add3A_1027, %mul3A_1067 : vector<16xf32>
        %mul3A_1069 = arith.mulf %exp3A_1065, %get3A_1043 : vector<16xf32>
        %add3A_1070 = arith.addf %add3A_1029, %mul3A_1069 : vector<16xf32>
        %mul3A_1071 = arith.constant 256 : i32
        %mul3A_1072 = arith.muli %while3A_893, %mul3A_1071 : i32
        %add3A_1073 = arith.constant 64 : i32
        %add3A_1074 = arith.addi %mul3A_1072, %add3A_1073 : i32
        %get3A_1075 = arith.index_cast %add3A_1074 : i32 to index
        %get3A_1076 = tpu.vector_load %arg14[%get3A_1075] {strides = array<i32>} : memref<32768xf32, #tpu.memory_space<vmem>>, vector<16xf32>,
        %get3A_1077 = vector.shape_cast %get3A_1076 : vector<16xf32> to vector<16xf32>
        %mul3A_1078 = arith.constant 256 : i32
        %mul3A_1079 = arith.muli %while3A_893, %mul3A_1078 : i32
        %add3A_1080 = arith.constant 64 : i32
        %add3A_1081 = arith.addi %mul3A_1079, %add3A_1080 : i32
        %get3A_1082 = arith.index_cast %add3A_1081 : i32 to index
        %get3A_1083 = tpu.vector_load %arg15[%get3A_1082] {strides = array<i32>} : memref<32768xf32, #tpu.memory_space<vmem>>, vector<16xf32>,
        %get3A_1084 = vector.shape_cast %get3A_1083 : vector<16xf32> to vector<16xf32>
        %broadcast_in_dim3A_1085 = arith.constant 4 : i32
        %broadcast_in_dim3A_1086 = vector.broadcast %broadcast_in_dim3A_1085 : i32 to vector<16xi32>
        %broadcast_in_dim3A_1087 = vector.shape_cast %broadcast_in_dim3A_1086 : vector<16xi32> to vector<16x1xi32>
        %gather3A_1088 = vector.shape_cast %broadcast_in_dim3A_1087 : vector<16x1xi32> to vector<16xi32>
        %gather3A_1089 = tpu.dynamic_gather %get3A_901[%gather3A_1088] in [0] : vector<16xf32>, vector<16xi32> -> vector<16xf32>
        %broadcast_in_dim3A_1090 = arith.constant 4 : i32
        %broadcast_in_dim3A_1091 = vector.broadcast %broadcast_in_dim3A_1090 : i32 to vector<16xi32>
        %broadcast_in_dim3A_1092 = vector.shape_cast %broadcast_in_dim3A_1091 : vector<16xi32> to vector<16x1xi32>
        %gather3A_1093 = vector.shape_cast %broadcast_in_dim3A_1092 : vector<16x1xi32> to vector<16xi32>
        %gather3A_1094 = tpu.dynamic_gather %get3A_906[%gather3A_1093] in [0] : vector<16xf32>, vector<16xi32> -> vector<16xf32>
        %mul3A_1095 = arith.mulf %get3A_13, %gather3A_1089 : vector<16xf32>
        %mul3A_1096 = arith.mulf %get3A_18, %gather3A_1094 : vector<16xf32>
        %add3A_1097 = arith.addf %mul3A_1095, %mul3A_1096 : vector<16xf32>
        %mul3A_1098 = arith.mulf %add3A_1097, %add3A_1097 : vector<16xf32>
        %mul3A_1099 = arith.constant 3.7037037E-4 : f32
        %mul3A_1100 = vector.broadcast %mul3A_1099 : f32 to vector<16xf32>
        %mul3A_1101 = arith.mulf %mul3A_1098, %mul3A_1100 : vector<16xf32>
        %sub3A_1102 = arith.constant 1.000000e+00 : f32
        %sub3A_1103 = vector.broadcast %sub3A_1102 : f32 to vector<16xf32>
        %sub3A_1104 = arith.subf %sub3A_1103, %mul3A_1101 : vector<16xf32>
        %mul3A_1105 = arith.mulf %add3A_1097, %sub3A_1104 : vector<16xf32>
        %exp3A_1106 = math.exp %mul3A_1105 : vector<16xf32>
        %add3A_1107 = arith.addf %add3A_1066, %exp3A_1106 : vector<16xf32>
        %mul3A_1108 = arith.mulf %exp3A_1106, %get3A_1077 : vector<16xf32>
        %add3A_1109 = arith.addf %add3A_1068, %mul3A_1108 : vector<16xf32>
        %mul3A_1110 = arith.mulf %exp3A_1106, %get3A_1084 : vector<16xf32>
        %add3A_1111 = arith.addf %add3A_1070, %mul3A_1110 : vector<16xf32>
        %mul3A_1112 = arith.constant 256 : i32
        %mul3A_1113 = arith.muli %while3A_893, %mul3A_1112 : i32
        %add3A_1114 = arith.constant 80 : i32
        %add3A_1115 = arith.addi %mul3A_1113, %add3A_1114 : i32
        %get3A_1116 = arith.index_cast %add3A_1115 : i32 to index
        %get3A_1117 = tpu.vector_load %arg14[%get3A_1116] {strides = array<i32>} : memref<32768xf32, #tpu.memory_space<vmem>>, vector<16xf32>,
        %get3A_1118 = vector.shape_cast %get3A_1117 : vector<16xf32> to vector<16xf32>
        %mul3A_1119 = arith.constant 256 : i32
        %mul3A_1120 = arith.muli %while3A_893, %mul3A_1119 : i32
        %add3A_1121 = arith.constant 80 : i32
        %add3A_1122 = arith.addi %mul3A_1120, %add3A_1121 : i32
        %get3A_1123 = arith.index_cast %add3A_1122 : i32 to index
        %get3A_1124 = tpu.vector_load %arg15[%get3A_1123] {strides = array<i32>} : memref<32768xf32, #tpu.memory_space<vmem>>, vector<16xf32>,
        %get3A_1125 = vector.shape_cast %get3A_1124 : vector<16xf32> to vector<16xf32>
        %broadcast_in_dim3A_1126 = arith.constant 5 : i32
        %broadcast_in_dim3A_1127 = vector.broadcast %broadcast_in_dim3A_1126 : i32 to vector<16xi32>
        %broadcast_in_dim3A_1128 = vector.shape_cast %broadcast_in_dim3A_1127 : vector<16xi32> to vector<16x1xi32>
        %gather3A_1129 = vector.shape_cast %broadcast_in_dim3A_1128 : vector<16x1xi32> to vector<16xi32>
        %gather3A_1130 = tpu.dynamic_gather %get3A_901[%gather3A_1129] in [0] : vector<16xf32>, vector<16xi32> -> vector<16xf32>
        %broadcast_in_dim3A_1131 = arith.constant 5 : i32
        %broadcast_in_dim3A_1132 = vector.broadcast %broadcast_in_dim3A_1131 : i32 to vector<16xi32>
        %broadcast_in_dim3A_1133 = vector.shape_cast %broadcast_in_dim3A_1132 : vector<16xi32> to vector<16x1xi32>
        %gather3A_1134 = vector.shape_cast %broadcast_in_dim3A_1133 : vector<16x1xi32> to vector<16xi32>
        %gather3A_1135 = tpu.dynamic_gather %get3A_906[%gather3A_1134] in [0] : vector<16xf32>, vector<16xi32> -> vector<16xf32>
        %mul3A_1136 = arith.mulf %get3A_13, %gather3A_1130 : vector<16xf32>
        %mul3A_1137 = arith.mulf %get3A_18, %gather3A_1135 : vector<16xf32>
        %add3A_1138 = arith.addf %mul3A_1136, %mul3A_1137 : vector<16xf32>
        %mul3A_1139 = arith.mulf %add3A_1138, %add3A_1138 : vector<16xf32>
        %mul3A_1140 = arith.constant 3.7037037E-4 : f32
        %mul3A_1141 = vector.broadcast %mul3A_1140 : f32 to vector<16xf32>
        %mul3A_1142 = arith.mulf %mul3A_1139, %mul3A_1141 : vector<16xf32>
        %sub3A_1143 = arith.constant 1.000000e+00 : f32
        %sub3A_1144 = vector.broadcast %sub3A_1143 : f32 to vector<16xf32>
        %sub3A_1145 = arith.subf %sub3A_1144, %mul3A_1142 : vector<16xf32>
        %mul3A_1146 = arith.mulf %add3A_1138, %sub3A_1145 : vector<16xf32>
        %exp3A_1147 = math.exp %mul3A_1146 : vector<16xf32>
        %add3A_1148 = arith.addf %add3A_1107, %exp3A_1147 : vector<16xf32>
        %mul3A_1149 = arith.mulf %exp3A_1147, %get3A_1118 : vector<16xf32>
        %add3A_1150 = arith.addf %add3A_1109, %mul3A_1149 : vector<16xf32>
        %mul3A_1151 = arith.mulf %exp3A_1147, %get3A_1125 : vector<16xf32>
        %add3A_1152 = arith.addf %add3A_1111, %mul3A_1151 : vector<16xf32>
        %mul3A_1153 = arith.constant 256 : i32
        %mul3A_1154 = arith.muli %while3A_893, %mul3A_1153 : i32
        %add3A_1155 = arith.constant 96 : i32
        %add3A_1156 = arith.addi %mul3A_1154, %add3A_1155 : i32
        %get3A_1157 = arith.index_cast %add3A_1156 : i32 to index
        %get3A_1158 = tpu.vector_load %arg14[%get3A_1157] {strides = array<i32>} : memref<32768xf32, #tpu.memory_space<vmem>>, vector<16xf32>,
        %get3A_1159 = vector.shape_cast %get3A_1158 : vector<16xf32> to vector<16xf32>
        %mul3A_1160 = arith.constant 256 : i32
        %mul3A_1161 = arith.muli %while3A_893, %mul3A_1160 : i32
        %add3A_1162 = arith.constant 96 : i32
        %add3A_1163 = arith.addi %mul3A_1161, %add3A_1162 : i32
        %get3A_1164 = arith.index_cast %add3A_1163 : i32 to index
        %get3A_1165 = tpu.vector_load %arg15[%get3A_1164] {strides = array<i32>} : memref<32768xf32, #tpu.memory_space<vmem>>, vector<16xf32>,
        %get3A_1166 = vector.shape_cast %get3A_1165 : vector<16xf32> to vector<16xf32>
        %broadcast_in_dim3A_1167 = arith.constant 6 : i32
        %broadcast_in_dim3A_1168 = vector.broadcast %broadcast_in_dim3A_1167 : i32 to vector<16xi32>
        %broadcast_in_dim3A_1169 = vector.shape_cast %broadcast_in_dim3A_1168 : vector<16xi32> to vector<16x1xi32>
        %gather3A_1170 = vector.shape_cast %broadcast_in_dim3A_1169 : vector<16x1xi32> to vector<16xi32>
        %gather3A_1171 = tpu.dynamic_gather %get3A_901[%gather3A_1170] in [0] : vector<16xf32>, vector<16xi32> -> vector<16xf32>
        %broadcast_in_dim3A_1172 = arith.constant 6 : i32
        %broadcast_in_dim3A_1173 = vector.broadcast %broadcast_in_dim3A_1172 : i32 to vector<16xi32>
        %broadcast_in_dim3A_1174 = vector.shape_cast %broadcast_in_dim3A_1173 : vector<16xi32> to vector<16x1xi32>
        %gather3A_1175 = vector.shape_cast %broadcast_in_dim3A_1174 : vector<16x1xi32> to vector<16xi32>
        %gather3A_1176 = tpu.dynamic_gather %get3A_906[%gather3A_1175] in [0] : vector<16xf32>, vector<16xi32> -> vector<16xf32>
        %mul3A_1177 = arith.mulf %get3A_13, %gather3A_1171 : vector<16xf32>
        %mul3A_1178 = arith.mulf %get3A_18, %gather3A_1176 : vector<16xf32>
        %add3A_1179 = arith.addf %mul3A_1177, %mul3A_1178 : vector<16xf32>
        %mul3A_1180 = arith.mulf %add3A_1179, %add3A_1179 : vector<16xf32>
        %mul3A_1181 = arith.constant 3.7037037E-4 : f32
        %mul3A_1182 = vector.broadcast %mul3A_1181 : f32 to vector<16xf32>
        %mul3A_1183 = arith.mulf %mul3A_1180, %mul3A_1182 : vector<16xf32>
        %sub3A_1184 = arith.constant 1.000000e+00 : f32
        %sub3A_1185 = vector.broadcast %sub3A_1184 : f32 to vector<16xf32>
        %sub3A_1186 = arith.subf %sub3A_1185, %mul3A_1183 : vector<16xf32>
        %mul3A_1187 = arith.mulf %add3A_1179, %sub3A_1186 : vector<16xf32>
        %exp3A_1188 = math.exp %mul3A_1187 : vector<16xf32>
        %add3A_1189 = arith.addf %add3A_1148, %exp3A_1188 : vector<16xf32>
        %mul3A_1190 = arith.mulf %exp3A_1188, %get3A_1159 : vector<16xf32>
        %add3A_1191 = arith.addf %add3A_1150, %mul3A_1190 : vector<16xf32>
        %mul3A_1192 = arith.mulf %exp3A_1188, %get3A_1166 : vector<16xf32>
        %add3A_1193 = arith.addf %add3A_1152, %mul3A_1192 : vector<16xf32>
        %mul3A_1194 = arith.constant 256 : i32
        %mul3A_1195 = arith.muli %while3A_893, %mul3A_1194 : i32
        %add3A_1196 = arith.constant 112 : i32
        %add3A_1197 = arith.addi %mul3A_1195, %add3A_1196 : i32
        %get3A_1198 = arith.index_cast %add3A_1197 : i32 to index
        %get3A_1199 = tpu.vector_load %arg14[%get3A_1198] {strides = array<i32>} : memref<32768xf32, #tpu.memory_space<vmem>>, vector<16xf32>,
        %get3A_1200 = vector.shape_cast %get3A_1199 : vector<16xf32> to vector<16xf32>
        %mul3A_1201 = arith.constant 256 : i32
        %mul3A_1202 = arith.muli %while3A_893, %mul3A_1201 : i32
        %add3A_1203 = arith.constant 112 : i32
        %add3A_1204 = arith.addi %mul3A_1202, %add3A_1203 : i32
        %get3A_1205 = arith.index_cast %add3A_1204 : i32 to index
        %get3A_1206 = tpu.vector_load %arg15[%get3A_1205] {strides = array<i32>} : memref<32768xf32, #tpu.memory_space<vmem>>, vector<16xf32>,
        %get3A_1207 = vector.shape_cast %get3A_1206 : vector<16xf32> to vector<16xf32>
        %broadcast_in_dim3A_1208 = arith.constant 7 : i32
        %broadcast_in_dim3A_1209 = vector.broadcast %broadcast_in_dim3A_1208 : i32 to vector<16xi32>
        %broadcast_in_dim3A_1210 = vector.shape_cast %broadcast_in_dim3A_1209 : vector<16xi32> to vector<16x1xi32>
        %gather3A_1211 = vector.shape_cast %broadcast_in_dim3A_1210 : vector<16x1xi32> to vector<16xi32>
        %gather3A_1212 = tpu.dynamic_gather %get3A_901[%gather3A_1211] in [0] : vector<16xf32>, vector<16xi32> -> vector<16xf32>
        %broadcast_in_dim3A_1213 = arith.constant 7 : i32
        %broadcast_in_dim3A_1214 = vector.broadcast %broadcast_in_dim3A_1213 : i32 to vector<16xi32>
        %broadcast_in_dim3A_1215 = vector.shape_cast %broadcast_in_dim3A_1214 : vector<16xi32> to vector<16x1xi32>
        %gather3A_1216 = vector.shape_cast %broadcast_in_dim3A_1215 : vector<16x1xi32> to vector<16xi32>
        %gather3A_1217 = tpu.dynamic_gather %get3A_906[%gather3A_1216] in [0] : vector<16xf32>, vector<16xi32> -> vector<16xf32>
        %mul3A_1218 = arith.mulf %get3A_13, %gather3A_1212 : vector<16xf32>
        %mul3A_1219 = arith.mulf %get3A_18, %gather3A_1217 : vector<16xf32>
        %add3A_1220 = arith.addf %mul3A_1218, %mul3A_1219 : vector<16xf32>
        %mul3A_1221 = arith.mulf %add3A_1220, %add3A_1220 : vector<16xf32>
        %mul3A_1222 = arith.constant 3.7037037E-4 : f32
        %mul3A_1223 = vector.broadcast %mul3A_1222 : f32 to vector<16xf32>
        %mul3A_1224 = arith.mulf %mul3A_1221, %mul3A_1223 : vector<16xf32>
        %sub3A_1225 = arith.constant 1.000000e+00 : f32
        %sub3A_1226 = vector.broadcast %sub3A_1225 : f32 to vector<16xf32>
        %sub3A_1227 = arith.subf %sub3A_1226, %mul3A_1224 : vector<16xf32>
        %mul3A_1228 = arith.mulf %add3A_1220, %sub3A_1227 : vector<16xf32>
        %exp3A_1229 = math.exp %mul3A_1228 : vector<16xf32>
        %add3A_1230 = arith.addf %add3A_1189, %exp3A_1229 : vector<16xf32>
        %mul3A_1231 = arith.mulf %exp3A_1229, %get3A_1200 : vector<16xf32>
        %add3A_1232 = arith.addf %add3A_1191, %mul3A_1231 : vector<16xf32>
        %mul3A_1233 = arith.mulf %exp3A_1229, %get3A_1207 : vector<16xf32>
        %add3A_1234 = arith.addf %add3A_1193, %mul3A_1233 : vector<16xf32>
        %mul3A_1235 = arith.constant 256 : i32
        %mul3A_1236 = arith.muli %while3A_893, %mul3A_1235 : i32
        %add3A_1237 = arith.constant 128 : i32
        %add3A_1238 = arith.addi %mul3A_1236, %add3A_1237 : i32
        %get3A_1239 = arith.index_cast %add3A_1238 : i32 to index
        %get3A_1240 = tpu.vector_load %arg14[%get3A_1239] {strides = array<i32>} : memref<32768xf32, #tpu.memory_space<vmem>>, vector<16xf32>,
        %get3A_1241 = vector.shape_cast %get3A_1240 : vector<16xf32> to vector<16xf32>
        %mul3A_1242 = arith.constant 256 : i32
        %mul3A_1243 = arith.muli %while3A_893, %mul3A_1242 : i32
        %add3A_1244 = arith.constant 128 : i32
        %add3A_1245 = arith.addi %mul3A_1243, %add3A_1244 : i32
        %get3A_1246 = arith.index_cast %add3A_1245 : i32 to index
        %get3A_1247 = tpu.vector_load %arg15[%get3A_1246] {strides = array<i32>} : memref<32768xf32, #tpu.memory_space<vmem>>, vector<16xf32>,
        %get3A_1248 = vector.shape_cast %get3A_1247 : vector<16xf32> to vector<16xf32>
        %broadcast_in_dim3A_1249 = arith.constant 8 : i32
        %broadcast_in_dim3A_1250 = vector.broadcast %broadcast_in_dim3A_1249 : i32 to vector<16xi32>
        %broadcast_in_dim3A_1251 = vector.shape_cast %broadcast_in_dim3A_1250 : vector<16xi32> to vector<16x1xi32>
        %gather3A_1252 = vector.shape_cast %broadcast_in_dim3A_1251 : vector<16x1xi32> to vector<16xi32>
        %gather3A_1253 = tpu.dynamic_gather %get3A_901[%gather3A_1252] in [0] : vector<16xf32>, vector<16xi32> -> vector<16xf32>
        %broadcast_in_dim3A_1254 = arith.constant 8 : i32
        %broadcast_in_dim3A_1255 = vector.broadcast %broadcast_in_dim3A_1254 : i32 to vector<16xi32>
        %broadcast_in_dim3A_1256 = vector.shape_cast %broadcast_in_dim3A_1255 : vector<16xi32> to vector<16x1xi32>
        %gather3A_1257 = vector.shape_cast %broadcast_in_dim3A_1256 : vector<16x1xi32> to vector<16xi32>
        %gather3A_1258 = tpu.dynamic_gather %get3A_906[%gather3A_1257] in [0] : vector<16xf32>, vector<16xi32> -> vector<16xf32>
        %mul3A_1259 = arith.mulf %get3A_13, %gather3A_1253 : vector<16xf32>
        %mul3A_1260 = arith.mulf %get3A_18, %gather3A_1258 : vector<16xf32>
        %add3A_1261 = arith.addf %mul3A_1259, %mul3A_1260 : vector<16xf32>
        %mul3A_1262 = arith.mulf %add3A_1261, %add3A_1261 : vector<16xf32>
        %mul3A_1263 = arith.constant 3.7037037E-4 : f32
        %mul3A_1264 = vector.broadcast %mul3A_1263 : f32 to vector<16xf32>
        %mul3A_1265 = arith.mulf %mul3A_1262, %mul3A_1264 : vector<16xf32>
        %sub3A_1266 = arith.constant 1.000000e+00 : f32
        %sub3A_1267 = vector.broadcast %sub3A_1266 : f32 to vector<16xf32>
        %sub3A_1268 = arith.subf %sub3A_1267, %mul3A_1265 : vector<16xf32>
        %mul3A_1269 = arith.mulf %add3A_1261, %sub3A_1268 : vector<16xf32>
        %exp3A_1270 = math.exp %mul3A_1269 : vector<16xf32>
        %add3A_1271 = arith.addf %add3A_1230, %exp3A_1270 : vector<16xf32>
        %mul3A_1272 = arith.mulf %exp3A_1270, %get3A_1241 : vector<16xf32>
        %add3A_1273 = arith.addf %add3A_1232, %mul3A_1272 : vector<16xf32>
        %mul3A_1274 = arith.mulf %exp3A_1270, %get3A_1248 : vector<16xf32>
        %add3A_1275 = arith.addf %add3A_1234, %mul3A_1274 : vector<16xf32>
        %mul3A_1276 = arith.constant 256 : i32
        %mul3A_1277 = arith.muli %while3A_893, %mul3A_1276 : i32
        %add3A_1278 = arith.constant 144 : i32
        %add3A_1279 = arith.addi %mul3A_1277, %add3A_1278 : i32
        %get3A_1280 = arith.index_cast %add3A_1279 : i32 to index
        %get3A_1281 = tpu.vector_load %arg14[%get3A_1280] {strides = array<i32>} : memref<32768xf32, #tpu.memory_space<vmem>>, vector<16xf32>,
        %get3A_1282 = vector.shape_cast %get3A_1281 : vector<16xf32> to vector<16xf32>
        %mul3A_1283 = arith.constant 256 : i32
        %mul3A_1284 = arith.muli %while3A_893, %mul3A_1283 : i32
        %add3A_1285 = arith.constant 144 : i32
        %add3A_1286 = arith.addi %mul3A_1284, %add3A_1285 : i32
        %get3A_1287 = arith.index_cast %add3A_1286 : i32 to index
        %get3A_1288 = tpu.vector_load %arg15[%get3A_1287] {strides = array<i32>} : memref<32768xf32, #tpu.memory_space<vmem>>, vector<16xf32>,
        %get3A_1289 = vector.shape_cast %get3A_1288 : vector<16xf32> to vector<16xf32>
        %broadcast_in_dim3A_1290 = arith.constant 9 : i32
        %broadcast_in_dim3A_1291 = vector.broadcast %broadcast_in_dim3A_1290 : i32 to vector<16xi32>
        %broadcast_in_dim3A_1292 = vector.shape_cast %broadcast_in_dim3A_1291 : vector<16xi32> to vector<16x1xi32>
        %gather3A_1293 = vector.shape_cast %broadcast_in_dim3A_1292 : vector<16x1xi32> to vector<16xi32>
        %gather3A_1294 = tpu.dynamic_gather %get3A_901[%gather3A_1293] in [0] : vector<16xf32>, vector<16xi32> -> vector<16xf32>
        %broadcast_in_dim3A_1295 = arith.constant 9 : i32
        %broadcast_in_dim3A_1296 = vector.broadcast %broadcast_in_dim3A_1295 : i32 to vector<16xi32>
        %broadcast_in_dim3A_1297 = vector.shape_cast %broadcast_in_dim3A_1296 : vector<16xi32> to vector<16x1xi32>
        %gather3A_1298 = vector.shape_cast %broadcast_in_dim3A_1297 : vector<16x1xi32> to vector<16xi32>
        %gather3A_1299 = tpu.dynamic_gather %get3A_906[%gather3A_1298] in [0] : vector<16xf32>, vector<16xi32> -> vector<16xf32>
        %mul3A_1300 = arith.mulf %get3A_13, %gather3A_1294 : vector<16xf32>
        %mul3A_1301 = arith.mulf %get3A_18, %gather3A_1299 : vector<16xf32>
        %add3A_1302 = arith.addf %mul3A_1300, %mul3A_1301 : vector<16xf32>
        %mul3A_1303 = arith.mulf %add3A_1302, %add3A_1302 : vector<16xf32>
        %mul3A_1304 = arith.constant 3.7037037E-4 : f32
        %mul3A_1305 = vector.broadcast %mul3A_1304 : f32 to vector<16xf32>
        %mul3A_1306 = arith.mulf %mul3A_1303, %mul3A_1305 : vector<16xf32>
        %sub3A_1307 = arith.constant 1.000000e+00 : f32
        %sub3A_1308 = vector.broadcast %sub3A_1307 : f32 to vector<16xf32>
        %sub3A_1309 = arith.subf %sub3A_1308, %mul3A_1306 : vector<16xf32>
        %mul3A_1310 = arith.mulf %add3A_1302, %sub3A_1309 : vector<16xf32>
        %exp3A_1311 = math.exp %mul3A_1310 : vector<16xf32>
        %add3A_1312 = arith.addf %add3A_1271, %exp3A_1311 : vector<16xf32>
        %mul3A_1313 = arith.mulf %exp3A_1311, %get3A_1282 : vector<16xf32>
        %add3A_1314 = arith.addf %add3A_1273, %mul3A_1313 : vector<16xf32>
        %mul3A_1315 = arith.mulf %exp3A_1311, %get3A_1289 : vector<16xf32>
        %add3A_1316 = arith.addf %add3A_1275, %mul3A_1315 : vector<16xf32>
        %mul3A_1317 = arith.constant 256 : i32
        %mul3A_1318 = arith.muli %while3A_893, %mul3A_1317 : i32
        %add3A_1319 = arith.constant 160 : i32
        %add3A_1320 = arith.addi %mul3A_1318, %add3A_1319 : i32
        %get3A_1321 = arith.index_cast %add3A_1320 : i32 to index
        %get3A_1322 = tpu.vector_load %arg14[%get3A_1321] {strides = array<i32>} : memref<32768xf32, #tpu.memory_space<vmem>>, vector<16xf32>,
        %get3A_1323 = vector.shape_cast %get3A_1322 : vector<16xf32> to vector<16xf32>
        %mul3A_1324 = arith.constant 256 : i32
        %mul3A_1325 = arith.muli %while3A_893, %mul3A_1324 : i32
        %add3A_1326 = arith.constant 160 : i32
        %add3A_1327 = arith.addi %mul3A_1325, %add3A_1326 : i32
        %get3A_1328 = arith.index_cast %add3A_1327 : i32 to index
        %get3A_1329 = tpu.vector_load %arg15[%get3A_1328] {strides = array<i32>} : memref<32768xf32, #tpu.memory_space<vmem>>, vector<16xf32>,
        %get3A_1330 = vector.shape_cast %get3A_1329 : vector<16xf32> to vector<16xf32>
        %broadcast_in_dim3A_1331 = arith.constant 10 : i32
        %broadcast_in_dim3A_1332 = vector.broadcast %broadcast_in_dim3A_1331 : i32 to vector<16xi32>
        %broadcast_in_dim3A_1333 = vector.shape_cast %broadcast_in_dim3A_1332 : vector<16xi32> to vector<16x1xi32>
        %gather3A_1334 = vector.shape_cast %broadcast_in_dim3A_1333 : vector<16x1xi32> to vector<16xi32>
        %gather3A_1335 = tpu.dynamic_gather %get3A_901[%gather3A_1334] in [0] : vector<16xf32>, vector<16xi32> -> vector<16xf32>
        %broadcast_in_dim3A_1336 = arith.constant 10 : i32
        %broadcast_in_dim3A_1337 = vector.broadcast %broadcast_in_dim3A_1336 : i32 to vector<16xi32>
        %broadcast_in_dim3A_1338 = vector.shape_cast %broadcast_in_dim3A_1337 : vector<16xi32> to vector<16x1xi32>
        %gather3A_1339 = vector.shape_cast %broadcast_in_dim3A_1338 : vector<16x1xi32> to vector<16xi32>
        %gather3A_1340 = tpu.dynamic_gather %get3A_906[%gather3A_1339] in [0] : vector<16xf32>, vector<16xi32> -> vector<16xf32>
        %mul3A_1341 = arith.mulf %get3A_13, %gather3A_1335 : vector<16xf32>
        %mul3A_1342 = arith.mulf %get3A_18, %gather3A_1340 : vector<16xf32>
        %add3A_1343 = arith.addf %mul3A_1341, %mul3A_1342 : vector<16xf32>
        %mul3A_1344 = arith.mulf %add3A_1343, %add3A_1343 : vector<16xf32>
        %mul3A_1345 = arith.constant 3.7037037E-4 : f32
        %mul3A_1346 = vector.broadcast %mul3A_1345 : f32 to vector<16xf32>
        %mul3A_1347 = arith.mulf %mul3A_1344, %mul3A_1346 : vector<16xf32>
        %sub3A_1348 = arith.constant 1.000000e+00 : f32
        %sub3A_1349 = vector.broadcast %sub3A_1348 : f32 to vector<16xf32>
        %sub3A_1350 = arith.subf %sub3A_1349, %mul3A_1347 : vector<16xf32>
        %mul3A_1351 = arith.mulf %add3A_1343, %sub3A_1350 : vector<16xf32>
        %exp3A_1352 = math.exp %mul3A_1351 : vector<16xf32>
        %add3A_1353 = arith.addf %add3A_1312, %exp3A_1352 : vector<16xf32>
        %mul3A_1354 = arith.mulf %exp3A_1352, %get3A_1323 : vector<16xf32>
        %add3A_1355 = arith.addf %add3A_1314, %mul3A_1354 : vector<16xf32>
        %mul3A_1356 = arith.mulf %exp3A_1352, %get3A_1330 : vector<16xf32>
        %add3A_1357 = arith.addf %add3A_1316, %mul3A_1356 : vector<16xf32>
        %mul3A_1358 = arith.constant 256 : i32
        %mul3A_1359 = arith.muli %while3A_893, %mul3A_1358 : i32
        %add3A_1360 = arith.constant 176 : i32
        %add3A_1361 = arith.addi %mul3A_1359, %add3A_1360 : i32
        %get3A_1362 = arith.index_cast %add3A_1361 : i32 to index
        %get3A_1363 = tpu.vector_load %arg14[%get3A_1362] {strides = array<i32>} : memref<32768xf32, #tpu.memory_space<vmem>>, vector<16xf32>,
        %get3A_1364 = vector.shape_cast %get3A_1363 : vector<16xf32> to vector<16xf32>
        %mul3A_1365 = arith.constant 256 : i32
        %mul3A_1366 = arith.muli %while3A_893, %mul3A_1365 : i32
        %add3A_1367 = arith.constant 176 : i32
        %add3A_1368 = arith.addi %mul3A_1366, %add3A_1367 : i32
        %get3A_1369 = arith.index_cast %add3A_1368 : i32 to index
        %get3A_1370 = tpu.vector_load %arg15[%get3A_1369] {strides = array<i32>} : memref<32768xf32, #tpu.memory_space<vmem>>, vector<16xf32>,
        %get3A_1371 = vector.shape_cast %get3A_1370 : vector<16xf32> to vector<16xf32>
        %broadcast_in_dim3A_1372 = arith.constant 11 : i32
        %broadcast_in_dim3A_1373 = vector.broadcast %broadcast_in_dim3A_1372 : i32 to vector<16xi32>
        %broadcast_in_dim3A_1374 = vector.shape_cast %broadcast_in_dim3A_1373 : vector<16xi32> to vector<16x1xi32>
        %gather3A_1375 = vector.shape_cast %broadcast_in_dim3A_1374 : vector<16x1xi32> to vector<16xi32>
        %gather3A_1376 = tpu.dynamic_gather %get3A_901[%gather3A_1375] in [0] : vector<16xf32>, vector<16xi32> -> vector<16xf32>
        %broadcast_in_dim3A_1377 = arith.constant 11 : i32
        %broadcast_in_dim3A_1378 = vector.broadcast %broadcast_in_dim3A_1377 : i32 to vector<16xi32>
        %broadcast_in_dim3A_1379 = vector.shape_cast %broadcast_in_dim3A_1378 : vector<16xi32> to vector<16x1xi32>
        %gather3A_1380 = vector.shape_cast %broadcast_in_dim3A_1379 : vector<16x1xi32> to vector<16xi32>
        %gather3A_1381 = tpu.dynamic_gather %get3A_906[%gather3A_1380] in [0] : vector<16xf32>, vector<16xi32> -> vector<16xf32>
        %mul3A_1382 = arith.mulf %get3A_13, %gather3A_1376 : vector<16xf32>
        %mul3A_1383 = arith.mulf %get3A_18, %gather3A_1381 : vector<16xf32>
        %add3A_1384 = arith.addf %mul3A_1382, %mul3A_1383 : vector<16xf32>
        %mul3A_1385 = arith.mulf %add3A_1384, %add3A_1384 : vector<16xf32>
        %mul3A_1386 = arith.constant 3.7037037E-4 : f32
        %mul3A_1387 = vector.broadcast %mul3A_1386 : f32 to vector<16xf32>
        %mul3A_1388 = arith.mulf %mul3A_1385, %mul3A_1387 : vector<16xf32>
        %sub3A_1389 = arith.constant 1.000000e+00 : f32
        %sub3A_1390 = vector.broadcast %sub3A_1389 : f32 to vector<16xf32>
        %sub3A_1391 = arith.subf %sub3A_1390, %mul3A_1388 : vector<16xf32>
        %mul3A_1392 = arith.mulf %add3A_1384, %sub3A_1391 : vector<16xf32>
        %exp3A_1393 = math.exp %mul3A_1392 : vector<16xf32>
        %add3A_1394 = arith.addf %add3A_1353, %exp3A_1393 : vector<16xf32>
        %mul3A_1395 = arith.mulf %exp3A_1393, %get3A_1364 : vector<16xf32>
        %add3A_1396 = arith.addf %add3A_1355, %mul3A_1395 : vector<16xf32>
        %mul3A_1397 = arith.mulf %exp3A_1393, %get3A_1371 : vector<16xf32>
        %add3A_1398 = arith.addf %add3A_1357, %mul3A_1397 : vector<16xf32>
        %mul3A_1399 = arith.constant 256 : i32
        %mul3A_1400 = arith.muli %while3A_893, %mul3A_1399 : i32
        %add3A_1401 = arith.constant 192 : i32
        %add3A_1402 = arith.addi %mul3A_1400, %add3A_1401 : i32
        %get3A_1403 = arith.index_cast %add3A_1402 : i32 to index
        %get3A_1404 = tpu.vector_load %arg14[%get3A_1403] {strides = array<i32>} : memref<32768xf32, #tpu.memory_space<vmem>>, vector<16xf32>,
        %get3A_1405 = vector.shape_cast %get3A_1404 : vector<16xf32> to vector<16xf32>
        %mul3A_1406 = arith.constant 256 : i32
        %mul3A_1407 = arith.muli %while3A_893, %mul3A_1406 : i32
        %add3A_1408 = arith.constant 192 : i32
        %add3A_1409 = arith.addi %mul3A_1407, %add3A_1408 : i32
        %get3A_1410 = arith.index_cast %add3A_1409 : i32 to index
        %get3A_1411 = tpu.vector_load %arg15[%get3A_1410] {strides = array<i32>} : memref<32768xf32, #tpu.memory_space<vmem>>, vector<16xf32>,
        %get3A_1412 = vector.shape_cast %get3A_1411 : vector<16xf32> to vector<16xf32>
        %broadcast_in_dim3A_1413 = arith.constant 12 : i32
        %broadcast_in_dim3A_1414 = vector.broadcast %broadcast_in_dim3A_1413 : i32 to vector<16xi32>
        %broadcast_in_dim3A_1415 = vector.shape_cast %broadcast_in_dim3A_1414 : vector<16xi32> to vector<16x1xi32>
        %gather3A_1416 = vector.shape_cast %broadcast_in_dim3A_1415 : vector<16x1xi32> to vector<16xi32>
        %gather3A_1417 = tpu.dynamic_gather %get3A_901[%gather3A_1416] in [0] : vector<16xf32>, vector<16xi32> -> vector<16xf32>
        %broadcast_in_dim3A_1418 = arith.constant 12 : i32
        %broadcast_in_dim3A_1419 = vector.broadcast %broadcast_in_dim3A_1418 : i32 to vector<16xi32>
        %broadcast_in_dim3A_1420 = vector.shape_cast %broadcast_in_dim3A_1419 : vector<16xi32> to vector<16x1xi32>
        %gather3A_1421 = vector.shape_cast %broadcast_in_dim3A_1420 : vector<16x1xi32> to vector<16xi32>
        %gather3A_1422 = tpu.dynamic_gather %get3A_906[%gather3A_1421] in [0] : vector<16xf32>, vector<16xi32> -> vector<16xf32>
        %mul3A_1423 = arith.mulf %get3A_13, %gather3A_1417 : vector<16xf32>
        %mul3A_1424 = arith.mulf %get3A_18, %gather3A_1422 : vector<16xf32>
        %add3A_1425 = arith.addf %mul3A_1423, %mul3A_1424 : vector<16xf32>
        %mul3A_1426 = arith.mulf %add3A_1425, %add3A_1425 : vector<16xf32>
        %mul3A_1427 = arith.constant 3.7037037E-4 : f32
        %mul3A_1428 = vector.broadcast %mul3A_1427 : f32 to vector<16xf32>
        %mul3A_1429 = arith.mulf %mul3A_1426, %mul3A_1428 : vector<16xf32>
        %sub3A_1430 = arith.constant 1.000000e+00 : f32
        %sub3A_1431 = vector.broadcast %sub3A_1430 : f32 to vector<16xf32>
        %sub3A_1432 = arith.subf %sub3A_1431, %mul3A_1429 : vector<16xf32>
        %mul3A_1433 = arith.mulf %add3A_1425, %sub3A_1432 : vector<16xf32>
        %exp3A_1434 = math.exp %mul3A_1433 : vector<16xf32>
        %add3A_1435 = arith.addf %add3A_1394, %exp3A_1434 : vector<16xf32>
        %mul3A_1436 = arith.mulf %exp3A_1434, %get3A_1405 : vector<16xf32>
        %add3A_1437 = arith.addf %add3A_1396, %mul3A_1436 : vector<16xf32>
        %mul3A_1438 = arith.mulf %exp3A_1434, %get3A_1412 : vector<16xf32>
        %add3A_1439 = arith.addf %add3A_1398, %mul3A_1438 : vector<16xf32>
        %mul3A_1440 = arith.constant 256 : i32
        %mul3A_1441 = arith.muli %while3A_893, %mul3A_1440 : i32
        %add3A_1442 = arith.constant 208 : i32
        %add3A_1443 = arith.addi %mul3A_1441, %add3A_1442 : i32
        %get3A_1444 = arith.index_cast %add3A_1443 : i32 to index
        %get3A_1445 = tpu.vector_load %arg14[%get3A_1444] {strides = array<i32>} : memref<32768xf32, #tpu.memory_space<vmem>>, vector<16xf32>,
        %get3A_1446 = vector.shape_cast %get3A_1445 : vector<16xf32> to vector<16xf32>
        %mul3A_1447 = arith.constant 256 : i32
        %mul3A_1448 = arith.muli %while3A_893, %mul3A_1447 : i32
        %add3A_1449 = arith.constant 208 : i32
        %add3A_1450 = arith.addi %mul3A_1448, %add3A_1449 : i32
        %get3A_1451 = arith.index_cast %add3A_1450 : i32 to index
        %get3A_1452 = tpu.vector_load %arg15[%get3A_1451] {strides = array<i32>} : memref<32768xf32, #tpu.memory_space<vmem>>, vector<16xf32>,
        %get3A_1453 = vector.shape_cast %get3A_1452 : vector<16xf32> to vector<16xf32>
        %broadcast_in_dim3A_1454 = arith.constant 13 : i32
        %broadcast_in_dim3A_1455 = vector.broadcast %broadcast_in_dim3A_1454 : i32 to vector<16xi32>
        %broadcast_in_dim3A_1456 = vector.shape_cast %broadcast_in_dim3A_1455 : vector<16xi32> to vector<16x1xi32>
        %gather3A_1457 = vector.shape_cast %broadcast_in_dim3A_1456 : vector<16x1xi32> to vector<16xi32>
        %gather3A_1458 = tpu.dynamic_gather %get3A_901[%gather3A_1457] in [0] : vector<16xf32>, vector<16xi32> -> vector<16xf32>
        %broadcast_in_dim3A_1459 = arith.constant 13 : i32
        %broadcast_in_dim3A_1460 = vector.broadcast %broadcast_in_dim3A_1459 : i32 to vector<16xi32>
        %broadcast_in_dim3A_1461 = vector.shape_cast %broadcast_in_dim3A_1460 : vector<16xi32> to vector<16x1xi32>
        %gather3A_1462 = vector.shape_cast %broadcast_in_dim3A_1461 : vector<16x1xi32> to vector<16xi32>
        %gather3A_1463 = tpu.dynamic_gather %get3A_906[%gather3A_1462] in [0] : vector<16xf32>, vector<16xi32> -> vector<16xf32>
        %mul3A_1464 = arith.mulf %get3A_13, %gather3A_1458 : vector<16xf32>
        %mul3A_1465 = arith.mulf %get3A_18, %gather3A_1463 : vector<16xf32>
        %add3A_1466 = arith.addf %mul3A_1464, %mul3A_1465 : vector<16xf32>
        %mul3A_1467 = arith.mulf %add3A_1466, %add3A_1466 : vector<16xf32>
        %mul3A_1468 = arith.constant 3.7037037E-4 : f32
        %mul3A_1469 = vector.broadcast %mul3A_1468 : f32 to vector<16xf32>
        %mul3A_1470 = arith.mulf %mul3A_1467, %mul3A_1469 : vector<16xf32>
        %sub3A_1471 = arith.constant 1.000000e+00 : f32
        %sub3A_1472 = vector.broadcast %sub3A_1471 : f32 to vector<16xf32>
        %sub3A_1473 = arith.subf %sub3A_1472, %mul3A_1470 : vector<16xf32>
        %mul3A_1474 = arith.mulf %add3A_1466, %sub3A_1473 : vector<16xf32>
        %exp3A_1475 = math.exp %mul3A_1474 : vector<16xf32>
        %add3A_1476 = arith.addf %add3A_1435, %exp3A_1475 : vector<16xf32>
        %mul3A_1477 = arith.mulf %exp3A_1475, %get3A_1446 : vector<16xf32>
        %add3A_1478 = arith.addf %add3A_1437, %mul3A_1477 : vector<16xf32>
        %mul3A_1479 = arith.mulf %exp3A_1475, %get3A_1453 : vector<16xf32>
        %add3A_1480 = arith.addf %add3A_1439, %mul3A_1479 : vector<16xf32>
        %mul3A_1481 = arith.constant 256 : i32
        %mul3A_1482 = arith.muli %while3A_893, %mul3A_1481 : i32
        %add3A_1483 = arith.constant 224 : i32
        %add3A_1484 = arith.addi %mul3A_1482, %add3A_1483 : i32
        %get3A_1485 = arith.index_cast %add3A_1484 : i32 to index
        %get3A_1486 = tpu.vector_load %arg14[%get3A_1485] {strides = array<i32>} : memref<32768xf32, #tpu.memory_space<vmem>>, vector<16xf32>,
        %get3A_1487 = vector.shape_cast %get3A_1486 : vector<16xf32> to vector<16xf32>
        %mul3A_1488 = arith.constant 256 : i32
        %mul3A_1489 = arith.muli %while3A_893, %mul3A_1488 : i32
        %add3A_1490 = arith.constant 224 : i32
        %add3A_1491 = arith.addi %mul3A_1489, %add3A_1490 : i32
        %get3A_1492 = arith.index_cast %add3A_1491 : i32 to index
        %get3A_1493 = tpu.vector_load %arg15[%get3A_1492] {strides = array<i32>} : memref<32768xf32, #tpu.memory_space<vmem>>, vector<16xf32>,
        %get3A_1494 = vector.shape_cast %get3A_1493 : vector<16xf32> to vector<16xf32>
        %broadcast_in_dim3A_1495 = arith.constant 14 : i32
        %broadcast_in_dim3A_1496 = vector.broadcast %broadcast_in_dim3A_1495 : i32 to vector<16xi32>
        %broadcast_in_dim3A_1497 = vector.shape_cast %broadcast_in_dim3A_1496 : vector<16xi32> to vector<16x1xi32>
        %gather3A_1498 = vector.shape_cast %broadcast_in_dim3A_1497 : vector<16x1xi32> to vector<16xi32>
        %gather3A_1499 = tpu.dynamic_gather %get3A_901[%gather3A_1498] in [0] : vector<16xf32>, vector<16xi32> -> vector<16xf32>
        %broadcast_in_dim3A_1500 = arith.constant 14 : i32
        %broadcast_in_dim3A_1501 = vector.broadcast %broadcast_in_dim3A_1500 : i32 to vector<16xi32>
        %broadcast_in_dim3A_1502 = vector.shape_cast %broadcast_in_dim3A_1501 : vector<16xi32> to vector<16x1xi32>
        %gather3A_1503 = vector.shape_cast %broadcast_in_dim3A_1502 : vector<16x1xi32> to vector<16xi32>
        %gather3A_1504 = tpu.dynamic_gather %get3A_906[%gather3A_1503] in [0] : vector<16xf32>, vector<16xi32> -> vector<16xf32>
        %mul3A_1505 = arith.mulf %get3A_13, %gather3A_1499 : vector<16xf32>
        %mul3A_1506 = arith.mulf %get3A_18, %gather3A_1504 : vector<16xf32>
        %add3A_1507 = arith.addf %mul3A_1505, %mul3A_1506 : vector<16xf32>
        %mul3A_1508 = arith.mulf %add3A_1507, %add3A_1507 : vector<16xf32>
        %mul3A_1509 = arith.constant 3.7037037E-4 : f32
        %mul3A_1510 = vector.broadcast %mul3A_1509 : f32 to vector<16xf32>
        %mul3A_1511 = arith.mulf %mul3A_1508, %mul3A_1510 : vector<16xf32>
        %sub3A_1512 = arith.constant 1.000000e+00 : f32
        %sub3A_1513 = vector.broadcast %sub3A_1512 : f32 to vector<16xf32>
        %sub3A_1514 = arith.subf %sub3A_1513, %mul3A_1511 : vector<16xf32>
        %mul3A_1515 = arith.mulf %add3A_1507, %sub3A_1514 : vector<16xf32>
        %exp3A_1516 = math.exp %mul3A_1515 : vector<16xf32>
        %add3A_1517 = arith.addf %add3A_1476, %exp3A_1516 : vector<16xf32>
        %mul3A_1518 = arith.mulf %exp3A_1516, %get3A_1487 : vector<16xf32>
        %add3A_1519 = arith.addf %add3A_1478, %mul3A_1518 : vector<16xf32>
        %mul3A_1520 = arith.mulf %exp3A_1516, %get3A_1494 : vector<16xf32>
        %add3A_1521 = arith.addf %add3A_1480, %mul3A_1520 : vector<16xf32>
        %mul3A_1522 = arith.constant 256 : i32
        %mul3A_1523 = arith.muli %while3A_893, %mul3A_1522 : i32
        %add3A_1524 = arith.constant 240 : i32
        %add3A_1525 = arith.addi %mul3A_1523, %add3A_1524 : i32
        %get3A_1526 = arith.index_cast %add3A_1525 : i32 to index
        %get3A_1527 = tpu.vector_load %arg14[%get3A_1526] {strides = array<i32>} : memref<32768xf32, #tpu.memory_space<vmem>>, vector<16xf32>,
        %get3A_1528 = vector.shape_cast %get3A_1527 : vector<16xf32> to vector<16xf32>
        %mul3A_1529 = arith.constant 256 : i32
        %mul3A_1530 = arith.muli %while3A_893, %mul3A_1529 : i32
        %add3A_1531 = arith.constant 240 : i32
        %add3A_1532 = arith.addi %mul3A_1530, %add3A_1531 : i32
        %get3A_1533 = arith.index_cast %add3A_1532 : i32 to index
        %get3A_1534 = tpu.vector_load %arg15[%get3A_1533] {strides = array<i32>} : memref<32768xf32, #tpu.memory_space<vmem>>, vector<16xf32>,
        %get3A_1535 = vector.shape_cast %get3A_1534 : vector<16xf32> to vector<16xf32>
        %broadcast_in_dim3A_1536 = arith.constant 15 : i32
        %broadcast_in_dim3A_1537 = vector.broadcast %broadcast_in_dim3A_1536 : i32 to vector<16xi32>
        %broadcast_in_dim3A_1538 = vector.shape_cast %broadcast_in_dim3A_1537 : vector<16xi32> to vector<16x1xi32>
        %gather3A_1539 = vector.shape_cast %broadcast_in_dim3A_1538 : vector<16x1xi32> to vector<16xi32>
        %gather3A_1540 = tpu.dynamic_gather %get3A_901[%gather3A_1539] in [0] : vector<16xf32>, vector<16xi32> -> vector<16xf32>
        %broadcast_in_dim3A_1541 = arith.constant 15 : i32
        %broadcast_in_dim3A_1542 = vector.broadcast %broadcast_in_dim3A_1541 : i32 to vector<16xi32>
        %broadcast_in_dim3A_1543 = vector.shape_cast %broadcast_in_dim3A_1542 : vector<16xi32> to vector<16x1xi32>
        %gather3A_1544 = vector.shape_cast %broadcast_in_dim3A_1543 : vector<16x1xi32> to vector<16xi32>
        %gather3A_1545 = tpu.dynamic_gather %get3A_906[%gather3A_1544] in [0] : vector<16xf32>, vector<16xi32> -> vector<16xf32>
        %mul3A_1546 = arith.mulf %get3A_13, %gather3A_1540 : vector<16xf32>
        %mul3A_1547 = arith.mulf %get3A_18, %gather3A_1545 : vector<16xf32>
        %add3A_1548 = arith.addf %mul3A_1546, %mul3A_1547 : vector<16xf32>
        %mul3A_1549 = arith.mulf %add3A_1548, %add3A_1548 : vector<16xf32>
        %mul3A_1550 = arith.constant 3.7037037E-4 : f32
        %mul3A_1551 = vector.broadcast %mul3A_1550 : f32 to vector<16xf32>
        %mul3A_1552 = arith.mulf %mul3A_1549, %mul3A_1551 : vector<16xf32>
        %sub3A_1553 = arith.constant 1.000000e+00 : f32
        %sub3A_1554 = vector.broadcast %sub3A_1553 : f32 to vector<16xf32>
        %sub3A_1555 = arith.subf %sub3A_1554, %mul3A_1552 : vector<16xf32>
        %mul3A_1556 = arith.mulf %add3A_1548, %sub3A_1555 : vector<16xf32>
        %exp3A_1557 = math.exp %mul3A_1556 : vector<16xf32>
        %add3A_1558 = arith.addf %add3A_1517, %exp3A_1557 : vector<16xf32>
        %mul3A_1559 = arith.mulf %exp3A_1557, %get3A_1528 : vector<16xf32>
        %add3A_1560 = arith.addf %add3A_1519, %mul3A_1559 : vector<16xf32>
        %mul3A_1561 = arith.mulf %exp3A_1557, %get3A_1535 : vector<16xf32>
        %add3A_1562 = arith.addf %add3A_1521, %mul3A_1561 : vector<16xf32>
        scf.yield %add3A_1558, %add3A_1560, %add3A_1562 : vector<16xf32>, vector<16xf32>, vector<16xf32>
      }
      %mul3A_29 = arith.constant 16 : i32
      %mul3A_30 = arith.muli %scan3A_8, %mul3A_29 : i32
      %get3A_31 = arith.index_cast %mul3A_30 : i32 to index
      %get3A_32 = tpu.vector_load %arg12[%get3A_31] {strides = array<i32>} : memref<2048xf32, #tpu.memory_space<vmem>>, vector<16xf32>,
      %get3A_33 = vector.shape_cast %get3A_32 : vector<16xf32> to vector<16xf32>
      %mul3A_34 = arith.constant 16 : i32
      %mul3A_35 = arith.muli %scan3A_8, %mul3A_34 : i32
      %get3A_36 = arith.index_cast %mul3A_35 : i32 to index
      %get3A_37 = tpu.vector_load %arg13[%get3A_36] {strides = array<i32>} : memref<2048xf32, #tpu.memory_space<vmem>>, vector<16xf32>,
      %get3A_38 = vector.shape_cast %get3A_37 : vector<16xf32> to vector<16xf32>
      %mul3A_39 = arith.constant 256 : i32
      %mul3A_40 = arith.muli %scan3A_8, %mul3A_39 : i32
      %add3A_41 = arith.constant 0 : i32
      %add3A_42 = arith.addi %mul3A_40, %add3A_41 : i32
      %get3A_43 = arith.index_cast %add3A_42 : i32 to index
      %get3A_44 = tpu.vector_load %arg14[%get3A_43] {strides = array<i32>} : memref<32768xf32, #tpu.memory_space<vmem>>, vector<16xf32>,
      %get3A_45 = vector.shape_cast %get3A_44 : vector<16xf32> to vector<16xf32>
      %mul3A_46 = arith.constant 256 : i32
      %mul3A_47 = arith.muli %scan3A_8, %mul3A_46 : i32
      %add3A_48 = arith.constant 0 : i32
      %add3A_49 = arith.addi %mul3A_47, %add3A_48 : i32
      %get3A_50 = arith.index_cast %add3A_49 : i32 to index
      %get3A_51 = tpu.vector_load %arg15[%get3A_50] {strides = array<i32>} : memref<32768xf32, #tpu.memory_space<vmem>>, vector<16xf32>,
      %get3A_52 = vector.shape_cast %get3A_51 : vector<16xf32> to vector<16xf32>
      %broadcast_in_dim3A_53 = arith.constant 0 : i32
      %broadcast_in_dim3A_54 = vector.broadcast %broadcast_in_dim3A_53 : i32 to vector<16xi32>
      %broadcast_in_dim3A_55 = vector.shape_cast %broadcast_in_dim3A_54 : vector<16xi32> to vector<16x1xi32>
      %gather3A = vector.shape_cast %broadcast_in_dim3A_55 : vector<16x1xi32> to vector<16xi32>
      %gather3A_56 = tpu.dynamic_gather %get3A_33[%gather3A] in [0] : vector<16xf32>, vector<16xi32> -> vector<16xf32>
      %broadcast_in_dim3A_57 = arith.constant 0 : i32
      %broadcast_in_dim3A_58 = vector.broadcast %broadcast_in_dim3A_57 : i32 to vector<16xi32>
      %broadcast_in_dim3A_59 = vector.shape_cast %broadcast_in_dim3A_58 : vector<16xi32> to vector<16x1xi32>
      %gather3A_60 = vector.shape_cast %broadcast_in_dim3A_59 : vector<16x1xi32> to vector<16xi32>
      %gather3A_61 = tpu.dynamic_gather %get3A_38[%gather3A_60] in [0] : vector<16xf32>, vector<16xi32> -> vector<16xf32>
      %mul3A_62 = arith.mulf %get3A_13, %gather3A_56 : vector<16xf32>
      %mul3A_63 = arith.mulf %get3A_18, %gather3A_61 : vector<16xf32>
      %add3A_64 = arith.addf %mul3A_62, %mul3A_63 : vector<16xf32>
      %mul3A_65 = arith.mulf %add3A_64, %add3A_64 : vector<16xf32>
      %mul3A_66 = arith.constant 3.7037037E-4 : f32
      %mul3A_67 = vector.broadcast %mul3A_66 : f32 to vector<16xf32>
      %mul3A_68 = arith.mulf %mul3A_65, %mul3A_67 : vector<16xf32>
      %sub3A = arith.constant 1.000000e+00 : f32
      %sub3A_69 = vector.broadcast %sub3A : f32 to vector<16xf32>
      %sub3A_70 = arith.subf %sub3A_69, %mul3A_68 : vector<16xf32>
      %mul3A_71 = arith.mulf %add3A_64, %sub3A_70 : vector<16xf32>
      %exp3A = math.exp %mul3A_71 : vector<16xf32>
      %add3A_72 = arith.addf %broadcast_in_dim3A_1, %exp3A : vector<16xf32>
      %mul3A_73 = arith.mulf %exp3A, %get3A_45 : vector<16xf32>
      %add3A_74 = arith.addf %broadcast_in_dim3A_1, %mul3A_73 : vector<16xf32>
      %mul3A_75 = arith.mulf %exp3A, %get3A_52 : vector<16xf32>
      %add3A_76 = arith.addf %broadcast_in_dim3A_1, %mul3A_75 : vector<16xf32>
      %iota3A = tpu.iota {dimensions = array<i32: 0>} : vector<16xi32>
      %ge3A = arith.constant 0 : i32
      %ge3A_77 = vector.broadcast %ge3A : i32 to vector<16xi32>
      %ge3A_78 = arith.cmpi sge, %iota3A, %ge3A_77 : vector<16xi32>
      %jit3A = arith.constant 0.000000e+00 : f32
      %broadcast_in_dim3A_79 = vector.broadcast %jit3A : f32 to vector<16xf32>
      %select_n3A = arith.select %ge3A_78, %exp3A, %broadcast_in_dim3A_79 : vector<16xi1>, vector<16xf32>
      %add3A_80 = arith.addf %while3A_28#0, %select_n3A : vector<16xf32>
      %mul3A_81 = arith.mulf %select_n3A, %get3A_45 : vector<16xf32>
      %add3A_82 = arith.addf %while3A_28#1, %mul3A_81 : vector<16xf32>
      %mul3A_83 = arith.mulf %select_n3A, %get3A_52 : vector<16xf32>
      %add3A_84 = arith.addf %while3A_28#2, %mul3A_83 : vector<16xf32>
      %mul3A_85 = arith.constant 256 : i32
      %mul3A_86 = arith.muli %scan3A_8, %mul3A_85 : i32
      %add3A_87 = arith.constant 16 : i32
      %add3A_88 = arith.addi %mul3A_86, %add3A_87 : i32
      %get3A_89 = arith.index_cast %add3A_88 : i32 to index
      %get3A_90 = tpu.vector_load %arg14[%get3A_89] {strides = array<i32>} : memref<32768xf32, #tpu.memory_space<vmem>>, vector<16xf32>,
      %get3A_91 = vector.shape_cast %get3A_90 : vector<16xf32> to vector<16xf32>
      %mul3A_92 = arith.constant 256 : i32
      %mul3A_93 = arith.muli %scan3A_8, %mul3A_92 : i32
      %add3A_94 = arith.constant 16 : i32
      %add3A_95 = arith.addi %mul3A_93, %add3A_94 : i32
      %get3A_96 = arith.index_cast %add3A_95 : i32 to index
      %get3A_97 = tpu.vector_load %arg15[%get3A_96] {strides = array<i32>} : memref<32768xf32, #tpu.memory_space<vmem>>, vector<16xf32>,
      %get3A_98 = vector.shape_cast %get3A_97 : vector<16xf32> to vector<16xf32>
      %broadcast_in_dim3A_99 = arith.constant 1 : i32
      %broadcast_in_dim3A_100 = vector.broadcast %broadcast_in_dim3A_99 : i32 to vector<16xi32>
      %broadcast_in_dim3A_101 = vector.shape_cast %broadcast_in_dim3A_100 : vector<16xi32> to vector<16x1xi32>
      %gather3A_102 = vector.shape_cast %broadcast_in_dim3A_101 : vector<16x1xi32> to vector<16xi32>
      %gather3A_103 = tpu.dynamic_gather %get3A_33[%gather3A_102] in [0] : vector<16xf32>, vector<16xi32> -> vector<16xf32>
      %broadcast_in_dim3A_104 = arith.constant 1 : i32
      %broadcast_in_dim3A_105 = vector.broadcast %broadcast_in_dim3A_104 : i32 to vector<16xi32>
      %broadcast_in_dim3A_106 = vector.shape_cast %broadcast_in_dim3A_105 : vector<16xi32> to vector<16x1xi32>
      %gather3A_107 = vector.shape_cast %broadcast_in_dim3A_106 : vector<16x1xi32> to vector<16xi32>
      %gather3A_108 = tpu.dynamic_gather %get3A_38[%gather3A_107] in [0] : vector<16xf32>, vector<16xi32> -> vector<16xf32>
      %mul3A_109 = arith.mulf %get3A_13, %gather3A_103 : vector<16xf32>
      %mul3A_110 = arith.mulf %get3A_18, %gather3A_108 : vector<16xf32>
      %add3A_111 = arith.addf %mul3A_109, %mul3A_110 : vector<16xf32>
      %mul3A_112 = arith.mulf %add3A_111, %add3A_111 : vector<16xf32>
      %mul3A_113 = arith.constant 3.7037037E-4 : f32
      %mul3A_114 = vector.broadcast %mul3A_113 : f32 to vector<16xf32>
      %mul3A_115 = arith.mulf %mul3A_112, %mul3A_114 : vector<16xf32>
      %sub3A_116 = arith.constant 1.000000e+00 : f32
      %sub3A_117 = vector.broadcast %sub3A_116 : f32 to vector<16xf32>
      %sub3A_118 = arith.subf %sub3A_117, %mul3A_115 : vector<16xf32>
      %mul3A_119 = arith.mulf %add3A_111, %sub3A_118 : vector<16xf32>
      %exp3A_120 = math.exp %mul3A_119 : vector<16xf32>
      %add3A_121 = arith.addf %broadcast_in_dim3A_1, %exp3A_120 : vector<16xf32>
      %mul3A_122 = arith.mulf %exp3A_120, %get3A_91 : vector<16xf32>
      %add3A_123 = arith.addf %broadcast_in_dim3A_1, %mul3A_122 : vector<16xf32>
      %mul3A_124 = arith.mulf %exp3A_120, %get3A_98 : vector<16xf32>
      %add3A_125 = arith.addf %broadcast_in_dim3A_1, %mul3A_124 : vector<16xf32>
      %iota3A_126 = tpu.iota {dimensions = array<i32: 0>} : vector<16xi32>
      %ge3A_127 = arith.constant 1 : i32
      %ge3A_128 = vector.broadcast %ge3A_127 : i32 to vector<16xi32>
      %ge3A_129 = arith.cmpi sge, %iota3A_126, %ge3A_128 : vector<16xi32>
      %jit3A_130 = arith.constant 0.000000e+00 : f32
      %broadcast_in_dim3A_131 = vector.broadcast %jit3A_130 : f32 to vector<16xf32>
      %select_n3A_132 = arith.select %ge3A_129, %exp3A_120, %broadcast_in_dim3A_131 : vector<16xi1>, vector<16xf32>
      %add3A_133 = arith.addf %add3A_80, %select_n3A_132 : vector<16xf32>
      %mul3A_134 = arith.mulf %select_n3A_132, %get3A_91 : vector<16xf32>
      %add3A_135 = arith.addf %add3A_82, %mul3A_134 : vector<16xf32>
      %mul3A_136 = arith.mulf %select_n3A_132, %get3A_98 : vector<16xf32>
      %add3A_137 = arith.addf %add3A_84, %mul3A_136 : vector<16xf32>
      %mul3A_138 = arith.constant 256 : i32
      %mul3A_139 = arith.muli %scan3A_8, %mul3A_138 : i32
      %add3A_140 = arith.constant 32 : i32
      %add3A_141 = arith.addi %mul3A_139, %add3A_140 : i32
      %get3A_142 = arith.index_cast %add3A_141 : i32 to index
      %get3A_143 = tpu.vector_load %arg14[%get3A_142] {strides = array<i32>} : memref<32768xf32, #tpu.memory_space<vmem>>, vector<16xf32>,
      %get3A_144 = vector.shape_cast %get3A_143 : vector<16xf32> to vector<16xf32>
      %mul3A_145 = arith.constant 256 : i32
      %mul3A_146 = arith.muli %scan3A_8, %mul3A_145 : i32
      %add3A_147 = arith.constant 32 : i32
      %add3A_148 = arith.addi %mul3A_146, %add3A_147 : i32
      %get3A_149 = arith.index_cast %add3A_148 : i32 to index
      %get3A_150 = tpu.vector_load %arg15[%get3A_149] {strides = array<i32>} : memref<32768xf32, #tpu.memory_space<vmem>>, vector<16xf32>,
      %get3A_151 = vector.shape_cast %get3A_150 : vector<16xf32> to vector<16xf32>
      %broadcast_in_dim3A_152 = arith.constant 2 : i32
      %broadcast_in_dim3A_153 = vector.broadcast %broadcast_in_dim3A_152 : i32 to vector<16xi32>
      %broadcast_in_dim3A_154 = vector.shape_cast %broadcast_in_dim3A_153 : vector<16xi32> to vector<16x1xi32>
      %gather3A_155 = vector.shape_cast %broadcast_in_dim3A_154 : vector<16x1xi32> to vector<16xi32>
      %gather3A_156 = tpu.dynamic_gather %get3A_33[%gather3A_155] in [0] : vector<16xf32>, vector<16xi32> -> vector<16xf32>
      %broadcast_in_dim3A_157 = arith.constant 2 : i32
      %broadcast_in_dim3A_158 = vector.broadcast %broadcast_in_dim3A_157 : i32 to vector<16xi32>
      %broadcast_in_dim3A_159 = vector.shape_cast %broadcast_in_dim3A_158 : vector<16xi32> to vector<16x1xi32>
      %gather3A_160 = vector.shape_cast %broadcast_in_dim3A_159 : vector<16x1xi32> to vector<16xi32>
      %gather3A_161 = tpu.dynamic_gather %get3A_38[%gather3A_160] in [0] : vector<16xf32>, vector<16xi32> -> vector<16xf32>
      %mul3A_162 = arith.mulf %get3A_13, %gather3A_156 : vector<16xf32>
      %mul3A_163 = arith.mulf %get3A_18, %gather3A_161 : vector<16xf32>
      %add3A_164 = arith.addf %mul3A_162, %mul3A_163 : vector<16xf32>
      %mul3A_165 = arith.mulf %add3A_164, %add3A_164 : vector<16xf32>
      %mul3A_166 = arith.constant 3.7037037E-4 : f32
      %mul3A_167 = vector.broadcast %mul3A_166 : f32 to vector<16xf32>
      %mul3A_168 = arith.mulf %mul3A_165, %mul3A_167 : vector<16xf32>
      %sub3A_169 = arith.constant 1.000000e+00 : f32
      %sub3A_170 = vector.broadcast %sub3A_169 : f32 to vector<16xf32>
      %sub3A_171 = arith.subf %sub3A_170, %mul3A_168 : vector<16xf32>
      %mul3A_172 = arith.mulf %add3A_164, %sub3A_171 : vector<16xf32>
      %exp3A_173 = math.exp %mul3A_172 : vector<16xf32>
      %add3A_174 = arith.addf %broadcast_in_dim3A_1, %exp3A_173 : vector<16xf32>
      %mul3A_175 = arith.mulf %exp3A_173, %get3A_144 : vector<16xf32>
      %add3A_176 = arith.addf %broadcast_in_dim3A_1, %mul3A_175 : vector<16xf32>
      %mul3A_177 = arith.mulf %exp3A_173, %get3A_151 : vector<16xf32>
      %add3A_178 = arith.addf %broadcast_in_dim3A_1, %mul3A_177 : vector<16xf32>
      %iota3A_179 = tpu.iota {dimensions = array<i32: 0>} : vector<16xi32>
      %ge3A_180 = arith.constant 2 : i32
      %ge3A_181 = vector.broadcast %ge3A_180 : i32 to vector<16xi32>
      %ge3A_182 = arith.cmpi sge, %iota3A_179, %ge3A_181 : vector<16xi32>
      %jit3A_183 = arith.constant 0.000000e+00 : f32
      %broadcast_in_dim3A_184 = vector.broadcast %jit3A_183 : f32 to vector<16xf32>
      %select_n3A_185 = arith.select %ge3A_182, %exp3A_173, %broadcast_in_dim3A_184 : vector<16xi1>, vector<16xf32>
      %add3A_186 = arith.addf %add3A_133, %select_n3A_185 : vector<16xf32>
      %mul3A_187 = arith.mulf %select_n3A_185, %get3A_144 : vector<16xf32>
      %add3A_188 = arith.addf %add3A_135, %mul3A_187 : vector<16xf32>
      %mul3A_189 = arith.mulf %select_n3A_185, %get3A_151 : vector<16xf32>
      %add3A_190 = arith.addf %add3A_137, %mul3A_189 : vector<16xf32>
      %mul3A_191 = arith.constant 256 : i32
      %mul3A_192 = arith.muli %scan3A_8, %mul3A_191 : i32
      %add3A_193 = arith.constant 48 : i32
      %add3A_194 = arith.addi %mul3A_192, %add3A_193 : i32
      %get3A_195 = arith.index_cast %add3A_194 : i32 to index
      %get3A_196 = tpu.vector_load %arg14[%get3A_195] {strides = array<i32>} : memref<32768xf32, #tpu.memory_space<vmem>>, vector<16xf32>,
      %get3A_197 = vector.shape_cast %get3A_196 : vector<16xf32> to vector<16xf32>
      %mul3A_198 = arith.constant 256 : i32
      %mul3A_199 = arith.muli %scan3A_8, %mul3A_198 : i32
      %add3A_200 = arith.constant 48 : i32
      %add3A_201 = arith.addi %mul3A_199, %add3A_200 : i32
      %get3A_202 = arith.index_cast %add3A_201 : i32 to index
      %get3A_203 = tpu.vector_load %arg15[%get3A_202] {strides = array<i32>} : memref<32768xf32, #tpu.memory_space<vmem>>, vector<16xf32>,
      %get3A_204 = vector.shape_cast %get3A_203 : vector<16xf32> to vector<16xf32>
      %broadcast_in_dim3A_205 = arith.constant 3 : i32
      %broadcast_in_dim3A_206 = vector.broadcast %broadcast_in_dim3A_205 : i32 to vector<16xi32>
      %broadcast_in_dim3A_207 = vector.shape_cast %broadcast_in_dim3A_206 : vector<16xi32> to vector<16x1xi32>
      %gather3A_208 = vector.shape_cast %broadcast_in_dim3A_207 : vector<16x1xi32> to vector<16xi32>
      %gather3A_209 = tpu.dynamic_gather %get3A_33[%gather3A_208] in [0] : vector<16xf32>, vector<16xi32> -> vector<16xf32>
      %broadcast_in_dim3A_210 = arith.constant 3 : i32
      %broadcast_in_dim3A_211 = vector.broadcast %broadcast_in_dim3A_210 : i32 to vector<16xi32>
      %broadcast_in_dim3A_212 = vector.shape_cast %broadcast_in_dim3A_211 : vector<16xi32> to vector<16x1xi32>
      %gather3A_213 = vector.shape_cast %broadcast_in_dim3A_212 : vector<16x1xi32> to vector<16xi32>
      %gather3A_214 = tpu.dynamic_gather %get3A_38[%gather3A_213] in [0] : vector<16xf32>, vector<16xi32> -> vector<16xf32>
      %mul3A_215 = arith.mulf %get3A_13, %gather3A_209 : vector<16xf32>
      %mul3A_216 = arith.mulf %get3A_18, %gather3A_214 : vector<16xf32>
      %add3A_217 = arith.addf %mul3A_215, %mul3A_216 : vector<16xf32>
      %mul3A_218 = arith.mulf %add3A_217, %add3A_217 : vector<16xf32>
      %mul3A_219 = arith.constant 3.7037037E-4 : f32
      %mul3A_220 = vector.broadcast %mul3A_219 : f32 to vector<16xf32>
      %mul3A_221 = arith.mulf %mul3A_218, %mul3A_220 : vector<16xf32>
      %sub3A_222 = arith.constant 1.000000e+00 : f32
      %sub3A_223 = vector.broadcast %sub3A_222 : f32 to vector<16xf32>
      %sub3A_224 = arith.subf %sub3A_223, %mul3A_221 : vector<16xf32>
      %mul3A_225 = arith.mulf %add3A_217, %sub3A_224 : vector<16xf32>
      %exp3A_226 = math.exp %mul3A_225 : vector<16xf32>
      %add3A_227 = arith.addf %broadcast_in_dim3A_1, %exp3A_226 : vector<16xf32>
      %mul3A_228 = arith.mulf %exp3A_226, %get3A_197 : vector<16xf32>
      %add3A_229 = arith.addf %broadcast_in_dim3A_1, %mul3A_228 : vector<16xf32>
      %mul3A_230 = arith.mulf %exp3A_226, %get3A_204 : vector<16xf32>
      %add3A_231 = arith.addf %broadcast_in_dim3A_1, %mul3A_230 : vector<16xf32>
      %iota3A_232 = tpu.iota {dimensions = array<i32: 0>} : vector<16xi32>
      %ge3A_233 = arith.constant 3 : i32
      %ge3A_234 = vector.broadcast %ge3A_233 : i32 to vector<16xi32>
      %ge3A_235 = arith.cmpi sge, %iota3A_232, %ge3A_234 : vector<16xi32>
      %jit3A_236 = arith.constant 0.000000e+00 : f32
      %broadcast_in_dim3A_237 = vector.broadcast %jit3A_236 : f32 to vector<16xf32>
      %select_n3A_238 = arith.select %ge3A_235, %exp3A_226, %broadcast_in_dim3A_237 : vector<16xi1>, vector<16xf32>
      %add3A_239 = arith.addf %add3A_186, %select_n3A_238 : vector<16xf32>
      %mul3A_240 = arith.mulf %select_n3A_238, %get3A_197 : vector<16xf32>
      %add3A_241 = arith.addf %add3A_188, %mul3A_240 : vector<16xf32>
      %mul3A_242 = arith.mulf %select_n3A_238, %get3A_204 : vector<16xf32>
      %add3A_243 = arith.addf %add3A_190, %mul3A_242 : vector<16xf32>
      %mul3A_244 = arith.constant 256 : i32
      %mul3A_245 = arith.muli %scan3A_8, %mul3A_244 : i32
      %add3A_246 = arith.constant 64 : i32
      %add3A_247 = arith.addi %mul3A_245, %add3A_246 : i32
      %get3A_248 = arith.index_cast %add3A_247 : i32 to index
      %get3A_249 = tpu.vector_load %arg14[%get3A_248] {strides = array<i32>} : memref<32768xf32, #tpu.memory_space<vmem>>, vector<16xf32>,
      %get3A_250 = vector.shape_cast %get3A_249 : vector<16xf32> to vector<16xf32>
      %mul3A_251 = arith.constant 256 : i32
      %mul3A_252 = arith.muli %scan3A_8, %mul3A_251 : i32
      %add3A_253 = arith.constant 64 : i32
      %add3A_254 = arith.addi %mul3A_252, %add3A_253 : i32
      %get3A_255 = arith.index_cast %add3A_254 : i32 to index
      %get3A_256 = tpu.vector_load %arg15[%get3A_255] {strides = array<i32>} : memref<32768xf32, #tpu.memory_space<vmem>>, vector<16xf32>,
      %get3A_257 = vector.shape_cast %get3A_256 : vector<16xf32> to vector<16xf32>
      %broadcast_in_dim3A_258 = arith.constant 4 : i32
      %broadcast_in_dim3A_259 = vector.broadcast %broadcast_in_dim3A_258 : i32 to vector<16xi32>
      %broadcast_in_dim3A_260 = vector.shape_cast %broadcast_in_dim3A_259 : vector<16xi32> to vector<16x1xi32>
      %gather3A_261 = vector.shape_cast %broadcast_in_dim3A_260 : vector<16x1xi32> to vector<16xi32>
      %gather3A_262 = tpu.dynamic_gather %get3A_33[%gather3A_261] in [0] : vector<16xf32>, vector<16xi32> -> vector<16xf32>
      %broadcast_in_dim3A_263 = arith.constant 4 : i32
      %broadcast_in_dim3A_264 = vector.broadcast %broadcast_in_dim3A_263 : i32 to vector<16xi32>
      %broadcast_in_dim3A_265 = vector.shape_cast %broadcast_in_dim3A_264 : vector<16xi32> to vector<16x1xi32>
      %gather3A_266 = vector.shape_cast %broadcast_in_dim3A_265 : vector<16x1xi32> to vector<16xi32>
      %gather3A_267 = tpu.dynamic_gather %get3A_38[%gather3A_266] in [0] : vector<16xf32>, vector<16xi32> -> vector<16xf32>
      %mul3A_268 = arith.mulf %get3A_13, %gather3A_262 : vector<16xf32>
      %mul3A_269 = arith.mulf %get3A_18, %gather3A_267 : vector<16xf32>
      %add3A_270 = arith.addf %mul3A_268, %mul3A_269 : vector<16xf32>
      %mul3A_271 = arith.mulf %add3A_270, %add3A_270 : vector<16xf32>
      %mul3A_272 = arith.constant 3.7037037E-4 : f32
      %mul3A_273 = vector.broadcast %mul3A_272 : f32 to vector<16xf32>
      %mul3A_274 = arith.mulf %mul3A_271, %mul3A_273 : vector<16xf32>
      %sub3A_275 = arith.constant 1.000000e+00 : f32
      %sub3A_276 = vector.broadcast %sub3A_275 : f32 to vector<16xf32>
      %sub3A_277 = arith.subf %sub3A_276, %mul3A_274 : vector<16xf32>
      %mul3A_278 = arith.mulf %add3A_270, %sub3A_277 : vector<16xf32>
      %exp3A_279 = math.exp %mul3A_278 : vector<16xf32>
      %add3A_280 = arith.addf %broadcast_in_dim3A_1, %exp3A_279 : vector<16xf32>
      %mul3A_281 = arith.mulf %exp3A_279, %get3A_250 : vector<16xf32>
      %add3A_282 = arith.addf %broadcast_in_dim3A_1, %mul3A_281 : vector<16xf32>
      %mul3A_283 = arith.mulf %exp3A_279, %get3A_257 : vector<16xf32>
      %add3A_284 = arith.addf %broadcast_in_dim3A_1, %mul3A_283 : vector<16xf32>
      %iota3A_285 = tpu.iota {dimensions = array<i32: 0>} : vector<16xi32>
      %ge3A_286 = arith.constant 4 : i32
      %ge3A_287 = vector.broadcast %ge3A_286 : i32 to vector<16xi32>
      %ge3A_288 = arith.cmpi sge, %iota3A_285, %ge3A_287 : vector<16xi32>
      %jit3A_289 = arith.constant 0.000000e+00 : f32
      %broadcast_in_dim3A_290 = vector.broadcast %jit3A_289 : f32 to vector<16xf32>
      %select_n3A_291 = arith.select %ge3A_288, %exp3A_279, %broadcast_in_dim3A_290 : vector<16xi1>, vector<16xf32>
      %add3A_292 = arith.addf %add3A_239, %select_n3A_291 : vector<16xf32>
      %mul3A_293 = arith.mulf %select_n3A_291, %get3A_250 : vector<16xf32>
      %add3A_294 = arith.addf %add3A_241, %mul3A_293 : vector<16xf32>
      %mul3A_295 = arith.mulf %select_n3A_291, %get3A_257 : vector<16xf32>
      %add3A_296 = arith.addf %add3A_243, %mul3A_295 : vector<16xf32>
      %mul3A_297 = arith.constant 256 : i32
      %mul3A_298 = arith.muli %scan3A_8, %mul3A_297 : i32
      %add3A_299 = arith.constant 80 : i32
      %add3A_300 = arith.addi %mul3A_298, %add3A_299 : i32
      %get3A_301 = arith.index_cast %add3A_300 : i32 to index
      %get3A_302 = tpu.vector_load %arg14[%get3A_301] {strides = array<i32>} : memref<32768xf32, #tpu.memory_space<vmem>>, vector<16xf32>,
      %get3A_303 = vector.shape_cast %get3A_302 : vector<16xf32> to vector<16xf32>
      %mul3A_304 = arith.constant 256 : i32
      %mul3A_305 = arith.muli %scan3A_8, %mul3A_304 : i32
      %add3A_306 = arith.constant 80 : i32
      %add3A_307 = arith.addi %mul3A_305, %add3A_306 : i32
      %get3A_308 = arith.index_cast %add3A_307 : i32 to index
      %get3A_309 = tpu.vector_load %arg15[%get3A_308] {strides = array<i32>} : memref<32768xf32, #tpu.memory_space<vmem>>, vector<16xf32>,
      %get3A_310 = vector.shape_cast %get3A_309 : vector<16xf32> to vector<16xf32>
      %broadcast_in_dim3A_311 = arith.constant 5 : i32
      %broadcast_in_dim3A_312 = vector.broadcast %broadcast_in_dim3A_311 : i32 to vector<16xi32>
      %broadcast_in_dim3A_313 = vector.shape_cast %broadcast_in_dim3A_312 : vector<16xi32> to vector<16x1xi32>
      %gather3A_314 = vector.shape_cast %broadcast_in_dim3A_313 : vector<16x1xi32> to vector<16xi32>
      %gather3A_315 = tpu.dynamic_gather %get3A_33[%gather3A_314] in [0] : vector<16xf32>, vector<16xi32> -> vector<16xf32>
      %broadcast_in_dim3A_316 = arith.constant 5 : i32
      %broadcast_in_dim3A_317 = vector.broadcast %broadcast_in_dim3A_316 : i32 to vector<16xi32>
      %broadcast_in_dim3A_318 = vector.shape_cast %broadcast_in_dim3A_317 : vector<16xi32> to vector<16x1xi32>
      %gather3A_319 = vector.shape_cast %broadcast_in_dim3A_318 : vector<16x1xi32> to vector<16xi32>
      %gather3A_320 = tpu.dynamic_gather %get3A_38[%gather3A_319] in [0] : vector<16xf32>, vector<16xi32> -> vector<16xf32>
      %mul3A_321 = arith.mulf %get3A_13, %gather3A_315 : vector<16xf32>
      %mul3A_322 = arith.mulf %get3A_18, %gather3A_320 : vector<16xf32>
      %add3A_323 = arith.addf %mul3A_321, %mul3A_322 : vector<16xf32>
      %mul3A_324 = arith.mulf %add3A_323, %add3A_323 : vector<16xf32>
      %mul3A_325 = arith.constant 3.7037037E-4 : f32
      %mul3A_326 = vector.broadcast %mul3A_325 : f32 to vector<16xf32>
      %mul3A_327 = arith.mulf %mul3A_324, %mul3A_326 : vector<16xf32>
      %sub3A_328 = arith.constant 1.000000e+00 : f32
      %sub3A_329 = vector.broadcast %sub3A_328 : f32 to vector<16xf32>
      %sub3A_330 = arith.subf %sub3A_329, %mul3A_327 : vector<16xf32>
      %mul3A_331 = arith.mulf %add3A_323, %sub3A_330 : vector<16xf32>
      %exp3A_332 = math.exp %mul3A_331 : vector<16xf32>
      %add3A_333 = arith.addf %broadcast_in_dim3A_1, %exp3A_332 : vector<16xf32>
      %mul3A_334 = arith.mulf %exp3A_332, %get3A_303 : vector<16xf32>
      %add3A_335 = arith.addf %broadcast_in_dim3A_1, %mul3A_334 : vector<16xf32>
      %mul3A_336 = arith.mulf %exp3A_332, %get3A_310 : vector<16xf32>
      %add3A_337 = arith.addf %broadcast_in_dim3A_1, %mul3A_336 : vector<16xf32>
      %iota3A_338 = tpu.iota {dimensions = array<i32: 0>} : vector<16xi32>
      %ge3A_339 = arith.constant 5 : i32
      %ge3A_340 = vector.broadcast %ge3A_339 : i32 to vector<16xi32>
      %ge3A_341 = arith.cmpi sge, %iota3A_338, %ge3A_340 : vector<16xi32>
      %jit3A_342 = arith.constant 0.000000e+00 : f32
      %broadcast_in_dim3A_343 = vector.broadcast %jit3A_342 : f32 to vector<16xf32>
      %select_n3A_344 = arith.select %ge3A_341, %exp3A_332, %broadcast_in_dim3A_343 : vector<16xi1>, vector<16xf32>
      %add3A_345 = arith.addf %add3A_292, %select_n3A_344 : vector<16xf32>
      %mul3A_346 = arith.mulf %select_n3A_344, %get3A_303 : vector<16xf32>
      %add3A_347 = arith.addf %add3A_294, %mul3A_346 : vector<16xf32>
      %mul3A_348 = arith.mulf %select_n3A_344, %get3A_310 : vector<16xf32>
      %add3A_349 = arith.addf %add3A_296, %mul3A_348 : vector<16xf32>
      %mul3A_350 = arith.constant 256 : i32
      %mul3A_351 = arith.muli %scan3A_8, %mul3A_350 : i32
      %add3A_352 = arith.constant 96 : i32
      %add3A_353 = arith.addi %mul3A_351, %add3A_352 : i32
      %get3A_354 = arith.index_cast %add3A_353 : i32 to index
      %get3A_355 = tpu.vector_load %arg14[%get3A_354] {strides = array<i32>} : memref<32768xf32, #tpu.memory_space<vmem>>, vector<16xf32>,
      %get3A_356 = vector.shape_cast %get3A_355 : vector<16xf32> to vector<16xf32>
      %mul3A_357 = arith.constant 256 : i32
      %mul3A_358 = arith.muli %scan3A_8, %mul3A_357 : i32
      %add3A_359 = arith.constant 96 : i32
      %add3A_360 = arith.addi %mul3A_358, %add3A_359 : i32
      %get3A_361 = arith.index_cast %add3A_360 : i32 to index
      %get3A_362 = tpu.vector_load %arg15[%get3A_361] {strides = array<i32>} : memref<32768xf32, #tpu.memory_space<vmem>>, vector<16xf32>,
      %get3A_363 = vector.shape_cast %get3A_362 : vector<16xf32> to vector<16xf32>
      %broadcast_in_dim3A_364 = arith.constant 6 : i32
      %broadcast_in_dim3A_365 = vector.broadcast %broadcast_in_dim3A_364 : i32 to vector<16xi32>
      %broadcast_in_dim3A_366 = vector.shape_cast %broadcast_in_dim3A_365 : vector<16xi32> to vector<16x1xi32>
      %gather3A_367 = vector.shape_cast %broadcast_in_dim3A_366 : vector<16x1xi32> to vector<16xi32>
      %gather3A_368 = tpu.dynamic_gather %get3A_33[%gather3A_367] in [0] : vector<16xf32>, vector<16xi32> -> vector<16xf32>
      %broadcast_in_dim3A_369 = arith.constant 6 : i32
      %broadcast_in_dim3A_370 = vector.broadcast %broadcast_in_dim3A_369 : i32 to vector<16xi32>
      %broadcast_in_dim3A_371 = vector.shape_cast %broadcast_in_dim3A_370 : vector<16xi32> to vector<16x1xi32>
      %gather3A_372 = vector.shape_cast %broadcast_in_dim3A_371 : vector<16x1xi32> to vector<16xi32>
      %gather3A_373 = tpu.dynamic_gather %get3A_38[%gather3A_372] in [0] : vector<16xf32>, vector<16xi32> -> vector<16xf32>
      %mul3A_374 = arith.mulf %get3A_13, %gather3A_368 : vector<16xf32>
      %mul3A_375 = arith.mulf %get3A_18, %gather3A_373 : vector<16xf32>
      %add3A_376 = arith.addf %mul3A_374, %mul3A_375 : vector<16xf32>
      %mul3A_377 = arith.mulf %add3A_376, %add3A_376 : vector<16xf32>
      %mul3A_378 = arith.constant 3.7037037E-4 : f32
      %mul3A_379 = vector.broadcast %mul3A_378 : f32 to vector<16xf32>
      %mul3A_380 = arith.mulf %mul3A_377, %mul3A_379 : vector<16xf32>
      %sub3A_381 = arith.constant 1.000000e+00 : f32
      %sub3A_382 = vector.broadcast %sub3A_381 : f32 to vector<16xf32>
      %sub3A_383 = arith.subf %sub3A_382, %mul3A_380 : vector<16xf32>
      %mul3A_384 = arith.mulf %add3A_376, %sub3A_383 : vector<16xf32>
      %exp3A_385 = math.exp %mul3A_384 : vector<16xf32>
      %add3A_386 = arith.addf %broadcast_in_dim3A_1, %exp3A_385 : vector<16xf32>
      %mul3A_387 = arith.mulf %exp3A_385, %get3A_356 : vector<16xf32>
      %add3A_388 = arith.addf %broadcast_in_dim3A_1, %mul3A_387 : vector<16xf32>
      %mul3A_389 = arith.mulf %exp3A_385, %get3A_363 : vector<16xf32>
      %add3A_390 = arith.addf %broadcast_in_dim3A_1, %mul3A_389 : vector<16xf32>
      %iota3A_391 = tpu.iota {dimensions = array<i32: 0>} : vector<16xi32>
      %ge3A_392 = arith.constant 6 : i32
      %ge3A_393 = vector.broadcast %ge3A_392 : i32 to vector<16xi32>
      %ge3A_394 = arith.cmpi sge, %iota3A_391, %ge3A_393 : vector<16xi32>
      %jit3A_395 = arith.constant 0.000000e+00 : f32
      %broadcast_in_dim3A_396 = vector.broadcast %jit3A_395 : f32 to vector<16xf32>
      %select_n3A_397 = arith.select %ge3A_394, %exp3A_385, %broadcast_in_dim3A_396 : vector<16xi1>, vector<16xf32>
      %add3A_398 = arith.addf %add3A_345, %select_n3A_397 : vector<16xf32>
      %mul3A_399 = arith.mulf %select_n3A_397, %get3A_356 : vector<16xf32>
      %add3A_400 = arith.addf %add3A_347, %mul3A_399 : vector<16xf32>
      %mul3A_401 = arith.mulf %select_n3A_397, %get3A_363 : vector<16xf32>
      %add3A_402 = arith.addf %add3A_349, %mul3A_401 : vector<16xf32>
      %mul3A_403 = arith.constant 256 : i32
      %mul3A_404 = arith.muli %scan3A_8, %mul3A_403 : i32
      %add3A_405 = arith.constant 112 : i32
      %add3A_406 = arith.addi %mul3A_404, %add3A_405 : i32
      %get3A_407 = arith.index_cast %add3A_406 : i32 to index
      %get3A_408 = tpu.vector_load %arg14[%get3A_407] {strides = array<i32>} : memref<32768xf32, #tpu.memory_space<vmem>>, vector<16xf32>,
      %get3A_409 = vector.shape_cast %get3A_408 : vector<16xf32> to vector<16xf32>
      %mul3A_410 = arith.constant 256 : i32
      %mul3A_411 = arith.muli %scan3A_8, %mul3A_410 : i32
      %add3A_412 = arith.constant 112 : i32
      %add3A_413 = arith.addi %mul3A_411, %add3A_412 : i32
      %get3A_414 = arith.index_cast %add3A_413 : i32 to index
      %get3A_415 = tpu.vector_load %arg15[%get3A_414] {strides = array<i32>} : memref<32768xf32, #tpu.memory_space<vmem>>, vector<16xf32>,
      %get3A_416 = vector.shape_cast %get3A_415 : vector<16xf32> to vector<16xf32>
      %broadcast_in_dim3A_417 = arith.constant 7 : i32
      %broadcast_in_dim3A_418 = vector.broadcast %broadcast_in_dim3A_417 : i32 to vector<16xi32>
      %broadcast_in_dim3A_419 = vector.shape_cast %broadcast_in_dim3A_418 : vector<16xi32> to vector<16x1xi32>
      %gather3A_420 = vector.shape_cast %broadcast_in_dim3A_419 : vector<16x1xi32> to vector<16xi32>
      %gather3A_421 = tpu.dynamic_gather %get3A_33[%gather3A_420] in [0] : vector<16xf32>, vector<16xi32> -> vector<16xf32>
      %broadcast_in_dim3A_422 = arith.constant 7 : i32
      %broadcast_in_dim3A_423 = vector.broadcast %broadcast_in_dim3A_422 : i32 to vector<16xi32>
      %broadcast_in_dim3A_424 = vector.shape_cast %broadcast_in_dim3A_423 : vector<16xi32> to vector<16x1xi32>
      %gather3A_425 = vector.shape_cast %broadcast_in_dim3A_424 : vector<16x1xi32> to vector<16xi32>
      %gather3A_426 = tpu.dynamic_gather %get3A_38[%gather3A_425] in [0] : vector<16xf32>, vector<16xi32> -> vector<16xf32>
      %mul3A_427 = arith.mulf %get3A_13, %gather3A_421 : vector<16xf32>
      %mul3A_428 = arith.mulf %get3A_18, %gather3A_426 : vector<16xf32>
      %add3A_429 = arith.addf %mul3A_427, %mul3A_428 : vector<16xf32>
      %mul3A_430 = arith.mulf %add3A_429, %add3A_429 : vector<16xf32>
      %mul3A_431 = arith.constant 3.7037037E-4 : f32
      %mul3A_432 = vector.broadcast %mul3A_431 : f32 to vector<16xf32>
      %mul3A_433 = arith.mulf %mul3A_430, %mul3A_432 : vector<16xf32>
      %sub3A_434 = arith.constant 1.000000e+00 : f32
      %sub3A_435 = vector.broadcast %sub3A_434 : f32 to vector<16xf32>
      %sub3A_436 = arith.subf %sub3A_435, %mul3A_433 : vector<16xf32>
      %mul3A_437 = arith.mulf %add3A_429, %sub3A_436 : vector<16xf32>
      %exp3A_438 = math.exp %mul3A_437 : vector<16xf32>
      %add3A_439 = arith.addf %broadcast_in_dim3A_1, %exp3A_438 : vector<16xf32>
      %mul3A_440 = arith.mulf %exp3A_438, %get3A_409 : vector<16xf32>
      %add3A_441 = arith.addf %broadcast_in_dim3A_1, %mul3A_440 : vector<16xf32>
      %mul3A_442 = arith.mulf %exp3A_438, %get3A_416 : vector<16xf32>
      %add3A_443 = arith.addf %broadcast_in_dim3A_1, %mul3A_442 : vector<16xf32>
      %iota3A_444 = tpu.iota {dimensions = array<i32: 0>} : vector<16xi32>
      %ge3A_445 = arith.constant 7 : i32
      %ge3A_446 = vector.broadcast %ge3A_445 : i32 to vector<16xi32>
      %ge3A_447 = arith.cmpi sge, %iota3A_444, %ge3A_446 : vector<16xi32>
      %jit3A_448 = arith.constant 0.000000e+00 : f32
      %broadcast_in_dim3A_449 = vector.broadcast %jit3A_448 : f32 to vector<16xf32>
      %select_n3A_450 = arith.select %ge3A_447, %exp3A_438, %broadcast_in_dim3A_449 : vector<16xi1>, vector<16xf32>
      %add3A_451 = arith.addf %add3A_398, %select_n3A_450 : vector<16xf32>
      %mul3A_452 = arith.mulf %select_n3A_450, %get3A_409 : vector<16xf32>
      %add3A_453 = arith.addf %add3A_400, %mul3A_452 : vector<16xf32>
      %mul3A_454 = arith.mulf %select_n3A_450, %get3A_416 : vector<16xf32>
      %add3A_455 = arith.addf %add3A_402, %mul3A_454 : vector<16xf32>
      %mul3A_456 = arith.constant 256 : i32
      %mul3A_457 = arith.muli %scan3A_8, %mul3A_456 : i32
      %add3A_458 = arith.constant 128 : i32
      %add3A_459 = arith.addi %mul3A_457, %add3A_458 : i32
      %get3A_460 = arith.index_cast %add3A_459 : i32 to index
      %get3A_461 = tpu.vector_load %arg14[%get3A_460] {strides = array<i32>} : memref<32768xf32, #tpu.memory_space<vmem>>, vector<16xf32>,
      %get3A_462 = vector.shape_cast %get3A_461 : vector<16xf32> to vector<16xf32>
      %mul3A_463 = arith.constant 256 : i32
      %mul3A_464 = arith.muli %scan3A_8, %mul3A_463 : i32
      %add3A_465 = arith.constant 128 : i32
      %add3A_466 = arith.addi %mul3A_464, %add3A_465 : i32
      %get3A_467 = arith.index_cast %add3A_466 : i32 to index
      %get3A_468 = tpu.vector_load %arg15[%get3A_467] {strides = array<i32>} : memref<32768xf32, #tpu.memory_space<vmem>>, vector<16xf32>,
      %get3A_469 = vector.shape_cast %get3A_468 : vector<16xf32> to vector<16xf32>
      %broadcast_in_dim3A_470 = arith.constant 8 : i32
      %broadcast_in_dim3A_471 = vector.broadcast %broadcast_in_dim3A_470 : i32 to vector<16xi32>
      %broadcast_in_dim3A_472 = vector.shape_cast %broadcast_in_dim3A_471 : vector<16xi32> to vector<16x1xi32>
      %gather3A_473 = vector.shape_cast %broadcast_in_dim3A_472 : vector<16x1xi32> to vector<16xi32>
      %gather3A_474 = tpu.dynamic_gather %get3A_33[%gather3A_473] in [0] : vector<16xf32>, vector<16xi32> -> vector<16xf32>
      %broadcast_in_dim3A_475 = arith.constant 8 : i32
      %broadcast_in_dim3A_476 = vector.broadcast %broadcast_in_dim3A_475 : i32 to vector<16xi32>
      %broadcast_in_dim3A_477 = vector.shape_cast %broadcast_in_dim3A_476 : vector<16xi32> to vector<16x1xi32>
      %gather3A_478 = vector.shape_cast %broadcast_in_dim3A_477 : vector<16x1xi32> to vector<16xi32>
      %gather3A_479 = tpu.dynamic_gather %get3A_38[%gather3A_478] in [0] : vector<16xf32>, vector<16xi32> -> vector<16xf32>
      %mul3A_480 = arith.mulf %get3A_13, %gather3A_474 : vector<16xf32>
      %mul3A_481 = arith.mulf %get3A_18, %gather3A_479 : vector<16xf32>
      %add3A_482 = arith.addf %mul3A_480, %mul3A_481 : vector<16xf32>
      %mul3A_483 = arith.mulf %add3A_482, %add3A_482 : vector<16xf32>
      %mul3A_484 = arith.constant 3.7037037E-4 : f32
      %mul3A_485 = vector.broadcast %mul3A_484 : f32 to vector<16xf32>
      %mul3A_486 = arith.mulf %mul3A_483, %mul3A_485 : vector<16xf32>
      %sub3A_487 = arith.constant 1.000000e+00 : f32
      %sub3A_488 = vector.broadcast %sub3A_487 : f32 to vector<16xf32>
      %sub3A_489 = arith.subf %sub3A_488, %mul3A_486 : vector<16xf32>
      %mul3A_490 = arith.mulf %add3A_482, %sub3A_489 : vector<16xf32>
      %exp3A_491 = math.exp %mul3A_490 : vector<16xf32>
      %add3A_492 = arith.addf %broadcast_in_dim3A_1, %exp3A_491 : vector<16xf32>
      %mul3A_493 = arith.mulf %exp3A_491, %get3A_462 : vector<16xf32>
      %add3A_494 = arith.addf %broadcast_in_dim3A_1, %mul3A_493 : vector<16xf32>
      %mul3A_495 = arith.mulf %exp3A_491, %get3A_469 : vector<16xf32>
      %add3A_496 = arith.addf %broadcast_in_dim3A_1, %mul3A_495 : vector<16xf32>
      %iota3A_497 = tpu.iota {dimensions = array<i32: 0>} : vector<16xi32>
      %ge3A_498 = arith.constant 8 : i32
      %ge3A_499 = vector.broadcast %ge3A_498 : i32 to vector<16xi32>
      %ge3A_500 = arith.cmpi sge, %iota3A_497, %ge3A_499 : vector<16xi32>
      %jit3A_501 = arith.constant 0.000000e+00 : f32
      %broadcast_in_dim3A_502 = vector.broadcast %jit3A_501 : f32 to vector<16xf32>
      %select_n3A_503 = arith.select %ge3A_500, %exp3A_491, %broadcast_in_dim3A_502 : vector<16xi1>, vector<16xf32>
      %add3A_504 = arith.addf %add3A_451, %select_n3A_503 : vector<16xf32>
      %mul3A_505 = arith.mulf %select_n3A_503, %get3A_462 : vector<16xf32>
      %add3A_506 = arith.addf %add3A_453, %mul3A_505 : vector<16xf32>
      %mul3A_507 = arith.mulf %select_n3A_503, %get3A_469 : vector<16xf32>
      %add3A_508 = arith.addf %add3A_455, %mul3A_507 : vector<16xf32>
      %mul3A_509 = arith.constant 256 : i32
      %mul3A_510 = arith.muli %scan3A_8, %mul3A_509 : i32
      %add3A_511 = arith.constant 144 : i32
      %add3A_512 = arith.addi %mul3A_510, %add3A_511 : i32
      %get3A_513 = arith.index_cast %add3A_512 : i32 to index
      %get3A_514 = tpu.vector_load %arg14[%get3A_513] {strides = array<i32>} : memref<32768xf32, #tpu.memory_space<vmem>>, vector<16xf32>,
      %get3A_515 = vector.shape_cast %get3A_514 : vector<16xf32> to vector<16xf32>
      %mul3A_516 = arith.constant 256 : i32
      %mul3A_517 = arith.muli %scan3A_8, %mul3A_516 : i32
      %add3A_518 = arith.constant 144 : i32
      %add3A_519 = arith.addi %mul3A_517, %add3A_518 : i32
      %get3A_520 = arith.index_cast %add3A_519 : i32 to index
      %get3A_521 = tpu.vector_load %arg15[%get3A_520] {strides = array<i32>} : memref<32768xf32, #tpu.memory_space<vmem>>, vector<16xf32>,
      %get3A_522 = vector.shape_cast %get3A_521 : vector<16xf32> to vector<16xf32>
      %broadcast_in_dim3A_523 = arith.constant 9 : i32
      %broadcast_in_dim3A_524 = vector.broadcast %broadcast_in_dim3A_523 : i32 to vector<16xi32>
      %broadcast_in_dim3A_525 = vector.shape_cast %broadcast_in_dim3A_524 : vector<16xi32> to vector<16x1xi32>
      %gather3A_526 = vector.shape_cast %broadcast_in_dim3A_525 : vector<16x1xi32> to vector<16xi32>
      %gather3A_527 = tpu.dynamic_gather %get3A_33[%gather3A_526] in [0] : vector<16xf32>, vector<16xi32> -> vector<16xf32>
      %broadcast_in_dim3A_528 = arith.constant 9 : i32
      %broadcast_in_dim3A_529 = vector.broadcast %broadcast_in_dim3A_528 : i32 to vector<16xi32>
      %broadcast_in_dim3A_530 = vector.shape_cast %broadcast_in_dim3A_529 : vector<16xi32> to vector<16x1xi32>
      %gather3A_531 = vector.shape_cast %broadcast_in_dim3A_530 : vector<16x1xi32> to vector<16xi32>
      %gather3A_532 = tpu.dynamic_gather %get3A_38[%gather3A_531] in [0] : vector<16xf32>, vector<16xi32> -> vector<16xf32>
      %mul3A_533 = arith.mulf %get3A_13, %gather3A_527 : vector<16xf32>
      %mul3A_534 = arith.mulf %get3A_18, %gather3A_532 : vector<16xf32>
      %add3A_535 = arith.addf %mul3A_533, %mul3A_534 : vector<16xf32>
      %mul3A_536 = arith.mulf %add3A_535, %add3A_535 : vector<16xf32>
      %mul3A_537 = arith.constant 3.7037037E-4 : f32
      %mul3A_538 = vector.broadcast %mul3A_537 : f32 to vector<16xf32>
      %mul3A_539 = arith.mulf %mul3A_536, %mul3A_538 : vector<16xf32>
      %sub3A_540 = arith.constant 1.000000e+00 : f32
      %sub3A_541 = vector.broadcast %sub3A_540 : f32 to vector<16xf32>
      %sub3A_542 = arith.subf %sub3A_541, %mul3A_539 : vector<16xf32>
      %mul3A_543 = arith.mulf %add3A_535, %sub3A_542 : vector<16xf32>
      %exp3A_544 = math.exp %mul3A_543 : vector<16xf32>
      %add3A_545 = arith.addf %broadcast_in_dim3A_1, %exp3A_544 : vector<16xf32>
      %mul3A_546 = arith.mulf %exp3A_544, %get3A_515 : vector<16xf32>
      %add3A_547 = arith.addf %broadcast_in_dim3A_1, %mul3A_546 : vector<16xf32>
      %mul3A_548 = arith.mulf %exp3A_544, %get3A_522 : vector<16xf32>
      %add3A_549 = arith.addf %broadcast_in_dim3A_1, %mul3A_548 : vector<16xf32>
      %iota3A_550 = tpu.iota {dimensions = array<i32: 0>} : vector<16xi32>
      %ge3A_551 = arith.constant 9 : i32
      %ge3A_552 = vector.broadcast %ge3A_551 : i32 to vector<16xi32>
      %ge3A_553 = arith.cmpi sge, %iota3A_550, %ge3A_552 : vector<16xi32>
      %jit3A_554 = arith.constant 0.000000e+00 : f32
      %broadcast_in_dim3A_555 = vector.broadcast %jit3A_554 : f32 to vector<16xf32>
      %select_n3A_556 = arith.select %ge3A_553, %exp3A_544, %broadcast_in_dim3A_555 : vector<16xi1>, vector<16xf32>
      %add3A_557 = arith.addf %add3A_504, %select_n3A_556 : vector<16xf32>
      %mul3A_558 = arith.mulf %select_n3A_556, %get3A_515 : vector<16xf32>
      %add3A_559 = arith.addf %add3A_506, %mul3A_558 : vector<16xf32>
      %mul3A_560 = arith.mulf %select_n3A_556, %get3A_522 : vector<16xf32>
      %add3A_561 = arith.addf %add3A_508, %mul3A_560 : vector<16xf32>
      %mul3A_562 = arith.constant 256 : i32
      %mul3A_563 = arith.muli %scan3A_8, %mul3A_562 : i32
      %add3A_564 = arith.constant 160 : i32
      %add3A_565 = arith.addi %mul3A_563, %add3A_564 : i32
      %get3A_566 = arith.index_cast %add3A_565 : i32 to index
      %get3A_567 = tpu.vector_load %arg14[%get3A_566] {strides = array<i32>} : memref<32768xf32, #tpu.memory_space<vmem>>, vector<16xf32>,
      %get3A_568 = vector.shape_cast %get3A_567 : vector<16xf32> to vector<16xf32>
      %mul3A_569 = arith.constant 256 : i32
      %mul3A_570 = arith.muli %scan3A_8, %mul3A_569 : i32
      %add3A_571 = arith.constant 160 : i32
      %add3A_572 = arith.addi %mul3A_570, %add3A_571 : i32
      %get3A_573 = arith.index_cast %add3A_572 : i32 to index
      %get3A_574 = tpu.vector_load %arg15[%get3A_573] {strides = array<i32>} : memref<32768xf32, #tpu.memory_space<vmem>>, vector<16xf32>,
      %get3A_575 = vector.shape_cast %get3A_574 : vector<16xf32> to vector<16xf32>
      %broadcast_in_dim3A_576 = arith.constant 10 : i32
      %broadcast_in_dim3A_577 = vector.broadcast %broadcast_in_dim3A_576 : i32 to vector<16xi32>
      %broadcast_in_dim3A_578 = vector.shape_cast %broadcast_in_dim3A_577 : vector<16xi32> to vector<16x1xi32>
      %gather3A_579 = vector.shape_cast %broadcast_in_dim3A_578 : vector<16x1xi32> to vector<16xi32>
      %gather3A_580 = tpu.dynamic_gather %get3A_33[%gather3A_579] in [0] : vector<16xf32>, vector<16xi32> -> vector<16xf32>
      %broadcast_in_dim3A_581 = arith.constant 10 : i32
      %broadcast_in_dim3A_582 = vector.broadcast %broadcast_in_dim3A_581 : i32 to vector<16xi32>
      %broadcast_in_dim3A_583 = vector.shape_cast %broadcast_in_dim3A_582 : vector<16xi32> to vector<16x1xi32>
      %gather3A_584 = vector.shape_cast %broadcast_in_dim3A_583 : vector<16x1xi32> to vector<16xi32>
      %gather3A_585 = tpu.dynamic_gather %get3A_38[%gather3A_584] in [0] : vector<16xf32>, vector<16xi32> -> vector<16xf32>
      %mul3A_586 = arith.mulf %get3A_13, %gather3A_580 : vector<16xf32>
      %mul3A_587 = arith.mulf %get3A_18, %gather3A_585 : vector<16xf32>
      %add3A_588 = arith.addf %mul3A_586, %mul3A_587 : vector<16xf32>
      %mul3A_589 = arith.mulf %add3A_588, %add3A_588 : vector<16xf32>
      %mul3A_590 = arith.constant 3.7037037E-4 : f32
      %mul3A_591 = vector.broadcast %mul3A_590 : f32 to vector<16xf32>
      %mul3A_592 = arith.mulf %mul3A_589, %mul3A_591 : vector<16xf32>
      %sub3A_593 = arith.constant 1.000000e+00 : f32
      %sub3A_594 = vector.broadcast %sub3A_593 : f32 to vector<16xf32>
      %sub3A_595 = arith.subf %sub3A_594, %mul3A_592 : vector<16xf32>
      %mul3A_596 = arith.mulf %add3A_588, %sub3A_595 : vector<16xf32>
      %exp3A_597 = math.exp %mul3A_596 : vector<16xf32>
      %add3A_598 = arith.addf %broadcast_in_dim3A_1, %exp3A_597 : vector<16xf32>
      %mul3A_599 = arith.mulf %exp3A_597, %get3A_568 : vector<16xf32>
      %add3A_600 = arith.addf %broadcast_in_dim3A_1, %mul3A_599 : vector<16xf32>
      %mul3A_601 = arith.mulf %exp3A_597, %get3A_575 : vector<16xf32>
      %add3A_602 = arith.addf %broadcast_in_dim3A_1, %mul3A_601 : vector<16xf32>
      %iota3A_603 = tpu.iota {dimensions = array<i32: 0>} : vector<16xi32>
      %ge3A_604 = arith.constant 10 : i32
      %ge3A_605 = vector.broadcast %ge3A_604 : i32 to vector<16xi32>
      %ge3A_606 = arith.cmpi sge, %iota3A_603, %ge3A_605 : vector<16xi32>
      %jit3A_607 = arith.constant 0.000000e+00 : f32
      %broadcast_in_dim3A_608 = vector.broadcast %jit3A_607 : f32 to vector<16xf32>
      %select_n3A_609 = arith.select %ge3A_606, %exp3A_597, %broadcast_in_dim3A_608 : vector<16xi1>, vector<16xf32>
      %add3A_610 = arith.addf %add3A_557, %select_n3A_609 : vector<16xf32>
      %mul3A_611 = arith.mulf %select_n3A_609, %get3A_568 : vector<16xf32>
      %add3A_612 = arith.addf %add3A_559, %mul3A_611 : vector<16xf32>
      %mul3A_613 = arith.mulf %select_n3A_609, %get3A_575 : vector<16xf32>
      %add3A_614 = arith.addf %add3A_561, %mul3A_613 : vector<16xf32>
      %mul3A_615 = arith.constant 256 : i32
      %mul3A_616 = arith.muli %scan3A_8, %mul3A_615 : i32
      %add3A_617 = arith.constant 176 : i32
      %add3A_618 = arith.addi %mul3A_616, %add3A_617 : i32
      %get3A_619 = arith.index_cast %add3A_618 : i32 to index
      %get3A_620 = tpu.vector_load %arg14[%get3A_619] {strides = array<i32>} : memref<32768xf32, #tpu.memory_space<vmem>>, vector<16xf32>,
      %get3A_621 = vector.shape_cast %get3A_620 : vector<16xf32> to vector<16xf32>
      %mul3A_622 = arith.constant 256 : i32
      %mul3A_623 = arith.muli %scan3A_8, %mul3A_622 : i32
      %add3A_624 = arith.constant 176 : i32
      %add3A_625 = arith.addi %mul3A_623, %add3A_624 : i32
      %get3A_626 = arith.index_cast %add3A_625 : i32 to index
      %get3A_627 = tpu.vector_load %arg15[%get3A_626] {strides = array<i32>} : memref<32768xf32, #tpu.memory_space<vmem>>, vector<16xf32>,
      %get3A_628 = vector.shape_cast %get3A_627 : vector<16xf32> to vector<16xf32>
      %broadcast_in_dim3A_629 = arith.constant 11 : i32
      %broadcast_in_dim3A_630 = vector.broadcast %broadcast_in_dim3A_629 : i32 to vector<16xi32>
      %broadcast_in_dim3A_631 = vector.shape_cast %broadcast_in_dim3A_630 : vector<16xi32> to vector<16x1xi32>
      %gather3A_632 = vector.shape_cast %broadcast_in_dim3A_631 : vector<16x1xi32> to vector<16xi32>
      %gather3A_633 = tpu.dynamic_gather %get3A_33[%gather3A_632] in [0] : vector<16xf32>, vector<16xi32> -> vector<16xf32>
      %broadcast_in_dim3A_634 = arith.constant 11 : i32
      %broadcast_in_dim3A_635 = vector.broadcast %broadcast_in_dim3A_634 : i32 to vector<16xi32>
      %broadcast_in_dim3A_636 = vector.shape_cast %broadcast_in_dim3A_635 : vector<16xi32> to vector<16x1xi32>
      %gather3A_637 = vector.shape_cast %broadcast_in_dim3A_636 : vector<16x1xi32> to vector<16xi32>
      %gather3A_638 = tpu.dynamic_gather %get3A_38[%gather3A_637] in [0] : vector<16xf32>, vector<16xi32> -> vector<16xf32>
      %mul3A_639 = arith.mulf %get3A_13, %gather3A_633 : vector<16xf32>
      %mul3A_640 = arith.mulf %get3A_18, %gather3A_638 : vector<16xf32>
      %add3A_641 = arith.addf %mul3A_639, %mul3A_640 : vector<16xf32>
      %mul3A_642 = arith.mulf %add3A_641, %add3A_641 : vector<16xf32>
      %mul3A_643 = arith.constant 3.7037037E-4 : f32
      %mul3A_644 = vector.broadcast %mul3A_643 : f32 to vector<16xf32>
      %mul3A_645 = arith.mulf %mul3A_642, %mul3A_644 : vector<16xf32>
      %sub3A_646 = arith.constant 1.000000e+00 : f32
      %sub3A_647 = vector.broadcast %sub3A_646 : f32 to vector<16xf32>
      %sub3A_648 = arith.subf %sub3A_647, %mul3A_645 : vector<16xf32>
      %mul3A_649 = arith.mulf %add3A_641, %sub3A_648 : vector<16xf32>
      %exp3A_650 = math.exp %mul3A_649 : vector<16xf32>
      %add3A_651 = arith.addf %broadcast_in_dim3A_1, %exp3A_650 : vector<16xf32>
      %mul3A_652 = arith.mulf %exp3A_650, %get3A_621 : vector<16xf32>
      %add3A_653 = arith.addf %broadcast_in_dim3A_1, %mul3A_652 : vector<16xf32>
      %mul3A_654 = arith.mulf %exp3A_650, %get3A_628 : vector<16xf32>
      %add3A_655 = arith.addf %broadcast_in_dim3A_1, %mul3A_654 : vector<16xf32>
      %iota3A_656 = tpu.iota {dimensions = array<i32: 0>} : vector<16xi32>
      %ge3A_657 = arith.constant 11 : i32
      %ge3A_658 = vector.broadcast %ge3A_657 : i32 to vector<16xi32>
      %ge3A_659 = arith.cmpi sge, %iota3A_656, %ge3A_658 : vector<16xi32>
      %jit3A_660 = arith.constant 0.000000e+00 : f32
      %broadcast_in_dim3A_661 = vector.broadcast %jit3A_660 : f32 to vector<16xf32>
      %select_n3A_662 = arith.select %ge3A_659, %exp3A_650, %broadcast_in_dim3A_661 : vector<16xi1>, vector<16xf32>
      %add3A_663 = arith.addf %add3A_610, %select_n3A_662 : vector<16xf32>
      %mul3A_664 = arith.mulf %select_n3A_662, %get3A_621 : vector<16xf32>
      %add3A_665 = arith.addf %add3A_612, %mul3A_664 : vector<16xf32>
      %mul3A_666 = arith.mulf %select_n3A_662, %get3A_628 : vector<16xf32>
      %add3A_667 = arith.addf %add3A_614, %mul3A_666 : vector<16xf32>
      %mul3A_668 = arith.constant 256 : i32
      %mul3A_669 = arith.muli %scan3A_8, %mul3A_668 : i32
      %add3A_670 = arith.constant 192 : i32
      %add3A_671 = arith.addi %mul3A_669, %add3A_670 : i32
      %get3A_672 = arith.index_cast %add3A_671 : i32 to index
      %get3A_673 = tpu.vector_load %arg14[%get3A_672] {strides = array<i32>} : memref<32768xf32, #tpu.memory_space<vmem>>, vector<16xf32>,
      %get3A_674 = vector.shape_cast %get3A_673 : vector<16xf32> to vector<16xf32>
      %mul3A_675 = arith.constant 256 : i32
      %mul3A_676 = arith.muli %scan3A_8, %mul3A_675 : i32
      %add3A_677 = arith.constant 192 : i32
      %add3A_678 = arith.addi %mul3A_676, %add3A_677 : i32
      %get3A_679 = arith.index_cast %add3A_678 : i32 to index
      %get3A_680 = tpu.vector_load %arg15[%get3A_679] {strides = array<i32>} : memref<32768xf32, #tpu.memory_space<vmem>>, vector<16xf32>,
      %get3A_681 = vector.shape_cast %get3A_680 : vector<16xf32> to vector<16xf32>
      %broadcast_in_dim3A_682 = arith.constant 12 : i32
      %broadcast_in_dim3A_683 = vector.broadcast %broadcast_in_dim3A_682 : i32 to vector<16xi32>
      %broadcast_in_dim3A_684 = vector.shape_cast %broadcast_in_dim3A_683 : vector<16xi32> to vector<16x1xi32>
      %gather3A_685 = vector.shape_cast %broadcast_in_dim3A_684 : vector<16x1xi32> to vector<16xi32>
      %gather3A_686 = tpu.dynamic_gather %get3A_33[%gather3A_685] in [0] : vector<16xf32>, vector<16xi32> -> vector<16xf32>
      %broadcast_in_dim3A_687 = arith.constant 12 : i32
      %broadcast_in_dim3A_688 = vector.broadcast %broadcast_in_dim3A_687 : i32 to vector<16xi32>
      %broadcast_in_dim3A_689 = vector.shape_cast %broadcast_in_dim3A_688 : vector<16xi32> to vector<16x1xi32>
      %gather3A_690 = vector.shape_cast %broadcast_in_dim3A_689 : vector<16x1xi32> to vector<16xi32>
      %gather3A_691 = tpu.dynamic_gather %get3A_38[%gather3A_690] in [0] : vector<16xf32>, vector<16xi32> -> vector<16xf32>
      %mul3A_692 = arith.mulf %get3A_13, %gather3A_686 : vector<16xf32>
      %mul3A_693 = arith.mulf %get3A_18, %gather3A_691 : vector<16xf32>
      %add3A_694 = arith.addf %mul3A_692, %mul3A_693 : vector<16xf32>
      %mul3A_695 = arith.mulf %add3A_694, %add3A_694 : vector<16xf32>
      %mul3A_696 = arith.constant 3.7037037E-4 : f32
      %mul3A_697 = vector.broadcast %mul3A_696 : f32 to vector<16xf32>
      %mul3A_698 = arith.mulf %mul3A_695, %mul3A_697 : vector<16xf32>
      %sub3A_699 = arith.constant 1.000000e+00 : f32
      %sub3A_700 = vector.broadcast %sub3A_699 : f32 to vector<16xf32>
      %sub3A_701 = arith.subf %sub3A_700, %mul3A_698 : vector<16xf32>
      %mul3A_702 = arith.mulf %add3A_694, %sub3A_701 : vector<16xf32>
      %exp3A_703 = math.exp %mul3A_702 : vector<16xf32>
      %add3A_704 = arith.addf %broadcast_in_dim3A_1, %exp3A_703 : vector<16xf32>
      %mul3A_705 = arith.mulf %exp3A_703, %get3A_674 : vector<16xf32>
      %add3A_706 = arith.addf %broadcast_in_dim3A_1, %mul3A_705 : vector<16xf32>
      %mul3A_707 = arith.mulf %exp3A_703, %get3A_681 : vector<16xf32>
      %add3A_708 = arith.addf %broadcast_in_dim3A_1, %mul3A_707 : vector<16xf32>
      %iota3A_709 = tpu.iota {dimensions = array<i32: 0>} : vector<16xi32>
      %ge3A_710 = arith.constant 12 : i32
      %ge3A_711 = vector.broadcast %ge3A_710 : i32 to vector<16xi32>
      %ge3A_712 = arith.cmpi sge, %iota3A_709, %ge3A_711 : vector<16xi32>
      %jit3A_713 = arith.constant 0.000000e+00 : f32
      %broadcast_in_dim3A_714 = vector.broadcast %jit3A_713 : f32 to vector<16xf32>
      %select_n3A_715 = arith.select %ge3A_712, %exp3A_703, %broadcast_in_dim3A_714 : vector<16xi1>, vector<16xf32>
      %add3A_716 = arith.addf %add3A_663, %select_n3A_715 : vector<16xf32>
      %mul3A_717 = arith.mulf %select_n3A_715, %get3A_674 : vector<16xf32>
      %add3A_718 = arith.addf %add3A_665, %mul3A_717 : vector<16xf32>
      %mul3A_719 = arith.mulf %select_n3A_715, %get3A_681 : vector<16xf32>
      %add3A_720 = arith.addf %add3A_667, %mul3A_719 : vector<16xf32>
      %mul3A_721 = arith.constant 256 : i32
      %mul3A_722 = arith.muli %scan3A_8, %mul3A_721 : i32
      %add3A_723 = arith.constant 208 : i32
      %add3A_724 = arith.addi %mul3A_722, %add3A_723 : i32
      %get3A_725 = arith.index_cast %add3A_724 : i32 to index
      %get3A_726 = tpu.vector_load %arg14[%get3A_725] {strides = array<i32>} : memref<32768xf32, #tpu.memory_space<vmem>>, vector<16xf32>,
      %get3A_727 = vector.shape_cast %get3A_726 : vector<16xf32> to vector<16xf32>
      %mul3A_728 = arith.constant 256 : i32
      %mul3A_729 = arith.muli %scan3A_8, %mul3A_728 : i32
      %add3A_730 = arith.constant 208 : i32
      %add3A_731 = arith.addi %mul3A_729, %add3A_730 : i32
      %get3A_732 = arith.index_cast %add3A_731 : i32 to index
      %get3A_733 = tpu.vector_load %arg15[%get3A_732] {strides = array<i32>} : memref<32768xf32, #tpu.memory_space<vmem>>, vector<16xf32>,
      %get3A_734 = vector.shape_cast %get3A_733 : vector<16xf32> to vector<16xf32>
      %broadcast_in_dim3A_735 = arith.constant 13 : i32
      %broadcast_in_dim3A_736 = vector.broadcast %broadcast_in_dim3A_735 : i32 to vector<16xi32>
      %broadcast_in_dim3A_737 = vector.shape_cast %broadcast_in_dim3A_736 : vector<16xi32> to vector<16x1xi32>
      %gather3A_738 = vector.shape_cast %broadcast_in_dim3A_737 : vector<16x1xi32> to vector<16xi32>
      %gather3A_739 = tpu.dynamic_gather %get3A_33[%gather3A_738] in [0] : vector<16xf32>, vector<16xi32> -> vector<16xf32>
      %broadcast_in_dim3A_740 = arith.constant 13 : i32
      %broadcast_in_dim3A_741 = vector.broadcast %broadcast_in_dim3A_740 : i32 to vector<16xi32>
      %broadcast_in_dim3A_742 = vector.shape_cast %broadcast_in_dim3A_741 : vector<16xi32> to vector<16x1xi32>
      %gather3A_743 = vector.shape_cast %broadcast_in_dim3A_742 : vector<16x1xi32> to vector<16xi32>
      %gather3A_744 = tpu.dynamic_gather %get3A_38[%gather3A_743] in [0] : vector<16xf32>, vector<16xi32> -> vector<16xf32>
      %mul3A_745 = arith.mulf %get3A_13, %gather3A_739 : vector<16xf32>
      %mul3A_746 = arith.mulf %get3A_18, %gather3A_744 : vector<16xf32>
      %add3A_747 = arith.addf %mul3A_745, %mul3A_746 : vector<16xf32>
      %mul3A_748 = arith.mulf %add3A_747, %add3A_747 : vector<16xf32>
      %mul3A_749 = arith.constant 3.7037037E-4 : f32
      %mul3A_750 = vector.broadcast %mul3A_749 : f32 to vector<16xf32>
      %mul3A_751 = arith.mulf %mul3A_748, %mul3A_750 : vector<16xf32>
      %sub3A_752 = arith.constant 1.000000e+00 : f32
      %sub3A_753 = vector.broadcast %sub3A_752 : f32 to vector<16xf32>
      %sub3A_754 = arith.subf %sub3A_753, %mul3A_751 : vector<16xf32>
      %mul3A_755 = arith.mulf %add3A_747, %sub3A_754 : vector<16xf32>
      %exp3A_756 = math.exp %mul3A_755 : vector<16xf32>
      %add3A_757 = arith.addf %broadcast_in_dim3A_1, %exp3A_756 : vector<16xf32>
      %mul3A_758 = arith.mulf %exp3A_756, %get3A_727 : vector<16xf32>
      %add3A_759 = arith.addf %broadcast_in_dim3A_1, %mul3A_758 : vector<16xf32>
      %mul3A_760 = arith.mulf %exp3A_756, %get3A_734 : vector<16xf32>
      %add3A_761 = arith.addf %broadcast_in_dim3A_1, %mul3A_760 : vector<16xf32>
      %iota3A_762 = tpu.iota {dimensions = array<i32: 0>} : vector<16xi32>
      %ge3A_763 = arith.constant 13 : i32
      %ge3A_764 = vector.broadcast %ge3A_763 : i32 to vector<16xi32>
      %ge3A_765 = arith.cmpi sge, %iota3A_762, %ge3A_764 : vector<16xi32>
      %jit3A_766 = arith.constant 0.000000e+00 : f32
      %broadcast_in_dim3A_767 = vector.broadcast %jit3A_766 : f32 to vector<16xf32>
      %select_n3A_768 = arith.select %ge3A_765, %exp3A_756, %broadcast_in_dim3A_767 : vector<16xi1>, vector<16xf32>
      %add3A_769 = arith.addf %add3A_716, %select_n3A_768 : vector<16xf32>
      %mul3A_770 = arith.mulf %select_n3A_768, %get3A_727 : vector<16xf32>
      %add3A_771 = arith.addf %add3A_718, %mul3A_770 : vector<16xf32>
      %mul3A_772 = arith.mulf %select_n3A_768, %get3A_734 : vector<16xf32>
      %add3A_773 = arith.addf %add3A_720, %mul3A_772 : vector<16xf32>
      %mul3A_774 = arith.constant 256 : i32
      %mul3A_775 = arith.muli %scan3A_8, %mul3A_774 : i32
      %add3A_776 = arith.constant 224 : i32
      %add3A_777 = arith.addi %mul3A_775, %add3A_776 : i32
      %get3A_778 = arith.index_cast %add3A_777 : i32 to index
      %get3A_779 = tpu.vector_load %arg14[%get3A_778] {strides = array<i32>} : memref<32768xf32, #tpu.memory_space<vmem>>, vector<16xf32>,
      %get3A_780 = vector.shape_cast %get3A_779 : vector<16xf32> to vector<16xf32>
      %mul3A_781 = arith.constant 256 : i32
      %mul3A_782 = arith.muli %scan3A_8, %mul3A_781 : i32
      %add3A_783 = arith.constant 224 : i32
      %add3A_784 = arith.addi %mul3A_782, %add3A_783 : i32
      %get3A_785 = arith.index_cast %add3A_784 : i32 to index
      %get3A_786 = tpu.vector_load %arg15[%get3A_785] {strides = array<i32>} : memref<32768xf32, #tpu.memory_space<vmem>>, vector<16xf32>,
      %get3A_787 = vector.shape_cast %get3A_786 : vector<16xf32> to vector<16xf32>
      %broadcast_in_dim3A_788 = arith.constant 14 : i32
      %broadcast_in_dim3A_789 = vector.broadcast %broadcast_in_dim3A_788 : i32 to vector<16xi32>
      %broadcast_in_dim3A_790 = vector.shape_cast %broadcast_in_dim3A_789 : vector<16xi32> to vector<16x1xi32>
      %gather3A_791 = vector.shape_cast %broadcast_in_dim3A_790 : vector<16x1xi32> to vector<16xi32>
      %gather3A_792 = tpu.dynamic_gather %get3A_33[%gather3A_791] in [0] : vector<16xf32>, vector<16xi32> -> vector<16xf32>
      %broadcast_in_dim3A_793 = arith.constant 14 : i32
      %broadcast_in_dim3A_794 = vector.broadcast %broadcast_in_dim3A_793 : i32 to vector<16xi32>
      %broadcast_in_dim3A_795 = vector.shape_cast %broadcast_in_dim3A_794 : vector<16xi32> to vector<16x1xi32>
      %gather3A_796 = vector.shape_cast %broadcast_in_dim3A_795 : vector<16x1xi32> to vector<16xi32>
      %gather3A_797 = tpu.dynamic_gather %get3A_38[%gather3A_796] in [0] : vector<16xf32>, vector<16xi32> -> vector<16xf32>
      %mul3A_798 = arith.mulf %get3A_13, %gather3A_792 : vector<16xf32>
      %mul3A_799 = arith.mulf %get3A_18, %gather3A_797 : vector<16xf32>
      %add3A_800 = arith.addf %mul3A_798, %mul3A_799 : vector<16xf32>
      %mul3A_801 = arith.mulf %add3A_800, %add3A_800 : vector<16xf32>
      %mul3A_802 = arith.constant 3.7037037E-4 : f32
      %mul3A_803 = vector.broadcast %mul3A_802 : f32 to vector<16xf32>
      %mul3A_804 = arith.mulf %mul3A_801, %mul3A_803 : vector<16xf32>
      %sub3A_805 = arith.constant 1.000000e+00 : f32
      %sub3A_806 = vector.broadcast %sub3A_805 : f32 to vector<16xf32>
      %sub3A_807 = arith.subf %sub3A_806, %mul3A_804 : vector<16xf32>
      %mul3A_808 = arith.mulf %add3A_800, %sub3A_807 : vector<16xf32>
      %exp3A_809 = math.exp %mul3A_808 : vector<16xf32>
      %add3A_810 = arith.addf %broadcast_in_dim3A_1, %exp3A_809 : vector<16xf32>
      %mul3A_811 = arith.mulf %exp3A_809, %get3A_780 : vector<16xf32>
      %add3A_812 = arith.addf %broadcast_in_dim3A_1, %mul3A_811 : vector<16xf32>
      %mul3A_813 = arith.mulf %exp3A_809, %get3A_787 : vector<16xf32>
      %add3A_814 = arith.addf %broadcast_in_dim3A_1, %mul3A_813 : vector<16xf32>
      %iota3A_815 = tpu.iota {dimensions = array<i32: 0>} : vector<16xi32>
      %ge3A_816 = arith.constant 14 : i32
      %ge3A_817 = vector.broadcast %ge3A_816 : i32 to vector<16xi32>
      %ge3A_818 = arith.cmpi sge, %iota3A_815, %ge3A_817 : vector<16xi32>
      %jit3A_819 = arith.constant 0.000000e+00 : f32
      %broadcast_in_dim3A_820 = vector.broadcast %jit3A_819 : f32 to vector<16xf32>
      %select_n3A_821 = arith.select %ge3A_818, %exp3A_809, %broadcast_in_dim3A_820 : vector<16xi1>, vector<16xf32>
      %add3A_822 = arith.addf %add3A_769, %select_n3A_821 : vector<16xf32>
      %mul3A_823 = arith.mulf %select_n3A_821, %get3A_780 : vector<16xf32>
      %add3A_824 = arith.addf %add3A_771, %mul3A_823 : vector<16xf32>
      %mul3A_825 = arith.mulf %select_n3A_821, %get3A_787 : vector<16xf32>
      %add3A_826 = arith.addf %add3A_773, %mul3A_825 : vector<16xf32>
      %mul3A_827 = arith.constant 256 : i32
      %mul3A_828 = arith.muli %scan3A_8, %mul3A_827 : i32
      %add3A_829 = arith.constant 240 : i32
      %add3A_830 = arith.addi %mul3A_828, %add3A_829 : i32
      %get3A_831 = arith.index_cast %add3A_830 : i32 to index
      %get3A_832 = tpu.vector_load %arg14[%get3A_831] {strides = array<i32>} : memref<32768xf32, #tpu.memory_space<vmem>>, vector<16xf32>,
      %get3A_833 = vector.shape_cast %get3A_832 : vector<16xf32> to vector<16xf32>
      %mul3A_834 = arith.constant 256 : i32
      %mul3A_835 = arith.muli %scan3A_8, %mul3A_834 : i32
      %add3A_836 = arith.constant 240 : i32
      %add3A_837 = arith.addi %mul3A_835, %add3A_836 : i32
      %get3A_838 = arith.index_cast %add3A_837 : i32 to index
      %get3A_839 = tpu.vector_load %arg15[%get3A_838] {strides = array<i32>} : memref<32768xf32, #tpu.memory_space<vmem>>, vector<16xf32>,
      %get3A_840 = vector.shape_cast %get3A_839 : vector<16xf32> to vector<16xf32>
      %broadcast_in_dim3A_841 = arith.constant 15 : i32
      %broadcast_in_dim3A_842 = vector.broadcast %broadcast_in_dim3A_841 : i32 to vector<16xi32>
      %broadcast_in_dim3A_843 = vector.shape_cast %broadcast_in_dim3A_842 : vector<16xi32> to vector<16x1xi32>
      %gather3A_844 = vector.shape_cast %broadcast_in_dim3A_843 : vector<16x1xi32> to vector<16xi32>
      %gather3A_845 = tpu.dynamic_gather %get3A_33[%gather3A_844] in [0] : vector<16xf32>, vector<16xi32> -> vector<16xf32>
      %broadcast_in_dim3A_846 = arith.constant 15 : i32
      %broadcast_in_dim3A_847 = vector.broadcast %broadcast_in_dim3A_846 : i32 to vector<16xi32>
      %broadcast_in_dim3A_848 = vector.shape_cast %broadcast_in_dim3A_847 : vector<16xi32> to vector<16x1xi32>
      %gather3A_849 = vector.shape_cast %broadcast_in_dim3A_848 : vector<16x1xi32> to vector<16xi32>
      %gather3A_850 = tpu.dynamic_gather %get3A_38[%gather3A_849] in [0] : vector<16xf32>, vector<16xi32> -> vector<16xf32>
      %mul3A_851 = arith.mulf %get3A_13, %gather3A_845 : vector<16xf32>
      %mul3A_852 = arith.mulf %get3A_18, %gather3A_850 : vector<16xf32>
      %add3A_853 = arith.addf %mul3A_851, %mul3A_852 : vector<16xf32>
      %mul3A_854 = arith.mulf %add3A_853, %add3A_853 : vector<16xf32>
      %mul3A_855 = arith.constant 3.7037037E-4 : f32
      %mul3A_856 = vector.broadcast %mul3A_855 : f32 to vector<16xf32>
      %mul3A_857 = arith.mulf %mul3A_854, %mul3A_856 : vector<16xf32>
      %sub3A_858 = arith.constant 1.000000e+00 : f32
      %sub3A_859 = vector.broadcast %sub3A_858 : f32 to vector<16xf32>
      %sub3A_860 = arith.subf %sub3A_859, %mul3A_857 : vector<16xf32>
      %mul3A_861 = arith.mulf %add3A_853, %sub3A_860 : vector<16xf32>
      %exp3A_862 = math.exp %mul3A_861 : vector<16xf32>
      %add3A_863 = arith.addf %broadcast_in_dim3A_1, %exp3A_862 : vector<16xf32>
      %mul3A_864 = arith.mulf %exp3A_862, %get3A_833 : vector<16xf32>
      %add3A_865 = arith.addf %broadcast_in_dim3A_1, %mul3A_864 : vector<16xf32>
      %mul3A_866 = arith.mulf %exp3A_862, %get3A_840 : vector<16xf32>
      %add3A_867 = arith.addf %broadcast_in_dim3A_1, %mul3A_866 : vector<16xf32>
      %iota3A_868 = tpu.iota {dimensions = array<i32: 0>} : vector<16xi32>
      %ge3A_869 = arith.constant 15 : i32
      %ge3A_870 = vector.broadcast %ge3A_869 : i32 to vector<16xi32>
      %ge3A_871 = arith.cmpi sge, %iota3A_868, %ge3A_870 : vector<16xi32>
      %jit3A_872 = arith.constant 0.000000e+00 : f32
      %broadcast_in_dim3A_873 = vector.broadcast %jit3A_872 : f32 to vector<16xf32>
      %select_n3A_874 = arith.select %ge3A_871, %exp3A_862, %broadcast_in_dim3A_873 : vector<16xi1>, vector<16xf32>
      %add3A_875 = arith.addf %add3A_822, %select_n3A_874 : vector<16xf32>
      %mul3A_876 = arith.mulf %select_n3A_874, %get3A_833 : vector<16xf32>
      %add3A_877 = arith.addf %add3A_824, %mul3A_876 : vector<16xf32>
      %mul3A_878 = arith.mulf %select_n3A_874, %get3A_840 : vector<16xf32>
      %add3A_879 = arith.addf %add3A_826, %mul3A_878 : vector<16xf32>
      %div3A = arith.divf %add3A_877, %add3A_875 : vector<16xf32>
      %mul3A_880 = arith.constant 16 : i32
      %mul3A_881 = arith.muli %scan3A_8, %mul3A_880 : i32
      %swap3A = arith.index_cast %mul3A_881 : i32 to index
      %swap3A_882 = tpu.vector_load %arg16[%swap3A] {strides = array<i32>} : memref<2048xf32, #tpu.memory_space<vmem>>, vector<16xf32>,
      %swap3A_883 = vector.shape_cast %swap3A_882 : vector<16xf32> to vector<16xf32>
      %swap3A_884 = vector.shape_cast %div3A : vector<16xf32> to vector<16xf32>
      tpu.vector_store %arg16[%swap3A], %swap3A_884 {strides = array<i32>} : memref<2048xf32, #tpu.memory_space<vmem>>, vector<16xf32>,
      %div3A_885 = arith.divf %add3A_879, %add3A_875 : vector<16xf32>
      %mul3A_886 = arith.constant 16 : i32
      %mul3A_887 = arith.muli %scan3A_8, %mul3A_886 : i32
      %swap3A_888 = arith.index_cast %mul3A_887 : i32 to index
      %swap3A_889 = tpu.vector_load %arg17[%swap3A_888] {strides = array<i32>} : memref<2048xf32, #tpu.memory_space<vmem>>, vector<16xf32>,
      %swap3A_890 = vector.shape_cast %swap3A_889 : vector<16xf32> to vector<16xf32>
      %swap3A_891 = vector.shape_cast %div3A_885 : vector<16xf32> to vector<16xf32>
      tpu.vector_store %arg17[%swap3A_888], %swap3A_891 {strides = array<i32>} : memref<2048xf32, #tpu.memory_space<vmem>>, vector<16xf32>,
      %scan3A_892 = arith.constant 0 : i32
      scf.yield %scan3A_892 : i32
    }
    %scan3A_7 = arith.constant 128 : i32
    "tpu.region"() ({
      %run_scoped3A = tpu.sem_alloc : memref<!tpu.dma_semaphore, #tpu.memory_space<semaphore_mem>>
      %dma_start3A = arith.constant 0 : i32
      %dma_start3A_8 = tpu.memref_slice %arg8[%add3A, %dma_start3A] : memref<32x2048xf32, #tpu.memory_space<hbm>> -> memref<1x2048xf32, #tpu.memory_space<hbm>>
      %dma_start3A_9 = tpu.memref_squeeze %dma_start3A_8 : memref<1x2048xf32, #tpu.memory_space<hbm>> -> memref<2048xf32, #tpu.memory_space<hbm>>
      %dma_start3A_10 = arith.constant 0 : i32
      %dma_start3A_11 = tpu.memref_slice %arg8[%add3A, %dma_start3A_10] : memref<32x2048xf32, #tpu.memory_space<hbm>> -> memref<1x2048xf32, #tpu.memory_space<hbm>>
      %dma_start3A_12 = tpu.memref_squeeze %dma_start3A_11 : memref<1x2048xf32, #tpu.memory_space<hbm>> -> memref<2048xf32, #tpu.memory_space<hbm>>
      tpu.enqueue_dma source(%arg16 : memref<2048xf32, #tpu.memory_space<vmem>>) target(%dma_start3A_12 : memref<2048xf32, #tpu.memory_space<hbm>>) target_semaphore(%run_scoped3A : memref<!tpu.dma_semaphore, #tpu.memory_space<semaphore_mem>>)
      %dma_wait3A = arith.constant 0 : i32
      %dma_wait3A_13 = tpu.memref_slice %arg8[%add3A, %dma_wait3A] : memref<32x2048xf32, #tpu.memory_space<hbm>> -> memref<1x2048xf32, #tpu.memory_space<hbm>>
      %dma_wait3A_14 = tpu.memref_squeeze %dma_wait3A_13 : memref<1x2048xf32, #tpu.memory_space<hbm>> -> memref<2048xf32, #tpu.memory_space<hbm>>
      %dma_wait3A_15 = arith.constant 0 : i32
      %dma_wait3A_16 = tpu.memref_slice %arg8[%add3A, %dma_wait3A_15] : memref<32x2048xf32, #tpu.memory_space<hbm>> -> memref<1x2048xf32, #tpu.memory_space<hbm>>
      %dma_wait3A_17 = tpu.memref_squeeze %dma_wait3A_16 : memref<1x2048xf32, #tpu.memory_space<hbm>> -> memref<2048xf32, #tpu.memory_space<hbm>>
      tpu.wait_dma2 semaphore(%run_scoped3A : memref<!tpu.dma_semaphore, #tpu.memory_space<semaphore_mem>>) src(%arg16 : memref<2048xf32, #tpu.memory_space<vmem>>) dst(%dma_wait3A_17 : memref<2048xf32, #tpu.memory_space<hbm>>)
      tpu.yield
    }) : () -> ()
    "tpu.region"() ({
      %run_scoped3A = tpu.sem_alloc : memref<!tpu.dma_semaphore, #tpu.memory_space<semaphore_mem>>
      %dma_start3A = arith.constant 0 : i32
      %dma_start3A_8 = tpu.memref_slice %arg9[%add3A, %dma_start3A] : memref<32x2048xf32, #tpu.memory_space<hbm>> -> memref<1x2048xf32, #tpu.memory_space<hbm>>
      %dma_start3A_9 = tpu.memref_squeeze %dma_start3A_8 : memref<1x2048xf32, #tpu.memory_space<hbm>> -> memref<2048xf32, #tpu.memory_space<hbm>>
      %dma_start3A_10 = arith.constant 0 : i32
      %dma_start3A_11 = tpu.memref_slice %arg9[%add3A, %dma_start3A_10] : memref<32x2048xf32, #tpu.memory_space<hbm>> -> memref<1x2048xf32, #tpu.memory_space<hbm>>
      %dma_start3A_12 = tpu.memref_squeeze %dma_start3A_11 : memref<1x2048xf32, #tpu.memory_space<hbm>> -> memref<2048xf32, #tpu.memory_space<hbm>>
      tpu.enqueue_dma source(%arg17 : memref<2048xf32, #tpu.memory_space<vmem>>) target(%dma_start3A_12 : memref<2048xf32, #tpu.memory_space<hbm>>) target_semaphore(%run_scoped3A : memref<!tpu.dma_semaphore, #tpu.memory_space<semaphore_mem>>)
      %dma_wait3A = arith.constant 0 : i32
      %dma_wait3A_13 = tpu.memref_slice %arg9[%add3A, %dma_wait3A] : memref<32x2048xf32, #tpu.memory_space<hbm>> -> memref<1x2048xf32, #tpu.memory_space<hbm>>
      %dma_wait3A_14 = tpu.memref_squeeze %dma_wait3A_13 : memref<1x2048xf32, #tpu.memory_space<hbm>> -> memref<2048xf32, #tpu.memory_space<hbm>>
      %dma_wait3A_15 = arith.constant 0 : i32
      %dma_wait3A_16 = tpu.memref_slice %arg9[%add3A, %dma_wait3A_15] : memref<32x2048xf32, #tpu.memory_space<hbm>> -> memref<1x2048xf32, #tpu.memory_space<hbm>>
      %dma_wait3A_17 = tpu.memref_squeeze %dma_wait3A_16 : memref<1x2048xf32, #tpu.memory_space<hbm>> -> memref<2048xf32, #tpu.memory_space<hbm>>
      tpu.wait_dma2 semaphore(%run_scoped3A : memref<!tpu.dma_semaphore, #tpu.memory_space<semaphore_mem>>) src(%arg17 : memref<2048xf32, #tpu.memory_space<vmem>>) dst(%dma_wait3A_17 : memref<2048xf32, #tpu.memory_space<hbm>>)
      tpu.yield
    }) : () -> ()
    return
  }
}

module attributes {stable_mosaic.version = 14 : i64} {
  func.func @_proj_norm_body(%arg0: memref<2048x64xf32, #tpu.memory_space<vmem>>, %arg1: memref<64x192xf32, #tpu.memory_space<vmem>>, %arg2: memref<1x64xf32, #tpu.memory_space<vmem>>, %arg3: memref<1x64xf32, #tpu.memory_space<vmem>>, %arg4: memref<2048x64xf32, #tpu.memory_space<vmem>>, %arg5: memref<2048x64xf32, #tpu.memory_space<vmem>>, %arg6: memref<2048x64xf32, #tpu.memory_space<vmem>>) attributes {dimension_semantics = [], scalar_prefetch = 0 : i64, scratch_operands = 0 : i64, tpu.core_type = #tpu.core_type<tc>} {
    %get3A = arith.constant 0 : index
    %get3A_0 = arith.constant 0 : index
    %get3A_1 = vector.load %arg0[%get3A, %get3A_0] : memref<2048x64xf32, #tpu.memory_space<vmem>>, vector<2048x64xf32>
    %get3A_2 = arith.constant 0 : index
    %get3A_3 = arith.constant 0 : index
    %get3A_4 = vector.load %arg1[%get3A_2, %get3A_3] : memref<64x192xf32, #tpu.memory_space<vmem>>, vector<64x192xf32>
    %dot_general3A = arith.constant dense<0.000000e+00> : vector<2048x192xf32>
    %dot_general3A_5 = tpu.matmul %get3A_1, %get3A_4, %dot_general3A {dimension_numbers = #tpu.dot_dimension_numbers<[1], [0], [0], [1], [0, 0, 1, 1], [], []>, transpose_lhs_hint = false} : vector<2048x64xf32>, vector<64x192xf32>, vector<2048x192xf32> -> vector<2048x192xf32>
    %slice3A = vector.extract_strided_slice %dot_general3A_5 {offsets = [0, 0], sizes = [2048, 64], strides = [1, 1]} : vector<2048x192xf32> to vector<2048x64xf32>
    %slice3A_6 = vector.extract_strided_slice %dot_general3A_5 {offsets = [0, 64], sizes = [2048, 64], strides = [1, 1]} : vector<2048x192xf32> to vector<2048x64xf32>
    %slice3A_7 = vector.extract_strided_slice %dot_general3A_5 {offsets = [0, 128], sizes = [2048, 64], strides = [1, 1]} : vector<2048x192xf32> to vector<2048x64xf32>
    %iota3A = tpu.iota {dimensions = array<i32: 0>} : vector<64x64xi32>
    %jit3A = arith.constant 2 : i32
    %div3A = vector.broadcast %jit3A : i32 to vector<64x64xi32>
    %div3A_8 = arith.divsi %iota3A, %div3A : vector<64x64xi32>
    %sign3A = arith.constant 0 : i32
    %sign3A_9 = vector.broadcast %sign3A : i32 to vector<64x64xi32>
    %sign3A_10 = arith.cmpi sgt, %iota3A, %sign3A_9 : vector<64x64xi32>
    %sign3A_11 = arith.extui %sign3A_10 : vector<64x64xi1> to vector<64x64xi32>
    %sign3A_12 = arith.constant 0 : i32
    %sign3A_13 = vector.broadcast %sign3A_12 : i32 to vector<64x64xi32>
    %sign3A_14 = arith.cmpi slt, %iota3A, %sign3A_13 : vector<64x64xi32>
    %sign3A_15 = arith.extui %sign3A_14 : vector<64x64xi1> to vector<64x64xi32>
    %sign3A_16 = arith.subi %sign3A_11, %sign3A_15 : vector<64x64xi32>
    %sign3A_17 = arith.constant 0 : i32
    %sign3A_18 = arith.cmpi sgt, %jit3A, %sign3A_17 : i32
    %sign3A_19 = arith.extui %sign3A_18 : i1 to i32
    %sign3A_20 = arith.constant 0 : i32
    %sign3A_21 = arith.cmpi slt, %jit3A, %sign3A_20 : i32
    %sign3A_22 = arith.extui %sign3A_21 : i1 to i32
    %sign3A_23 = arith.subi %sign3A_19, %sign3A_22 : i32
    %ne3A = vector.broadcast %sign3A_23 : i32 to vector<64x64xi32>
    %ne3A_24 = arith.cmpi ne, %sign3A_16, %ne3A : vector<64x64xi32>
    %rem3A = vector.broadcast %jit3A : i32 to vector<64x64xi32>
    %rem3A_25 = arith.remsi %iota3A, %rem3A : vector<64x64xi32>
    %ne3A_26 = arith.constant 0 : i32
    %ne3A_27 = vector.broadcast %ne3A_26 : i32 to vector<64x64xi32>
    %ne3A_28 = arith.cmpi ne, %rem3A_25, %ne3A_27 : vector<64x64xi32>
    %and3A = arith.andi %ne3A_24, %ne3A_28 : vector<64x64xi1>
    %sub3A = arith.constant 1 : i32
    %sub3A_29 = vector.broadcast %sub3A : i32 to vector<64x64xi32>
    %sub3A_30 = arith.subi %div3A_8, %sub3A_29 : vector<64x64xi32>
    %select_n3A = arith.select %and3A, %sub3A_30, %div3A_8 : vector<64x64xi1>, vector<64x64xi32>
    %iota3A_31 = tpu.iota {dimensions = array<i32: 1>} : vector<64x64xi32>
    %jit3A_32 = arith.constant 2 : i32
    %div3A_33 = vector.broadcast %jit3A_32 : i32 to vector<64x64xi32>
    %div3A_34 = arith.divsi %iota3A_31, %div3A_33 : vector<64x64xi32>
    %sign3A_35 = arith.constant 0 : i32
    %sign3A_36 = vector.broadcast %sign3A_35 : i32 to vector<64x64xi32>
    %sign3A_37 = arith.cmpi sgt, %iota3A_31, %sign3A_36 : vector<64x64xi32>
    %sign3A_38 = arith.extui %sign3A_37 : vector<64x64xi1> to vector<64x64xi32>
    %sign3A_39 = arith.constant 0 : i32
    %sign3A_40 = vector.broadcast %sign3A_39 : i32 to vector<64x64xi32>
    %sign3A_41 = arith.cmpi slt, %iota3A_31, %sign3A_40 : vector<64x64xi32>
    %sign3A_42 = arith.extui %sign3A_41 : vector<64x64xi1> to vector<64x64xi32>
    %sign3A_43 = arith.subi %sign3A_38, %sign3A_42 : vector<64x64xi32>
    %sign3A_44 = arith.constant 0 : i32
    %sign3A_45 = arith.cmpi sgt, %jit3A_32, %sign3A_44 : i32
    %sign3A_46 = arith.extui %sign3A_45 : i1 to i32
    %sign3A_47 = arith.constant 0 : i32
    %sign3A_48 = arith.cmpi slt, %jit3A_32, %sign3A_47 : i32
    %sign3A_49 = arith.extui %sign3A_48 : i1 to i32
    %sign3A_50 = arith.subi %sign3A_46, %sign3A_49 : i32
    %ne3A_51 = vector.broadcast %sign3A_50 : i32 to vector<64x64xi32>
    %ne3A_52 = arith.cmpi ne, %sign3A_43, %ne3A_51 : vector<64x64xi32>
    %rem3A_53 = vector.broadcast %jit3A_32 : i32 to vector<64x64xi32>
    %rem3A_54 = arith.remsi %iota3A_31, %rem3A_53 : vector<64x64xi32>
    %ne3A_55 = arith.constant 0 : i32
    %ne3A_56 = vector.broadcast %ne3A_55 : i32 to vector<64x64xi32>
    %ne3A_57 = arith.cmpi ne, %rem3A_54, %ne3A_56 : vector<64x64xi32>
    %and3A_58 = arith.andi %ne3A_52, %ne3A_57 : vector<64x64xi1>
    %sub3A_59 = arith.constant 1 : i32
    %sub3A_60 = vector.broadcast %sub3A_59 : i32 to vector<64x64xi32>
    %sub3A_61 = arith.subi %div3A_34, %sub3A_60 : vector<64x64xi32>
    %select_n3A_62 = arith.select %and3A_58, %sub3A_61, %div3A_34 : vector<64x64xi1>, vector<64x64xi32>
    %eq3A = arith.cmpi eq, %select_n3A, %select_n3A_62 : vector<64x64xi32>
    %convert_element_type3A = arith.extui %eq3A : vector<64x64xi1> to vector<64x64xi32>
    %convert_element_type3A_63 = arith.sitofp %convert_element_type3A : vector<64x64xi32> to vector<64x64xf32>
    %get3A_64 = arith.constant 0 : index
    %get3A_65 = arith.constant 0 : index
    %get3A_66 = vector.load %arg2[%get3A_64, %get3A_65] : memref<1x64xf32, #tpu.memory_space<vmem>>, vector<1x64xf32>
    %mul3A = arith.mulf %slice3A, %slice3A : vector<2048x64xf32>
    %dot_general3A_67 = arith.constant dense<0.000000e+00> : vector<2048x64xf32>
    %dot_general3A_68 = tpu.matmul %mul3A, %convert_element_type3A_63, %dot_general3A_67 {dimension_numbers = #tpu.dot_dimension_numbers<[1], [0], [0], [1], [0, 0, 1, 1], [], []>, transpose_lhs_hint = false} : vector<2048x64xf32>, vector<64x64xf32>, vector<2048x64xf32> -> vector<2048x64xf32>
    %mul3A_69 = arith.constant 5.000000e-01 : f32
    %mul3A_70 = vector.broadcast %mul3A_69 : f32 to vector<2048x64xf32>
    %mul3A_71 = arith.mulf %dot_general3A_68, %mul3A_70 : vector<2048x64xf32>
    %add3A = arith.constant 9.99999997E-7 : f32
    %add3A_72 = vector.broadcast %add3A : f32 to vector<2048x64xf32>
    %add3A_73 = arith.addf %mul3A_71, %add3A_72 : vector<2048x64xf32>
    %rsqrt3A = math.rsqrt %add3A_73 : vector<2048x64xf32>
    %mul3A_74 = arith.mulf %slice3A, %rsqrt3A : vector<2048x64xf32>
    %mul3A_75 = vector.broadcast %get3A_66 : vector<1x64xf32> to vector<2048x64xf32>
    %mul3A_76 = arith.mulf %mul3A_74, %mul3A_75 : vector<2048x64xf32>
    %mul3A_77 = arith.constant 0.707106769 : f32
    %mul3A_78 = vector.broadcast %mul3A_77 : f32 to vector<2048x64xf32>
    %mul3A_79 = arith.mulf %mul3A_76, %mul3A_78 : vector<2048x64xf32>
    %swap3A = arith.constant 0 : index
    %swap3A_80 = arith.constant 0 : index
    %swap3A_81 = vector.load %arg4[%swap3A, %swap3A_80] : memref<2048x64xf32, #tpu.memory_space<vmem>>, vector<2048x64xf32>
    tpu.vector_store %arg4[%swap3A, %swap3A_80], %mul3A_79 {strides = array<i32>} : memref<2048x64xf32, #tpu.memory_space<vmem>>, vector<2048x64xf32>,
    %get3A_82 = arith.constant 0 : index
    %get3A_83 = arith.constant 0 : index
    %get3A_84 = vector.load %arg3[%get3A_82, %get3A_83] : memref<1x64xf32, #tpu.memory_space<vmem>>, vector<1x64xf32>
    %mul3A_85 = arith.mulf %slice3A_6, %slice3A_6 : vector<2048x64xf32>
    %dot_general3A_86 = arith.constant dense<0.000000e+00> : vector<2048x64xf32>
    %dot_general3A_87 = tpu.matmul %mul3A_85, %convert_element_type3A_63, %dot_general3A_86 {dimension_numbers = #tpu.dot_dimension_numbers<[1], [0], [0], [1], [0, 0, 1, 1], [], []>, transpose_lhs_hint = false} : vector<2048x64xf32>, vector<64x64xf32>, vector<2048x64xf32> -> vector<2048x64xf32>
    %mul3A_88 = arith.constant 5.000000e-01 : f32
    %mul3A_89 = vector.broadcast %mul3A_88 : f32 to vector<2048x64xf32>
    %mul3A_90 = arith.mulf %dot_general3A_87, %mul3A_89 : vector<2048x64xf32>
    %add3A_91 = arith.constant 9.99999997E-7 : f32
    %add3A_92 = vector.broadcast %add3A_91 : f32 to vector<2048x64xf32>
    %add3A_93 = arith.addf %mul3A_90, %add3A_92 : vector<2048x64xf32>
    %rsqrt3A_94 = math.rsqrt %add3A_93 : vector<2048x64xf32>
    %mul3A_95 = arith.mulf %slice3A_6, %rsqrt3A_94 : vector<2048x64xf32>
    %mul3A_96 = vector.broadcast %get3A_84 : vector<1x64xf32> to vector<2048x64xf32>
    %mul3A_97 = arith.mulf %mul3A_95, %mul3A_96 : vector<2048x64xf32>
    %swap3A_98 = arith.constant 0 : index
    %swap3A_99 = arith.constant 0 : index
    %swap3A_100 = vector.load %arg5[%swap3A_98, %swap3A_99] : memref<2048x64xf32, #tpu.memory_space<vmem>>, vector<2048x64xf32>
    tpu.vector_store %arg5[%swap3A_98, %swap3A_99], %mul3A_97 {strides = array<i32>} : memref<2048x64xf32, #tpu.memory_space<vmem>>, vector<2048x64xf32>,
    %swap3A_101 = arith.constant 0 : index
    %swap3A_102 = arith.constant 0 : index
    %swap3A_103 = vector.load %arg6[%swap3A_101, %swap3A_102] : memref<2048x64xf32, #tpu.memory_space<vmem>>, vector<2048x64xf32>
    tpu.vector_store %arg6[%swap3A_101, %swap3A_102], %slice3A_7 {strides = array<i32>} : memref<2048x64xf32, #tpu.memory_space<vmem>>, vector<2048x64xf32>,
    return
  }
}

module attributes {stable_mosaic.version = 14 : i64} {
  func.func @_out_proj_body(%arg0: memref<2048x64xf32, #tpu.memory_space<vmem>>, %arg1: memref<64x64xf32, #tpu.memory_space<vmem>>, %arg2: memref<2048x64xf32, #tpu.memory_space<vmem>>) attributes {dimension_semantics = [], scalar_prefetch = 0 : i64, scratch_operands = 0 : i64, tpu.core_type = #tpu.core_type<tc>} {
    %get3A = arith.constant 0 : index
    %get3A_0 = arith.constant 0 : index
    %get3A_1 = vector.load %arg0[%get3A, %get3A_0] : memref<2048x64xf32, #tpu.memory_space<vmem>>, vector<2048x64xf32>
    %get3A_2 = arith.constant 0 : index
    %get3A_3 = arith.constant 0 : index
    %get3A_4 = vector.load %arg1[%get3A_2, %get3A_3] : memref<64x64xf32, #tpu.memory_space<vmem>>, vector<64x64xf32>
    %dot_general3A = arith.constant dense<0.000000e+00> : vector<2048x64xf32>
    %dot_general3A_5 = tpu.matmul %get3A_1, %get3A_4, %dot_general3A {dimension_numbers = #tpu.dot_dimension_numbers<[1], [0], [0], [1], [0, 0, 1, 1], [], []>, transpose_lhs_hint = false} : vector<2048x64xf32>, vector<64x64xf32>, vector<2048x64xf32> -> vector<2048x64xf32>
    %swap3A = arith.constant 0 : index
    %swap3A_6 = arith.constant 0 : index
    %swap3A_7 = vector.load %arg2[%swap3A, %swap3A_6] : memref<2048x64xf32, #tpu.memory_space<vmem>>, vector<2048x64xf32>
    tpu.vector_store %arg2[%swap3A, %swap3A_6], %dot_general3A_5 {strides = array<i32>} : memref<2048x64xf32, #tpu.memory_space<vmem>>, vector<2048x64xf32>,
    return
  }
}

</mosaic_0001>

<sc_bundles>
// kernel: kernel.5.cloned.1.call-start
scs
__scs_entry_jumppad:
0x0: {  	(pc) =	sbr.rel $0x88, $3  }
0x1: {  	(tag) =	ssettag $0x0;
	lr =	simm.s32 $0x1  }
0x2: {  	[smem:$0x3F9C] =	sst lr;
	_ =	strace $0xD0000000  }
0x3: {  	_ = 	snop  }
0x4: {  	_ = 	snop  }
0x5: {  	_ = 	snop  }
0x6: {  	_ = 	snop  }
0x7: {  	_ = 	snop  }
__scs_overlays_trampoline_lowered:
0x8: {  	[smem:$0x3FAB] =	sst s0  }
0x9: {  	[smem:$0x3FAC] =	sst s1  }
0xa: {  	[smem:$0x3FAD] =	sst s2  }
0xb: {  	[smem:$0x3FAE] =	sst s3  }
0xc: {  	[smem:$0x3FAF] =	sst s4  }
0xd: {  	[smem:$0x3FB0] =	sst s5  }
0xe: {  	[smem:$0x3FB1] =	sst s6  }
0xf: {  	[smem:$0x3FB2] =	sst s7  }
0x10: {  	[smem:$0x3FB3] =	sst s8  }
0x11: {  	[smem:$0x3FB4] =	sst s9;
	s0 =	simm.s32 @!p0 $0x0  }
0x12: {  	s1 =	sld [smem:$0x3F9A];
	s0 =	simm.s32 @p0 $0x1  }
0x13: {  	[smem:$0x3FB5] =	sst s0;
	s0 =	simm.s32 @!p1 $0x0  }
0x14: {  	s2 =	sld [smem:$0x3F99];
	s0 =	simm.s32 @p1 $0x1  }
0x15: {  	[smem:$0x3FB6] =	sst s0;
	s0 =	simm.s32 @!p2 $0x0  }
0x16: {  	s3 =	sld [smem:$0x3FDB];
	s0 =	simm.s32 @p2 $0x1  }
0x17: {  	s4 =	simm.s32 $0x1BF5;
	[smem:$0x3FB8] =	sst s0  }
0x18: {  	s0 =	sld [smem:$0x3F9B];
	_ =	swait.ge [sflag:s4], $0x0  }
0x19: {  	s7 =	sld [smem:$0x3F9C]  }
0x1a: {  	s8 =	sadd.s32 $0xFFFFE003, lr  }
0x1b: {  	s9 =	sadd.s32 $0xFFFFFEF7, lr;
	s5 =	simm.s32 $0xFFFFFFFF;
	p2 =	slt.u32 s8, $0xFFFFF086  }
0x1c: {  	p1 =	slt.u32 s9, $0xF7A;
	s5 =	simm.s32 @!p2 $0x0  }
0x1d: {  	s5 =	simm.s32 @p1 $0x1;
	p0 =	seq.s32 s7, s2  }
0x1e: {  	s7 =	smul.u32 @!p0 $0xF7A, s2;
	p2 =	seq.s32 @!p0 s5, $0x0  }
0x1f: {  	s9 =	smul.u32 $0xF7A, s1;
	s8 =	simm.s32 @!p0 $0x1BF5;
	p2 =	por !p2, p0  }
0x20: {  	[sflag:s8] =	ssyncset.s32 @!p0 $0xFFFFF086;
	s6 =	sadd.s32 @!p0 s3, s7;
	s7 =	simm.s32 @!p0 $0x108  }
0x21: {  	s3 =	sadd.s32 s3, s9;
	s6 =	sadd.s32 @!p0 $0x88, s6;
	s7 =	simm.s32 @p2 $0x1082  }
0x22: {  	[simem:s7], [sflag:s8] =	dma.local @!p0 [hbm:s6], $0xF7A  }
0x23: {  	s9 =	sor.u32 $0xD0000000, s2;
	s6 =	simm.s32 $0x108;
	_ =	swait.ge @!p0 [sflag:s8], $0x0  }
0x24: {  	s3 =	sadd.s32 $0x88, s3;
	s6 =	simm.s32 @!p1 $0x1082;
	[sflag:s4] =	ssyncset.s32 $0xFFFFF086  }
0x25: {  	[simem:s6], [sflag:s4] =	dma.local [hbm:s3], $0xF7A  }
0x26: {  	[smem:$0x3F9C] =	sst s1;
	(tag) =	ssettag s2;
	_ =	strace s9  }
0x27: {  	s1 =	sld [smem:$0x3FAC]  }
0x28: {  	s2 =	sld [smem:$0x3FAD]  }
0x29: {  	s4 =	sld [smem:$0x3FAF]  }
0x2a: {  	p0 =	seq.s32 s5, $0x0;
	s5 =	sld [smem:$0x3FB0]  }
0x2b: {  	s6 =	sld [smem:$0x3FB1]  }
0x2c: {  	s7 =	sld [smem:$0x3FB2]  }
0x2d: {  	s3 =	simm.s32 $0x108;
	s8 =	sld [smem:$0x3FB3]  }
0x2e: {  	s3 =	simm.s32 @!p0 $0x1082;
	s9 =	sld [smem:$0x3FB4]  }
0x2f: {  	lr =	sadd.s32 s0, s3;
	s0 =	sld [smem:$0x3FAB]  }
0x30: {  	s3 =	sld [smem:$0x3FAE]  }
0x31: {  	[smem:$0x3FB7] =	sst s10  }
0x32: {  	s10 =	sld [smem:$0x3FB5];
	_ =	sdelay $0x3  }
0x33: {  	p0 =	seq.s32 s10, $0x1;
	s10 =	sld [smem:$0x3FB7];
	_ =	sdelay $0x3  }
0x34: {  	[smem:$0x3FB7] =	sst s10  }
0x35: {  	s10 =	sld [smem:$0x3FB6];
	_ =	sdelay $0x3  }
0x36: {  	p1 =	seq.s32 s10, $0x1;
	s10 =	sld [smem:$0x3FB7];
	_ =	sdelay $0x3  }
0x37: {  	[smem:$0x3FB7] =	sst s10  }
0x38: {  	s10 =	sld [smem:$0x3FB8]  }
0x39: {  	_ = 	snop;
	(pc) =	sbr.ind lr, $3  }
0x3a: {  	_ = 	snop  }
0x3b: {  	_ = 	snop  }
0x3c: {  	p2 =	seq.s32 s10, $0x1;
	s10 =	sld [smem:$0x3FB7]  }
0x3d: {  	_ =	shalt  }
0x3e: {  	_ =	shalt  }
0x3f: {  	_ =	shalt  }
0x40: {  	_ =	shalt  }
0x41: {  	_ =	shalt  }
0x42: {  	_ =	shalt  }
0x43: {  	_ =	shalt  }
0x44: {  	_ =	shalt  }
0x45: {  	_ =	shalt  }
0x46: {  	_ =	shalt  }
0x47: {  	_ =	shalt  }
0x48: {  	_ =	shalt  }
0x49: {  	_ =	shalt  }
0x4a: {  	_ =	shalt  }
0x4b: {  	_ =	shalt  }
0x4c: {  	_ =	shalt  }
0x4d: {  	_ =	shalt  }
0x4e: {  	_ =	shalt  }
0x4f: {  	_ =	shalt  }
0x50: {  	_ =	shalt  }
0x51: {  	_ =	shalt  }
0x52: {  	_ =	shalt  }
0x53: {  	_ =	shalt  }
0x54: {  	_ =	shalt  }
0x55: {  	_ =	shalt  }
0x56: {  	_ =	shalt  }
0x57: {  	_ =	shalt  }
0x58: {  	_ =	shalt  }
0x59: {  	_ =	shalt  }
0x5a: {  	_ =	shalt  }
0x5b: {  	_ =	shalt  }
0x5c: {  	_ =	shalt  }
0x5d: {  	_ =	shalt  }
0x5e: {  	_ =	shalt  }
0x5f: {  	_ =	shalt  }
0x60: {  	_ =	shalt  }
0x61: {  	_ =	shalt  }
0x62: {  	_ =	shalt  }
0x63: {  	_ =	shalt  }
0x64: {  	_ =	shalt  }
0x65: {  	_ =	shalt  }
0x66: {  	_ =	shalt  }
0x67: {  	_ =	shalt  }
0x68: {  	_ =	shalt  }
0x69: {  	_ =	shalt  }
0x6a: {  	_ =	shalt  }
0x6b: {  	_ =	shalt  }
0x6c: {  	_ =	shalt  }
0x6d: {  	_ =	shalt  }
0x6e: {  	_ =	shalt  }
0x6f: {  	_ =	shalt  }
0x70: {  	_ =	shalt  }
0x71: {  	_ =	shalt  }
0x72: {  	_ =	shalt  }
0x73: {  	_ =	shalt  }
0x74: {  	_ =	shalt  }
0x75: {  	_ =	shalt  }
0x76: {  	_ =	shalt  }
0x77: {  	_ =	shalt  }
0x78: {  	_ =	shalt  }
0x79: {  	_ =	shalt  }
0x7a: {  	_ =	shalt  }
0x7b: {  	_ =	shalt  }
0x7c: {  	_ =	shalt  }
0x7d: {  	_ =	shalt  }
0x7e: {  	_ =	shalt  }
0x7f: {  	_ =	shalt  }
0x80: {  	_ =	shalt  }
0x81: {  	_ =	shalt  }
0x82: {  	_ =	shalt  }
0x83: {  	_ =	shalt  }
0x84: {  	_ =	shalt  }
0x85: {  	_ =	shalt  }
0x86: {  	_ =	shalt  }
0x87: {  	_ =	shalt  }
.Lfunc_end0:
.L_simem_size_0:
called_computation_lowered:
.L_overlay_start_0:
0x88: {  	s2 =	sld [smem:$0x3FD9]  }
0x89: {  	s3 =	sld [smem:$0x3FFE];
	_ =	sdelay $0x1  }
0x8a: {  	s1 =	srdreg.scid  }
0x8b: {  	s0 =	sand.u32 $0x1, s1  }
0x8c: {  	s17 =	sshll.u32 s0, $0xA;
	s2 =	sadd.s32 s3, s2  }
0x8d: {  	s2 =	sadd.s32 s2, s17  }
0x8e: {  	[smem:$0x3FC3] =	sst s2  }
0x8f: {  	_ = 	snop  }
0x90: {  	s2 =	sld [smem:$0x3FD0];
	(tm) =	ssettm $0x1  }
0x91: {  	s18 =	sld [smem:$0x3FFB];
	_ =	sdelay $0x3  }
0x92: {  	_ =	strace s18  }
0x93: {  	s3 =	sld [smem:$0x3FFC];
	_ =	sdelay $0x3  }
0x94: {  	_ =	strace s3  }
0x95: {  	s3 =	sld [smem:$0x3FFD];
	_ =	sdelay $0x3  }
0x96: {  	_ =	strace s3  }
0x97: {  	_ =	strace $0x8FFFFFFF  }
0x98: {  	s19 =	sld [smem:$0x3FDB];
	_ =	sdelay $0x1  }
0x99: {  	s4 =	simm.s32 $_scs_section_size  }
0x9a: {  	s5 =	simm.s32 $_size__tile_overlayer_lowered;
	s6 =	simm.s32 $_tile_overlayer_lowered  }
0x9b: {  	s22 =	simm.s32 $0x1BFF;
	s21 =	sshll.u32 s6, $0x1;
	s3 =	sadd.s32 s4, s19  }
0x9c: {  	s7 =	simm.s32 $0x0;
	s20 =	sshll.u32 s5, $0x1;
	s5 =	sadd.s32 s21, s3  }
0x9d: {  	[timem:s7], [sflag:s22] =	dma.local [hbm:s5], s20  }
0x9e: {  	_ =	swait.ge [sflag:s22], s20  }
0x9f: {  	s4 =	ssub.s32 $0x0, s20;
	[sflag:s22] =	ssyncset.done $0x0  }
0xa0: {  	[sflag:s22] =	ssyncadd.s32 s4;
	_ =	sdelay $0x1  }
0xa1: {  	s23 =	simm.s32 $0x1B8B  }
0xa2: {  	_ =	swait.ge [sflag:s23], $0x1  }
0xa3: {  	[sflag:s23] =	ssyncset.done $0x0  }
0xa4: {  	s25 =	simm.s32 $0x1B8E;
	s24 =	sld [smem:$0x3FFE];
	[sflag:s23] =	ssyncadd.s32 $0xFFFFFFFF  }
0xa5: {  	s26 =	simm.s32 $execute0_lowered;
	[smem:$0x3FD2] =	sst s25  }
0xa6: {  	s5 =	sshll.u32 s26, $0x1;
	_ =	strace $0x80000046;
	[dreg:$0x1] =	wrdreg $0xFFFFFFFF  }
0xa7: {  	s28 =	simm.s32 $_size_execute0_lowered;
	s3 =	sadd.s32 s3, s5;
	[dreg:$0x0] =	wrdreg $0x0  }
0xa8: {  	s5 =	sshll.u32 s28, $0x1;
	[dreg:$0x2] =	wrdreg s3  }
0xa9: {  	[dreg:$0x3] =	wrdreg s5  }
0xaa: {  	[dreg:$0x4] =	wrdreg $0xC0  }
0xab: {  	_ =	task [dreg:s7], $0x5FFFF  }
0xac: {  	[dreg:$0x1] =	wrdreg $0xFFFFFFFF  }
0xad: {  	[dreg:$0x0] =	wrdreg $0x60  }
0xae: {  	[dreg:$0x2] =	wrdreg s2  }
0xaf: {  	[dreg:$0x3] =	wrdreg s24  }
0xb0: {  	[dreg:$0x4] =	wrdreg $0x9  }
0xb1: {  	_ =	task.clear_ibuf [dreg:s7], $0x5FFFF;
	_ =	strace $0x90000046  }
0xb2: {  	s29 =	simm.s32 $0x9;
	_ =	strace $0x80000048  }
0xb3: {  	_ =	swait.ge [sflag:s29], $0x1  }
0xb4: {  	[sflag:s29] =	ssyncadd.s32 $0xFFFFFFFF  }
0xb5: {  	_ =	strace $0x90000048  }
0xb6: {  	_ =	sfence  }
0xb7: {  	s30 =	sld [smem:$0x0];
	_ =	sdelay $0x2  }
0xb8: {  	s31 =	sshll.u32 s1, $0xD;
	s1 =	sshrl.u32 s1, $0x2  }
0xb9: {  	s3 =	sand.u32 $0x4000, s31;
	s1 =	sadd.s32 s1, s30  }
0xba: {  	s0 =	sor.u32 s3, s0;
	s1 =	sshll.u32 s1, $0x11  }
0xbb: {  	s0 =	sor.u32 s1, s0  }
0xbc: {  	s0 =	sadd.s32 $0x8F2B, s0  }
0xbd: {  	[sflag:s0] =	ssyncadd.remote.s32 $0x1  }
0xbe: {  	_ =	sfence.sel $0xFFFF  }
0xbf: {  	[dreg:$0x0] =	wrdreg $0xFFFFFFFF;
	(pc) =	sbr.abs _section_cstart, $3  }
0xc0: {  	[dreg:$0x1] =	wrdreg $0xFFFFFFFF  }
0xc1: {  	_ =	task.clear_ibuf [dreg:s7], $0x2FFFF;
	_ =	strace $0x9FFFFFFF  }
0xc2: {  	(tm) =	ssettm $0x7FFFFFFF  }
0xc3: {  	_ =	shalt  }
tec
execute0_lowered:
.L_overlay_start_1:
0x0: {  	(tag) =	ssettag $0x1  }
0x1: {  	s0 =	rddreg [dreg:$0x0]  }
0x2: {  	s3 =	rddreg [dreg:$0x1];
	s2 =	simm.s32 $0x0  }
0x3: {  	s4 =	srdreg.scid;
	s1 =	stileid.u32;
	s12 =	simm.s32 $0x80  }
0x4: {  	s13 =	simm.s32 $0x400;
	s14 =	simm.s32 $0x1;
	s15 =	simm.s32 $0x800  }
0x5: {  	s16 =	simm.s32 $0x1000;
	s17 =	simm.s32 $0x1800;
	s18 =	simm.s32 $0x2000  }
0x6: {  	s19 =	simm.s32 $0xA000;
	s20 =	simm.s32 $0x12000;
	s21 =	simm.s32 $0x12800  }
0x7: {  	v0 =	vimm.s32 $0x0;
	v1 =	vimm.s32 $0x1;
	v3 =	vimm.s32 $0x2;
	s22 =	simm.s32 $0x0;
	[smem:$0x7FF] =	sst s2;
	s4 =	sand.u32 $0x1, s4  }
0x8: {  	vm0 =	vmmov $0x3;
	v4 =	vimm.s32 $0x3;
	vm1 =	vmmov $0x7;
	s5 =	sshll.u32 s1, $0x8;
	s6 =	sshrl.u32 s1, $0x2;
	s7 =	sshll.u32 s4, $0x7  }
0x9: {  	v5 =	vimm.s32 $0x4;
	vm2 =	vmmov $0xf;
	v6 =	vimm.s32 $0x5;
	s5 =	sand.u32 $0x300, s5;
	s29 =	sshll.u32 s6, $0x12;
	s6 =	sshll.u32 s6, $0xE  }
0xa: {  	vm3 =	vmmov $0x1f;
	v7 =	vimm.s32 $0x6;
	vm4 =	vmmov $0x3f;
	_ =	strace $0x80000047;
	s4 =	ssub.s32 $0x2, s4;
	s5 =	sor.u32 s7, s5  }
0xb: {  	v8 =	vimm.s32 $0x7;
	vm5 =	vmmov $0x7f;
	v9 =	vimm.s32 $0x8;
	s31 =	sshrl.u32 s4, $0x1;
	s7 =	sor.u32 s29, s5;
	s5 =	sor.u32 s6, s5  }
.Ltmp0:
0xc: {  	vm6 =	vmmov $0xff;
	v10 =	vimm.s32 $0x9;
	vm7 =	vmmov $0x1ff;
	s11 =	ssub.s32 s4, s31;
	s5 =	sshrl.u32 s5, $0x3;
	(pc) =	sbr.rel .LBB2_1-.Ltmp0, $4  }
0xd: {  	v11 =	vimm.s32 $0xA;
	vm8 =	vmmov $0x3ff;
	v12 =	vimm.s32 $0xB;
	s30 =	sshrl.u32 s7, $0x3;
	s11 =	smax.u32 s11, $0x1;
	s10 =	sadd.s32 s5, s3  }
0xe: {  	vm9 =	vmmov $0x7ff;
	v13 =	vimm.s32 $0xC;
	vm10 =	vmmov $0xfff;
	s8 =	sadd.s32 s30, s3;
	s3 =	sadd.s32 s0, s5;
	s4 =	sadd.s32 $0xE00, s10  }
0xf: {  	v14 =	vimm.s32 $0xD;
	vm11 =	vmmov $0x1fff;
	v15 =	vimm.s32 $0xE;
	s5 =	sadd.s32 $0x4E00, s10;
	s6 =	sadd.s32 $0x2E00, s10;
	s7 =	sadd.s32 $0x26E00, s8  }
0x10: {  	vm12 =	vmmov $0x3fff;
	v16 =	vimm.s32 $0xF;
	vm13 =	vmmov $0x7fff;
	s8 =	sadd.s32 $0x6E00, s8;
	s9 =	sadd.s32 $0x46E00, s10;
	s10 =	sadd.s32 $0x48E00, s10  }
.LBB2_11:
0x11: {  	[hbm4b:s9+s12] =	stream.strided.scatter [tilespmem:s20], [sflag:$0x1], $0x800, s13, s12, $0x38;
	[tilespmem:$0x13000] =	vst v63  }
0x12: {  	s22 =	sadd.s32 $0x1, s22;
	_ =	swait.ge [sflag:s14], $0x800  }
0x13: {  	p0 =	sne.s32 s22, s11;
	[sflag:s14] =	ssyncset.done $0x0  }
.Ltmp1:
0x14: {  	[sflag:s14] =	ssyncadd.s32 $0xFFFFF800;
	(pc) =	sbr.rel @!p0 .LBB2_12-.Ltmp1, $4  }
0x15: {  	[hbm4b:s10+s12] =	stream.strided.scatter [tilespmem:s21], [sflag:$0x1], $0x800, s13, s12, $0x38;
	[tilespmem:$0x13000] =	vst v63  }
0x16: {  	_ =	swait.ge [sflag:s14], $0x800  }
0x17: {  	[sflag:s14] =	ssyncset.done $0x0  }
0x18: {  	[sflag:s14] =	ssyncadd.s32 $0xFFFFF800  }
.LBB2_1:
0x19: {  	[tilespmem:s2], [sflag:$0x1] =	stream.strided.gather [hbm4b:s3+s12], $0x800, s13, s12, $0x38;
	[tilespmem:$0x13000] =	vst v63  }
0x1a: {  	_ =	swait.ge [sflag:s14], $0x800  }
0x1b: {  	[sflag:s14] =	ssyncset.done $0x0  }
0x1c: {  	[sflag:s14] =	ssyncadd.s32 $0xFFFFF800  }
0x1d: {  	[tilespmem:s15], [sflag:$0x1] =	stream.strided.gather [hbm4b:s4+s12], $0x800, s13, s12, $0x38;
	[tilespmem:$0x13000] =	vst v63  }
0x1e: {  	_ =	swait.ge [sflag:s14], $0x800  }
0x1f: {  	[sflag:s14] =	ssyncset.done $0x0  }
0x20: {  	[sflag:s14] =	ssyncadd.s32 $0xFFFFF800  }
0x21: {  	[tilespmem:s16], [sflag:$0x1] =	stream.strided.gather [hbm4b:s5+s12], $0x800, s13, s12, $0x38;
	[tilespmem:$0x13000] =	vst v63  }
0x22: {  	_ =	swait.ge [sflag:s14], $0x800  }
0x23: {  	[sflag:s14] =	ssyncset.done $0x0  }
0x24: {  	[sflag:s14] =	ssyncadd.s32 $0xFFFFF800  }
0x25: {  	[tilespmem:s17], [sflag:$0x1] =	stream.strided.gather [hbm4b:s6+s12], $0x800, s13, s12, $0x38;
	[tilespmem:$0x13000] =	vst v63  }
0x26: {  	_ =	swait.ge [sflag:s14], $0x800  }
0x27: {  	[sflag:s14] =	ssyncset.done $0x0  }
0x28: {  	[sflag:s14] =	ssyncadd.s32 $0xFFFFF800  }
0x29: {  	[tilespmem:s18], [sflag:$0x1] =	stream.strided.gather [hbm4b:s7+s12], $0x8000, s13, s12, $0x38;
	[tilespmem:$0x13000] =	vst v63  }
0x2a: {  	_ =	swait.ge [sflag:s14], $0x8000  }
0x2b: {  	[sflag:s14] =	ssyncset.done $0x0  }
.Ltmp2:
0x2c: {  	[sflag:s14] =	ssyncadd.s32 $0xFFFF8000;
	(pc) =	sbr.rel .LBB2_2-.Ltmp2, $4  }
0x2d: {  	[tilespmem:s19], [sflag:$0x1] =	stream.strided.gather [hbm4b:s8+s12], $0x8000, s13, s12, $0x38;
	[tilespmem:$0x13000] =	vst v63  }
0x2e: {  	_ =	swait.ge [sflag:s14], $0x8000  }
0x2f: {  	[sflag:s14] =	ssyncset.done $0x0  }
0x30: {  	s23 =	simm.s32 $0x0;
	[sflag:s14] =	ssyncadd.s32 $0xFFFF8000  }
.LBB2_3:
0x31: {  	v23 =	vimm.f32 $0.0e+00;
	v22 =	vimm.f32 $0.0e+00  }
.LBB2_10:
0x32: {  	v21 =	vld [tilespmem:s24+$0x1000]  }
0x33: {  	v20 =	vld [tilespmem:s24+$0x1800];
	_ =	sdelay $0x4  }
0x34: {  	v2 =	vperm.xlane v21, v0;
	v24 =	vperm.xlane v20, v0  }
0x35: {  	v25 =	vperm.xlane v21, v1;
	v26 =	vperm.xlane v20, v1  }
0x36: {  	v27 =	vperm.xlane v21, v3;
	v28 =	vperm.xlane v20, v3  }
0x37: {  	v41 =	vperm.xlane v21, v4;
	v29 =	vperm.xlane v20, v4  }
0x38: {  	v47 =	vperm.xlane v21, v5;
	v30 =	vperm.xlane v20, v5  }
0x39: {  	v51 =	vperm.xlane v21, v6;
	v31 =	vperm.xlane v20, v6  }
0x3a: {  	v58 =	vperm.xlane v21, v7;
	v59 =	vperm.xlane v20, v7  }
0x3b: {  	v33 =	vperm.xlane v21, v8;
	v34 =	vperm.xlane v20, v8  }
0x3c: {  	v32 =	vperm.xlane v20, v9;
	v2 =	vmul.f32 v2, v18  }
0x3d: {  	v24 =	vmul.f32 v24, v17;
	v25 =	vmul.f32 v25, v18  }
0x3e: {  	v26 =	vmul.f32 v26, v17;
	v39 =	vmul.f32 v27, v18  }
0x3f: {  	v40 =	vmul.f32 v28, v17;
	v43 =	vmul.f32 v41, v18  }
0x40: {  	v44 =	vmul.f32 v29, v17;
	v49 =	vmul.f32 v47, v18  }
0x41: {  	v50 =	vmul.f32 v30, v17;
	v53 =	vmul.f32 v51, v18  }
0x42: {  	v54 =	vmul.f32 v31, v17;
	v29 =	vmul.f32 v59, v17  }
0x43: {  	v30 =	vmul.f32 v33, v18;
	v31 =	vmul.f32 v34, v17;
	v2 =	vadd.f32 v24, v2  }
0x44: {  	v41 =	vperm.xlane v21, v9;
	v47 =	vperm.xlane v21, v10  }
0x45: {  	v25 =	vadd.f32 v26, v25;
	v26 =	vadd.f32 v40, v39;
	v24 =	vmul.f32 v2, v2  }
0x46: {  	v27 =	vadd.f32 v44, v43;
	v52 =	vadd.f32 v50, v49;
	v43 =	vmul.f32 v32, v17  }
0x47: {  	v57 =	vadd.f32 v54, v53;
	v53 =	vperm.xlane v20, v11;
	v24 =	vmul.f32 $3.703703700e-04, v24  }
0x48: {  	v37 =	vadd.f32 v31, v30;
	v42 =	vmul.f32 v25, v25;
	v45 =	vmul.f32 v26, v26  }
0x49: {  	v28 =	vmul.f32 v27, v27;
	v56 =	vmul.f32 v52, v52;
	v24 =	vsub.f32 $1.000000000e+00, v24  }
0x4a: {  	v60 =	vmul.f32 v57, v57;
	v40 =	vmul.f32 v37, v37  }
0x4b: {  	v46 =	vmul.f32 $3.703703700e-04, v45;
	v2 =	vmul.f32 v24, v2  }
0x4c: {  	v34 =	vlaneseq.u32;
	v48 =	vmul.f32 $3.703703700e-04, v28;
	v28 =	vmul.f32 v58, v18  }
0x4d: {  	vm14 =	veq.s32 v34, $0x0;
	v24 =	vmul.f32 $3.703703700e-04, v42;
	v2 =	vmul.f32 $1.442695020e+00, v2  }
0x4e: {  	v34 =	vmul.f32 v53, v17;
	v28 =	vadd.f32 v29, v28;
	v42 =	vmul.f32 v41, v18  }
0x4f: {  	(erf) = vpow2.f32 v2;
	v2 =	vsub.f32 $1.000000000e+00, v24;
	v24 =	vsub.f32 $1.000000000e+00, v46  }
0x50: {  	v62 =	vmul.f32 $3.703703700e-04, v60;
	v35 =	vmul.f32 v28, v28  }
0x51: {  	v46 =	vadd.f32 v43, v42;
	v2 =	vmul.f32 v2, v25;
	v24 =	vmul.f32 v24, v26  }
0x52: {  	v25 =	vsub.f32 $1.000000000e+00, v48;
	v26 =	vmul.f32 $3.703703700e-04, v35;
	v48 =	vperm.xlane v20, v10  }
0x53: {  	v49 =	vmul.f32 v46, v46;
	v2 =	vmul.f32 $1.442695020e+00, v2  }
0x54: {  	s0 =	sshll.u32 s23, $0x8;
	v55 =	vmul.f32 v25, v27;
	v25 =	vmul.f32 $3.703703700e-04, v56  }
0x55: {  	v63 =	vld [tilespmem:s0+$0x2000];
	v39 =	vsub.f32 $1.000000000e+00, v26;
	(erf) = vpow2.f32 v2;
	v2 =	vmul.f32 $1.442695020e+00, v24  }
0x56: {  	v38 =	vld [tilespmem:s0+$0xA000];
	v26 =	vmul.f32 $3.703703700e-04, v40;
	v31 =	vmul.f32 v48, v17;
	v61 =	vsub.f32 $1.000000000e+00, v25  }
0x57: {  	v27 =	vmul.f32 $3.703703700e-04, v49;
	v25 =	vsub.f32 $1.000000000e+00, v62;
	(erf) = vpow2.f32 v2  }
0x58: {  	v2 =	vmul.f32 $1.442695020e+00, v55;
	v24 =	vmul.f32 v61, v52  }
0x59: {  	v25 =	vmul.f32 v25, v57;
	v52 =	vperm.xlane v21, v11  }
0x5a: {  	v36 =	vpop (erf);
	(erf) = vpow2.f32 v2;
	v2 =	vmul.f32 $1.442695020e+00, v24  }
0x5b: {  	v29 =	vmul.f32 v36, v63;
	v30 =	vmul.f32 v36, v38  }
0x5c: {  	v19 =	vadd.f32 v36, v19;
	v36 =	vperm.xlane v21, v13;
	v38 =	vperm.xlane v21, v14  }
0x5d: {  	(erf) = vpow2.f32 v2;
	v2 =	vmul.f32 $1.442695020e+00, v25  }
0x5e: {  	v25 =	vmul.f32 v39, v28;
	v28 =	vmul.f32 v47, v18  }
0x5f: {  	v44 =	vld [tilespmem:s0+$0x2010];
	v45 =	vsub.f32 $1.000000000e+00, v26;
	v39 =	vperm.xlane v20, v14;
	v42 =	vmul.f32 v38, v18  }
0x60: {  	v50 =	vld [tilespmem:s0+$0xA010];
	v54 =	vsub.f32 $1.000000000e+00, v27;
	(erf) = vpow2.f32 v2;
	v2 =	vmul.f32 $1.442695020e+00, v25  }
0x61: {  	v25 =	vmul.f32 v45, v37;
	v28 =	vadd.f32 v31, v28;
	v31 =	vmul.f32 v52, v18  }
0x62: {  	v23 =	vadd.f32 v29, v23;
	v37 =	vperm.xlane v20, v13;
	v43 =	vmul.f32 v39, v17  }
0x63: {  	v51 =	vld [tilespmem:s0+$0xA020];
	v22 =	vadd.f32 v30, v22;
	v45 =	vperm.xlane v20, v15;
	v33 =	vpop (erf);
	(erf) = vpow2.f32 v2  }
0x64: {  	v33 =	vsel vm14, $0x0, v33;
	v25 =	vmul.f32 $1.442695020e+00, v25;
	v55 =	vmul.f32 v28, v28  }
0x65: {  	v35 =	vld [tilespmem:s0+$0x2030];
	v31 =	vadd.f32 v34, v31;
	v32 =	vmul.f32 v33, v44;
	v24 =	vmul.f32 v33, v50  }
0x66: {  	v2 =	vld [tilespmem:s0+$0x2020];
	v56 =	vpop (erf);
	v19 =	vadd.f32 v33, v19;
	v44 =	vperm.xlane v21, v15;
	(erf) = vpow2.f32 v25  }
0x67: {  	v57 =	vld [tilespmem:s0+$0xA030];
	v30 =	vsel vm0, $0x0, v56;
	v25 =	vmul.f32 v54, v46;
	v27 =	vmul.f32 $3.703703700e-04, v55  }
0x68: {  	v60 =	vmul.f32 v31, v31;
	v29 =	vmul.f32 v30, v51;
	v23 =	vadd.f32 v32, v23  }
0x69: {  	v58 =	vpop (erf);
	v22 =	vadd.f32 v24, v22;
	v32 =	vperm.xlane v21, v12;
	v24 =	vmul.f32 v44, v18  }
0x6a: {  	v21 =	vperm.xlane v21, v16;
	v34 =	vsel vm1, $0x0, v58;
	v25 =	vmul.f32 $1.442695020e+00, v25  }
0x6b: {  	v27 =	vsub.f32 $1.000000000e+00, v27;
	v63 =	vmul.f32 $3.703703700e-04, v60;
	v2 =	vmul.f32 v30, v2  }
0x6c: {  	v19 =	vadd.f32 v30, v19;
	v59 =	vmul.f32 v34, v35;
	v61 =	vmul.f32 v34, v57  }
0x6d: {  	v35 =	vperm.xlane v20, v12;
	v22 =	vadd.f32 v29, v22;
	v27 =	vmul.f32 v27, v28  }
0x6e: {  	v29 =	vmul.f32 v37, v17;
	v2 =	vadd.f32 v2, v23;
	v23 =	vmul.f32 v32, v18  }
0x6f: {  	v19 =	vadd.f32 v34, v19;
	v62 =	vmul.f32 $1.442695020e+00, v27;
	v27 =	vmul.f32 v35, v17  }
0x70: {  	v46 =	vpop (erf);
	v20 =	vperm.xlane v20, v16;
	(erf) = vpow2.f32 v25;
	v26 =	vsub.f32 $1.000000000e+00, v63  }
0x71: {  	v28 =	vmul.f32 v36, v18;
	v30 =	vsel vm2, $0x0, v46;
	v23 =	vadd.f32 v27, v23  }
0x72: {  	v22 =	vadd.f32 v61, v22;
	v19 =	vadd.f32 v30, v19;
	v18 =	vmul.f32 v21, v18  }
0x73: {  	v40 =	vmul.f32 v26, v31;
	v41 =	vadd.f32 v29, v28;
	v47 =	vmul.f32 v23, v23  }
0x74: {  	v29 =	vmul.f32 v45, v17;
	v17 =	vmul.f32 v20, v17;
	v2 =	vadd.f32 v59, v2  }
0x75: {  	v49 =	vpop (erf);
	(erf) = vpow2.f32 v62;
	v27 =	vadd.f32 v43, v42;
	v31 =	vmul.f32 $3.703703700e-04, v47  }
0x76: {  	v48 =	vmul.f32 v41, v41;
	v24 =	vadd.f32 v29, v24;
	v29 =	vsel vm3, $0x0, v49  }
0x77: {  	v25 =	vmul.f32 $1.442695020e+00, v40;
	v50 =	vmul.f32 v27, v27;
	v31 =	vsub.f32 $1.000000000e+00, v31  }
0x78: {  	v56 =	vpop (erf);
	v17 =	vadd.f32 v17, v18;
	v28 =	vmul.f32 $3.703703700e-04, v48;
	v53 =	vmul.f32 v24, v24  }
0x79: {  	v60 =	vld [tilespmem:s0+$0x2050];
	v26 =	vsel vm4, $0x0, v56;
	v21 =	vmul.f32 $3.703703700e-04, v50;
	v51 =	vmul.f32 v31, v23  }
0x7a: {  	(erf) = vpow2.f32 v25;
	v57 =	vmul.f32 v17, v17;
	v52 =	vsub.f32 $1.000000000e+00, v28  }
0x7b: {  	v55 =	vld [tilespmem:s0+$0x2040];
	v25 =	vmul.f32 $3.703703700e-04, v53;
	v21 =	vsub.f32 $1.000000000e+00, v21;
	v18 =	vmul.f32 $1.442695020e+00, v51  }
0x7c: {  	v19 =	vadd.f32 v29, v19;
	v28 =	vmul.f32 $3.703703700e-04, v57;
	v54 =	vmul.f32 v52, v41  }
0x7d: {  	v63 =	vld [tilespmem:s0+$0xA050];
	v25 =	vsub.f32 $1.000000000e+00, v25;
	(erf) = vpow2.f32 v18;
	v18 =	vmul.f32 v21, v27  }
0x7e: {  	v58 =	vld [tilespmem:s0+$0xA040];
	v38 =	vmul.f32 v29, v60;
	v19 =	vadd.f32 v26, v19;
	v20 =	vmul.f32 $1.442695020e+00, v54  }
0x7f: {  	v59 =	vpop (erf);
	v62 =	vsub.f32 $1.000000000e+00, v28;
	v61 =	vmul.f32 v25, v24;
	v18 =	vmul.f32 $1.442695020e+00, v18  }
0x80: {  	v23 =	vmul.f32 v30, v55;
	v27 =	vsel vm5, $0x0, v59;
	(erf) = vpow2.f32 v20  }
0x81: {  	v33 =	vpop (erf);
	v17 =	vmul.f32 v62, v17;
	v19 =	vadd.f32 v27, v19;
	(erf) = vpow2.f32 v18;
	v18 =	vld [tilespmem:s0+$0x2060]  }
0x82: {  	v34 =	vld [tilespmem:s0+$0xA060];
	v28 =	vsel vm6, $0x0, v33;
	v25 =	vmul.f32 v29, v63;
	v20 =	vmul.f32 $1.442695020e+00, v61  }
0x83: {  	v36 =	vld [tilespmem:s0+$0x2070];
	v35 =	vpop (erf);
	v17 =	vmul.f32 $1.442695020e+00, v17;
	v21 =	vmul.f32 v30, v58;
	v19 =	vadd.f32 v28, v19  }
0x84: {  	v39 =	vld [tilespmem:s0+$0xA070];
	v2 =	vadd.f32 v23, v2;
	v24 =	vsel vm7, $0x0, v35;
	v40 =	vpop (erf);
	(erf) = vpow2.f32 v20  }
0x85: {  	v41 =	vld [tilespmem:s0+$0x2080];
	v31 =	vsel vm8, $0x0, v40;
	v37 =	vadd.f32 v21, v22;
	v19 =	vadd.f32 v24, v19  }
0x86: {  	v42 =	vld [tilespmem:s0+$0xA080];
	v2 =	vadd.f32 v38, v2;
	(erf) = vpow2.f32 v17;
	v18 =	vmul.f32 v26, v18  }
0x87: {  	v43 =	vld [tilespmem:s0+$0x2090];
	v23 =	vmul.f32 v26, v34;
	v20 =	vadd.f32 v25, v37;
	v19 =	vadd.f32 v31, v19;
	v17 =	vpop (erf)  }
0x88: {  	v45 =	vld [tilespmem:s0+$0xA090];
	v17 =	vsel vm9, $0x0, v17;
	v2 =	vadd.f32 v18, v2;
	v18 =	vmul.f32 v27, v36  }
0x89: {  	v46 =	vld [tilespmem:s0+$0x20A0];
	v22 =	vmul.f32 v27, v39;
	v20 =	vadd.f32 v23, v20;
	v44 =	vpop (erf);
	v19 =	vadd.f32 v17, v19  }
0x8a: {  	v48 =	vld [tilespmem:s0+$0xA0A0];
	v26 =	vsel vm10, $0x0, v44;
	v2 =	vadd.f32 v18, v2;
	v18 =	vmul.f32 v28, v41  }
0x8b: {  	v49 =	vld [tilespmem:s0+$0x20B0];
	v21 =	vmul.f32 v28, v42;
	v20 =	vadd.f32 v22, v20;
	v47 =	vpop (erf);
	v19 =	vadd.f32 v26, v19  }
0x8c: {  	v51 =	vld [tilespmem:s0+$0xA0B0];
	v27 =	vsel vm11, $0x0, v47;
	v2 =	vadd.f32 v18, v2;
	v18 =	vmul.f32 v24, v43  }
0x8d: {  	v53 =	vld [tilespmem:s0+$0x20C0];
	v52 =	vmul.f32 v24, v45;
	v20 =	vadd.f32 v21, v20;
	v50 =	vpop (erf);
	v19 =	vadd.f32 v27, v19  }
0x8e: {  	v54 =	vld [tilespmem:s0+$0xA0C0];
	v28 =	vsel vm12, $0x0, v50;
	v2 =	vadd.f32 v18, v2;
	v18 =	vmul.f32 v31, v46  }
0x8f: {  	v57 =	vld [tilespmem:s0+$0x20D0];
	v56 =	vmul.f32 v31, v48;
	v20 =	vadd.f32 v52, v20;
	v55 =	vpop (erf);
	v19 =	vadd.f32 v28, v19  }
0x90: {  	v58 =	vld [tilespmem:s0+$0xA0D0];
	v30 =	vsel vm13, $0x0, v55;
	v2 =	vadd.f32 v18, v2;
	v18 =	vmul.f32 v17, v49  }
0x91: {  	v59 =	vld [tilespmem:s0+$0x20E0];
	v20 =	vadd.f32 v56, v20;
	v19 =	vadd.f32 v30, v19;
	v17 =	vmul.f32 v17, v51  }
0x92: {  	v61 =	vld [tilespmem:s0+$0x20F0];
	v2 =	vadd.f32 v18, v2;
	v18 =	vmul.f32 v26, v53  }
0x93: {  	v60 =	vmul.f32 v26, v54;
	(erf) = vrcp.f32 v19;
	v19 =	vld [tilespmem:s0+$0xA0E0];
	v17 =	vadd.f32 v17, v20  }
0x94: {  	v2 =	vadd.f32 v18, v2;
	v18 =	vmul.f32 v27, v57  }
0x95: {  	v62 =	vld [tilespmem:s0+$0xA0F0];
	v63 =	vmul.f32 v27, v58;
	v17 =	vadd.f32 v60, v17  }
0x96: {  	v2 =	vadd.f32 v18, v2;
	v18 =	vmul.f32 v28, v59  }
0x97: {  	v17 =	vadd.f32 v63, v17  }
0x98: {  	v19 =	vmul.f32 v28, v19;
	v2 =	vadd.f32 v18, v2;
	v18 =	vmul.f32 v30, v61;
	_ =	sdelay $0x1  }
0x99: {  	s23 =	sadd.s32 $0x1, s23;
	v17 =	vadd.f32 v19, v17;
	v19 =	vmul.f32 v30, v62  }
0x9a: {  	p0 =	sne.s32 s23, $0x80;
	v2 =	vadd.f32 v18, v2  }
.Ltmp3:
0x9b: {  	v17 =	vadd.f32 v19, v17;
	v18 =	vpop (erf);
	(pc) =	sbr.rel @!p0 .LBB2_11-.Ltmp3, $4  }
0x9c: {  	v2 =	vmul.f32 v18, v2  }
0x9d: {  	v17 =	vmul.f32 v18, v17  }
0x9e: {  	[tilespmem:s24+$0x12000] =	vst v2  }
0x9f: {  	[tilespmem:s24+$0x12800] =	vst v17  }
.LBB2_2:
0xa0: {  	p0 =	seq.s32 s23, $0x0  }
.Ltmp4:
0xa1: {  	_ = 	snop;
	(pc) =	sbr.rel @p0 .LBB2_3-.Ltmp4, $4  }
0xa2: {  	_ = 	snop  }
0xa3: {  	s24 =	sshll.u32 s23, $0x4  }
0xa4: {  	v18 =	vld [tilespmem:s24+$0x0]  }
0xa5: {  	v19 =	vimm.f32 $0.0e+00;
	v17 =	vld [tilespmem:s24+$0x800]  }
0xa6: {  	s0 =	simm.s32 $0x1000  }
0xa7: {  	s25 =	simm.s32 $0x1800;
	v20 =	vld [tilespmem:s0+$0x0]  }
0xa8: {  	v21 =	vld [tilespmem:s25+$0x0];
	_ =	sdelay $0x4  }
0xa9: {  	v22 =	vperm.xlane v20, v16;
	v23 =	vperm.xlane v21, v16  }
0xaa: {  	v24 =	vperm.xlane v20, v15;
	v25 =	vperm.xlane v21, v15  }
0xab: {  	v26 =	vperm.xlane v20, v14;
	v27 =	vperm.xlane v21, v14  }
0xac: {  	v28 =	vperm.xlane v20, v13;
	v29 =	vperm.xlane v20, v12  }
0xad: {  	v30 =	vperm.xlane v21, v13;
	v31 =	vperm.xlane v20, v11  }
0xae: {  	v32 =	vperm.xlane v21, v12;
	v33 =	vperm.xlane v20, v10  }
0xaf: {  	v34 =	vperm.xlane v21, v11;
	v35 =	vperm.xlane v20, v9  }
0xb0: {  	v36 =	vperm.xlane v21, v10;
	v37 =	vperm.xlane v20, v8  }
0xb1: {  	v38 =	vperm.xlane v21, v9;
	v39 =	vperm.xlane v20, v7  }
0xb2: {  	v40 =	vperm.xlane v21, v8;
	v41 =	vperm.xlane v20, v6  }
0xb3: {  	v42 =	vperm.xlane v21, v7;
	v43 =	vperm.xlane v20, v5  }
0xb4: {  	v44 =	vperm.xlane v21, v6;
	v45 =	vperm.xlane v20, v4  }
0xb5: {  	v46 =	vperm.xlane v21, v5;
	v47 =	vperm.xlane v20, v3  }
0xb6: {  	v48 =	vperm.xlane v21, v4;
	v49 =	vperm.xlane v20, v1  }
0xb7: {  	v50 =	vperm.xlane v21, v3;
	v20 =	vperm.xlane v20, v0  }
0xb8: {  	v51 =	vperm.xlane v21, v1;
	v21 =	vperm.xlane v21, v0  }
0xb9: {  	v22 =	vmul.f32 v22, v18;
	v24 =	vmul.f32 v24, v18  }
0xba: {  	v23 =	vmul.f32 v23, v17;
	v26 =	vmul.f32 v26, v18  }
0xbb: {  	v25 =	vmul.f32 v25, v17;
	v52 =	vmul.f32 v28, v18  }
0xbc: {  	v27 =	vmul.f32 v27, v17;
	v53 =	vmul.f32 v29, v18  }
0xbd: {  	v30 =	vmul.f32 v30, v17;
	v54 =	vmul.f32 v31, v18  }
0xbe: {  	v55 =	vmul.f32 v32, v17;
	v56 =	vmul.f32 v33, v18  }
0xbf: {  	v32 =	vmul.f32 v34, v17;
	v34 =	vmul.f32 v35, v18  }
0xc0: {  	v35 =	vmul.f32 v36, v17;
	v36 =	vmul.f32 v37, v18  }
0xc1: {  	v37 =	vmul.f32 v38, v17;
	v38 =	vmul.f32 v39, v18  }
0xc2: {  	v39 =	vmul.f32 v40, v17;
	v40 =	vmul.f32 v41, v18  }
0xc3: {  	v41 =	vmul.f32 v42, v17;
	v42 =	vmul.f32 v43, v18  }
0xc4: {  	v57 =	vmul.f32 v44, v17;
	v58 =	vmul.f32 v45, v18  }
0xc5: {  	v59 =	vmul.f32 v46, v17;
	v60 =	vmul.f32 v47, v18  }
0xc6: {  	v61 =	vmul.f32 v48, v17;
	v62 =	vmul.f32 v50, v17;
	v28 =	vadd.f32 v25, v24  }
0xc7: {  	v49 =	vmul.f32 v49, v18;
	v29 =	vadd.f32 v23, v22;
	v30 =	vadd.f32 v30, v52  }
0xc8: {  	v63 =	vmul.f32 v51, v17;
	v31 =	vadd.f32 v27, v26;
	v32 =	vadd.f32 v32, v54  }
0xc9: {  	v20 =	vmul.f32 v20, v18;
	v33 =	vadd.f32 v55, v53;
	v34 =	vadd.f32 v37, v34  }
0xca: {  	v21 =	vmul.f32 v21, v17;
	v35 =	vadd.f32 v35, v56;
	v25 =	vadd.f32 v41, v38  }
0xcb: {  	v26 =	vadd.f32 v39, v36;
	v38 =	vmul.f32 v28, v28;
	v39 =	vmul.f32 v29, v29  }
0xcc: {  	p1 =	sne.s32 s23, $0x1;
	v23 =	vadd.f32 v57, v40;
	v40 =	vmul.f32 v30, v30;
	v41 =	vmul.f32 v31, v31  }
.Ltmp5:
0xcd: {  	v22 =	vadd.f32 v59, v42;
	v42 =	vmul.f32 v32, v32;
	v43 =	vmul.f32 v33, v33;
	(pc) =	sbr.rel @!p1 .LBB2_5-.Ltmp5, $4  }
0xce: {  	v24 =	vadd.f32 v61, v58;
	v44 =	vmul.f32 v34, v34;
	v45 =	vmul.f32 v35, v35  }
0xcf: {  	v27 =	vadd.f32 v62, v60;
	v47 =	vmul.f32 v25, v25;
	v48 =	vmul.f32 v26, v26  }
0xd0: {  	s26 =	simm.s32 $0x2080;
	v36 =	vadd.f32 v63, v49;
	v49 =	vmul.f32 v22, v22;
	v50 =	vmul.f32 v23, v23  }
0xd1: {  	p0 =	por $0x0, $0x0;
	s25 =	simm.s32 $0xA080;
	s0 =	sadd.s32 $0xFFFFFFFF, s23;
	v37 =	vadd.f32 v21, v20;
	v46 =	vmul.f32 v27, v27;
	v51 =	vmul.f32 v24, v24  }
0xd2: {  	v21 =	vmul.f32 v36, v36;
	v38 =	vmul.f32 $3.703703700e-04, v38  }
0xd3: {  	v39 =	vmul.f32 $3.703703700e-04, v39;
	v40 =	vmul.f32 $3.703703700e-04, v40  }
0xd4: {  	v41 =	vmul.f32 $3.703703700e-04, v41;
	v42 =	vmul.f32 $3.703703700e-04, v42  }
0xd5: {  	v43 =	vmul.f32 $3.703703700e-04, v43;
	v44 =	vmul.f32 $3.703703700e-04, v44  }
0xd6: {  	v45 =	vmul.f32 $3.703703700e-04, v45;
	v47 =	vmul.f32 $3.703703700e-04, v47  }
0xd7: {  	v48 =	vmul.f32 $3.703703700e-04, v48;
	v49 =	vmul.f32 $3.703703700e-04, v49  }
0xd8: {  	v50 =	vmul.f32 $3.703703700e-04, v50;
	v20 =	vmul.f32 v37, v37;
	v39 =	vsub.f32 $1.000000000e+00, v39  }
0xd9: {  	v51 =	vmul.f32 $3.703703700e-04, v51;
	v41 =	vsub.f32 $1.000000000e+00, v41;
	v38 =	vsub.f32 $1.000000000e+00, v38  }
0xda: {  	v46 =	vmul.f32 $3.703703700e-04, v46;
	v43 =	vsub.f32 $1.000000000e+00, v43;
	v40 =	vsub.f32 $1.000000000e+00, v40  }
0xdb: {  	v21 =	vmul.f32 $3.703703700e-04, v21;
	v45 =	vsub.f32 $1.000000000e+00, v45;
	v42 =	vsub.f32 $1.000000000e+00, v42  }
0xdc: {  	v48 =	vsub.f32 $1.000000000e+00, v48;
	v44 =	vsub.f32 $1.000000000e+00, v44;
	v20 =	vmul.f32 $3.703703700e-04, v20  }
0xdd: {  	v47 =	vsub.f32 $1.000000000e+00, v47;
	v28 =	vmul.f32 v38, v28;
	v29 =	vmul.f32 v39, v29  }
0xde: {  	v63 =	vsub.f32 $1.000000000e+00, v50;
	v30 =	vmul.f32 v40, v30;
	v31 =	vmul.f32 v41, v31  }
0xdf: {  	v49 =	vsub.f32 $1.000000000e+00, v49;
	v32 =	vmul.f32 v42, v32;
	v33 =	vmul.f32 v43, v33  }
0xe0: {  	v34 =	vmul.f32 v44, v34;
	v35 =	vmul.f32 v45, v35;
	v50 =	vsub.f32 $1.000000000e+00, v20  }
0xe1: {  	v54 =	vsub.f32 $1.000000000e+00, v51;
	v25 =	vmul.f32 v47, v25;
	v26 =	vmul.f32 v48, v26  }
0xe2: {  	v21 =	vsub.f32 $1.000000000e+00, v21;
	v23 =	vmul.f32 v63, v23;
	v52 =	vmul.f32 v50, v37  }
0xe3: {  	v57 =	vsub.f32 $1.000000000e+00, v46;
	v22 =	vmul.f32 v49, v22;
	v24 =	vmul.f32 v54, v24  }
0xe4: {  	v21 =	vmul.f32 v21, v36;
	v37 =	vmul.f32 $1.442695020e+00, v52  }
0xe5: {  	v55 =	vld [tilespmem:s26+$0xFFFFFF80];
	v27 =	vmul.f32 v57, v27;
	v29 =	vmul.f32 $1.442695020e+00, v29  }
0xe6: {  	v58 =	vld [tilespmem:s25+$0xFFFFFF80];
	v21 =	vmul.f32 $1.442695020e+00, v21;
	(erf) = vpow2.f32 v37  }
0xe7: {  	v59 =	vld [tilespmem:s26+$0xFFFFFF90];
	v31 =	vmul.f32 $1.442695020e+00, v31;
	v27 =	vmul.f32 $1.442695020e+00, v27  }
0xe8: {  	v60 =	vld [tilespmem:s25+$0xFFFFFF90];
	v28 =	vmul.f32 $1.442695020e+00, v28;
	(erf) = vpow2.f32 v21  }
0xe9: {  	v61 =	vld [tilespmem:s26+$0xFFFFFFA0];
	v24 =	vmul.f32 $1.442695020e+00, v24;
	(erf) = vpow2.f32 v27  }
0xea: {  	v62 =	vld [tilespmem:s26+$0xFFFFFFB0];
	v33 =	vmul.f32 $1.442695020e+00, v33;
	v30 =	vmul.f32 $1.442695020e+00, v30  }
0xeb: {  	v56 =	vld [tilespmem:s26+$0xFFFFFFD0];
	v22 =	vmul.f32 $1.442695020e+00, v22;
	(erf) = vpow2.f32 v24  }
0xec: {  	v46 =	vld [tilespmem:s25+$0xFFFFFFE0];
	v35 =	vmul.f32 $1.442695020e+00, v35;
	v23 =	vmul.f32 $1.442695020e+00, v23  }
0xed: {  	v63 =	vld [tilespmem:s26+$0xFFFFFFC0];
	v32 =	vmul.f32 $1.442695020e+00, v32;
	(erf) = vpow2.f32 v22  }
0xee: {  	v49 =	vld [tilespmem:s26+$0x0];
	v25 =	vmul.f32 $1.442695020e+00, v25;
	v26 =	vmul.f32 $1.442695020e+00, v26  }
0xef: {  	v34 =	vmul.f32 $1.442695020e+00, v34;
	v21 =	vld [tilespmem:s25+$0xFFFFFFA0];
	(erf) = vpow2.f32 v23;
	v57 =	vpop (erf)  }
0xf0: {  	v52 =	vld [tilespmem:s25+$0x10];
	(erf) = vpow2.f32 v25;
	v38 =	vmul.f32 v57, v55  }
0xf1: {  	v27 =	vld [tilespmem:s25+$0xFFFFFFB0];
	v39 =	vmul.f32 v57, v58;
	v58 =	vpop (erf);
	(erf) = vpow2.f32 v26  }
0xf2: {  	v24 =	vld [tilespmem:s25+$0xFFFFFFC0];
	v45 =	vadd.f32 v57, v19;
	v40 =	vmul.f32 v58, v59;
	v36 =	vmul.f32 v58, v60;
	v59 =	vpop (erf)  }
0xf3: {  	v22 =	vld [tilespmem:s25+$0xFFFFFFD0];
	(erf) = vpow2.f32 v34;
	v38 =	vadd.f32 v38, v19;
	v37 =	vmul.f32 v59, v61  }
0xf4: {  	v23 =	vld [tilespmem:s26+$0xFFFFFFE0];
	v19 =	vadd.f32 v39, v19;
	v21 =	vmul.f32 v59, v21;
	v60 =	vpop (erf);
	(erf) = vpow2.f32 v35  }
0xf5: {  	v25 =	vld [tilespmem:s26+$0xFFFFFFF0];
	v45 =	vadd.f32 v58, v45;
	v42 =	vmul.f32 v60, v62;
	(erf) = vpow2.f32 v32  }
0xf6: {  	v26 =	vld [tilespmem:s25+$0xFFFFFFF0];
	v27 =	vmul.f32 v60, v27;
	v54 =	vpop (erf);
	v38 =	vadd.f32 v40, v38;
	(erf) = vpow2.f32 v33  }
0xf7: {  	v55 =	vld [tilespmem:s26+$0x20];
	v19 =	vadd.f32 v36, v19;
	v62 =	vmul.f32 v54, v63;
	v45 =	vadd.f32 v59, v45  }
0xf8: {  	v34 =	vld [tilespmem:s25+$0x0];
	v63 =	vpop (erf);
	v24 =	vmul.f32 v54, v24;
	(erf) = vpow2.f32 v30;
	v37 =	vadd.f32 v37, v38  }
0xf9: {  	v61 =	vld [tilespmem:s26+$0x10];
	v44 =	vmul.f32 v63, v56;
	v22 =	vmul.f32 v63, v22;
	v19 =	vadd.f32 v21, v19  }
0xfa: {  	v30 =	vld [tilespmem:s25+$0x20];
	v39 =	vadd.f32 v60, v45;
	v57 =	vpop (erf);
	(erf) = vpow2.f32 v31;
	v37 =	vadd.f32 v42, v37  }
0xfb: {  	v56 =	vld [tilespmem:s26+$0x30];
	v19 =	vadd.f32 v27, v19;
	v21 =	vmul.f32 v57, v23;
	v23 =	vpop (erf);
	(erf) = vpow2.f32 v28  }
0xfc: {  	s28 =	simm.s32 $0x1010;
	v31 =	vld [tilespmem:s25+$0x30];
	v39 =	vadd.f32 v54, v39;
	v58 =	vmul.f32 v57, v46;
	v25 =	vmul.f32 v23, v25  }
0xfd: {  	v28 =	vld [tilespmem:s28+$0x0];
	v26 =	vmul.f32 v23, v26;
	v42 =	vpop (erf);
	(erf) = vpow2.f32 v29;
	v36 =	vadd.f32 v62, v37  }
0xfe: {  	v19 =	vadd.f32 v24, v19;
	v48 =	vpop (erf);
	v27 =	vmul.f32 v42, v49;
	v34 =	vmul.f32 v42, v34  }
0xff: {  	v39 =	vadd.f32 v63, v39;
	v50 =	vpop (erf);
	v35 =	vmul.f32 v48, v61;
	v32 =	vmul.f32 v48, v52  }
0x100: {  	v53 =	vld [tilespmem:s26+$0x40];
	v36 =	vadd.f32 v44, v36;
	v33 =	vmul.f32 v50, v55;
	v30 =	vmul.f32 v50, v30;
	v37 =	vpop (erf)  }
0x101: {  	s29 =	simm.s32 $0x1810;
	v59 =	vld [tilespmem:s25+$0x40];
	v38 =	vadd.f32 v57, v39;
	v20 =	vmul.f32 v37, v56;
	v41 =	vmul.f32 v37, v31  }
0x102: {  	v29 =	vld [tilespmem:s29+$0x0];
	v19 =	vadd.f32 v22, v19;
	v43 =	vperm.xlane v28, v16;
	v39 =	vperm.xlane v28, v15  }
0x103: {  	v23 =	vadd.f32 v23, v38;
	v38 =	vperm.xlane v28, v14;
	v56 =	vperm.xlane v28, v12  }
0x104: {  	v19 =	vadd.f32 v58, v19;
	v57 =	vperm.xlane v28, v11;
	v58 =	vperm.xlane v28, v10  }
0x105: {  	v47 =	vpop (erf);
	v22 =	vperm.xlane v28, v3;
	v31 =	vperm.xlane v28, v1  }
0x106: {  	v21 =	vadd.f32 v21, v36;
	v36 =	vperm.xlane v28, v0;
	v24 =	vmul.f32 v47, v53  }
0x107: {  	v2 =	vld [tilespmem:s26+$0x50];
	v44 =	vmul.f32 v47, v59;
	v54 =	vperm.xlane v29, v16  }
0x108: {  	v55 =	vperm.xlane v29, v15;
	v53 =	vperm.xlane v29, v14  }
0x109: {  	v59 =	vperm.xlane v28, v9;
	v40 =	vperm.xlane v29, v0;
	v21 =	vadd.f32 v25, v21  }
0x10a: {  	v60 =	vld [tilespmem:s25+$0x50];
	v25 =	vperm.xlane v28, v13;
	v19 =	vadd.f32 v26, v19;
	v26 =	vperm.xlane v29, v13  }
0x10b: {  	v63 =	vld [tilespmem:s25+$0x70];
	v23 =	vadd.f32 v42, v23;
	v42 =	vperm.xlane v29, v12;
	v38 =	vmul.f32 v38, v18;
	v46 =	vpop (erf)  }
0x10c: {  	v52 =	vld [tilespmem:s26+$0x70];
	[tilespmem:$0x1FFB0] =	vst v24;
	v24 =	vperm.xlane v29, v1;
	v2 =	vmul.f32 v46, v2  }
0x10d: {  	v21 =	vadd.f32 v27, v21;
	v27 =	vperm.xlane v29, v11;
	v19 =	vadd.f32 v34, v19  }
0x10e: {  	v34 =	vperm.xlane v29, v10;
	v23 =	vadd.f32 v48, v23;
	v48 =	vperm.xlane v29, v9  }
0x10f: {  	v49 =	vpop (erf);
	v25 =	vmul.f32 v25, v18;
	v26 =	vmul.f32 v26, v17  }
0x110: {  	v61 =	vld [tilespmem:s26+$0x60];
	v42 =	vmul.f32 v42, v17;
	v51 =	vpop (erf);
	[tilespmem:$0x1FFC0] =	vst v2;
	v2 =	vmul.f32 v46, v60  }
0x111: {  	v45 =	vmul.f32 v51, v52;
	v52 =	vmul.f32 v51, v63  }
0x112: {  	v60 =	vperm.xlane v28, v8;
	v21 =	vadd.f32 v35, v21;
	v35 =	vperm.xlane v29, v8  }
0x113: {  	v19 =	vadd.f32 v32, v19;
	v32 =	vperm.xlane v29, v7;
	v63 =	vperm.xlane v28, v5  }
0x114: {  	v62 =	vld [tilespmem:s25+$0x60];
	v23 =	vadd.f32 v50, v23;
	v50 =	vperm.xlane v29, v6;
	v27 =	vmul.f32 v27, v17  }
0x115: {  	[tilespmem:$0x1FFD0] =	vst v2;
	v2 =	vmul.f32 v49, v61;
	v61 =	vperm.xlane v28, v7  }
0x116: {  	v21 =	vadd.f32 v33, v21;
	v33 =	vperm.xlane v29, v5;
	v19 =	vadd.f32 v30, v19  }
0x117: {  	v30 =	vperm.xlane v29, v4;
	v23 =	vadd.f32 v37, v23;
	v37 =	vperm.xlane v29, v3  }
0x118: {  	v29 =	vmul.f32 v43, v18;
	v43 =	vmul.f32 v56, v18  }
0x119: {  	[tilespmem:$0x1FFE0] =	vst v2;
	v2 =	vmul.f32 v49, v62;
	v62 =	vperm.xlane v28, v6  }
0x11a: {  	v20 =	vadd.f32 v20, v21;
	v21 =	vadd.f32 v47, v23;
	v23 =	vmul.f32 v54, v17  }
0x11b: {  	v19 =	vadd.f32 v41, v19;
	v41 =	vmul.f32 v53, v17;
	v47 =	vmul.f32 v59, v18  }
0x11c: {  	v53 =	vmul.f32 v60, v18;
	v37 =	vmul.f32 v37, v17  }
0x11d: {  	v59 =	vmul.f32 v24, v17;
	[tilespmem:$0x1FFF0] =	vst v2;
	v2 =	vperm.xlane v28, v4  }
0x11e: {  	v54 =	vld [tilespmem:$0x1FFB0];
	v28 =	vmul.f32 v39, v18;
	v39 =	vmul.f32 v55, v17  }
0x11f: {  	v19 =	vadd.f32 v44, v19;
	v21 =	vadd.f32 v46, v21;
	v44 =	vmul.f32 v57, v18;
	v57 =	vld [tilespmem:$0x1FFC0]  }
0x120: {  	v46 =	vmul.f32 v58, v18;
	v58 =	vld [tilespmem:$0x1FFD0];
	v55 =	vmul.f32 v35, v17  }
0x121: {  	v60 =	vld [tilespmem:$0x1FFE0];
	v56 =	vmul.f32 v62, v18;
	v21 =	vadd.f32 v49, v21;
	v49 =	vmul.f32 v34, v17  }
0x122: {  	v29 =	vadd.f32 v23, v29;
	v34 =	vmul.f32 v48, v17;
	v48 =	vmul.f32 v61, v18;
	v61 =	vld [tilespmem:$0x1FFF0]  }
0x123: {  	v2 =	vmul.f32 v2, v18;
	v28 =	vadd.f32 v39, v28;
	v20 =	vadd.f32 v54, v20  }
0x124: {  	v39 =	vmul.f32 v29, v29;
	v34 =	vadd.f32 v34, v47;
	v35 =	vadd.f32 v49, v46  }
0x125: {  	v20 =	vadd.f32 v57, v20;
	v19 =	vadd.f32 v58, v19;
	v57 =	vmul.f32 v63, v18  }
0x126: {  	v58 =	vmul.f32 v31, v18;
	v31 =	vadd.f32 v41, v38;
	v63 =	vmul.f32 v40, v17  }
0x127: {  	v38 =	vmul.f32 v28, v28;
	v20 =	vadd.f32 v60, v20;
	v54 =	vadd.f32 v61, v19  }
0x128: {  	v19 =	vadd.f32 v51, v21;
	v51 =	vmul.f32 v32, v17;
	v60 =	vmul.f32 v36, v18  }
0x129: {  	v32 =	vadd.f32 v27, v44;
	v41 =	vmul.f32 v31, v31;
	v44 =	vmul.f32 v34, v34  }
0x12a: {  	v36 =	vadd.f32 v59, v58;
	v20 =	vadd.f32 v45, v20;
	v45 =	vmul.f32 v50, v17  }
0x12b: {  	v21 =	vadd.f32 v52, v54;
	v50 =	vmul.f32 v33, v17;
	v52 =	vmul.f32 v22, v18  }
0x12c: {  	v54 =	vmul.f32 v30, v17;
	v30 =	vadd.f32 v26, v25;
	v33 =	vadd.f32 v42, v43  }
0x12d: {  	p1 =	sne.s32 s0, $0x1;
	v25 =	vadd.f32 v51, v48;
	v26 =	vadd.f32 v55, v53;
	v42 =	vmul.f32 v32, v32  }
.Ltmp6:
0x12e: {  	v23 =	vadd.f32 v45, v56;
	v40 =	vmul.f32 v30, v30;
	v22 =	vadd.f32 v50, v57;
	(pc) =	sbr.rel @!p1 .LBB2_7-.Ltmp6, $4  }
0x12f: {  	v43 =	vmul.f32 v33, v33;
	v24 =	vadd.f32 v54, v2;
	v45 =	vmul.f32 v35, v35  }
0x130: {  	v27 =	vadd.f32 v37, v52;
	v47 =	vmul.f32 v25, v25;
	v48 =	vmul.f32 v26, v26  }
0x131: {  	s0 =	sadd.s32 $0xFFFFFFFF, s0;
	v37 =	vadd.f32 v63, v60;
	v49 =	vmul.f32 v22, v22;
	v50 =	vmul.f32 v23, v23  }
0x132: {  	p0 =	por $0x1, $0x1;
	s31 =	simm.s32 $0x2080;
	s30 =	simm.s32 $0xA080;
	v46 =	vmul.f32 v27, v27;
	v51 =	vmul.f32 v24, v24  }
.LBB2_8:
0x133: {  	p1 =	sne.s32 s0, $0x1;
	v2 =	vmul.f32 v37, v37;
	v52 =	vmul.f32 v36, v36  }
0x134: {  	v38 =	vmul.f32 $3.703703700e-04, v38;
	v39 =	vmul.f32 $3.703703700e-04, v39  }
0x135: {  	v40 =	vmul.f32 $3.703703700e-04, v40;
	v41 =	vmul.f32 $3.703703700e-04, v41  }
0x136: {  	v42 =	vmul.f32 $3.703703700e-04, v42;
	v43 =	vmul.f32 $3.703703700e-04, v43  }
0x137: {  	v44 =	vmul.f32 $3.703703700e-04, v44;
	v45 =	vmul.f32 $3.703703700e-04, v45  }
0x138: {  	v47 =	vmul.f32 $3.703703700e-04, v47;
	v48 =	vmul.f32 $3.703703700e-04, v48  }
0x139: {  	v49 =	vmul.f32 $3.703703700e-04, v49;
	v50 =	vmul.f32 $3.703703700e-04, v50;
	v39 =	vsub.f32 $1.000000000e+00, v39  }
0x13a: {  	v51 =	vmul.f32 $3.703703700e-04, v51;
	v41 =	vsub.f32 $1.000000000e+00, v41;
	v38 =	vsub.f32 $1.000000000e+00, v38  }
0x13b: {  	v46 =	vmul.f32 $3.703703700e-04, v46;
	v43 =	vsub.f32 $1.000000000e+00, v43;
	v40 =	vsub.f32 $1.000000000e+00, v40  }
0x13c: {  	v52 =	vmul.f32 $3.703703700e-04, v52;
	v45 =	vsub.f32 $1.000000000e+00, v45;
	v42 =	vsub.f32 $1.000000000e+00, v42  }
0x13d: {  	v2 =	vmul.f32 $3.703703700e-04, v2;
	v48 =	vsub.f32 $1.000000000e+00, v48;
	v44 =	vsub.f32 $1.000000000e+00, v44  }
0x13e: {  	v47 =	vsub.f32 $1.000000000e+00, v47;
	v28 =	vmul.f32 v38, v28;
	v29 =	vmul.f32 v39, v29  }
0x13f: {  	v38 =	vsub.f32 $1.000000000e+00, v50;
	v30 =	vmul.f32 v40, v30;
	v31 =	vmul.f32 v41, v31  }
0x140: {  	v39 =	vsub.f32 $1.000000000e+00, v49;
	v32 =	vmul.f32 v42, v32;
	v33 =	vmul.f32 v43, v33  }
0x141: {  	v2 =	vsub.f32 $1.000000000e+00, v2;
	v34 =	vmul.f32 v44, v34;
	v35 =	vmul.f32 v45, v35  }
0x142: {  	v40 =	vsub.f32 $1.000000000e+00, v52;
	v41 =	vmul.f32 v47, v25;
	v26 =	vmul.f32 v48, v26  }
0x143: {  	v25 =	vsub.f32 $1.000000000e+00, v51;
	v2 =	vmul.f32 v2, v37;
	v37 =	vmul.f32 v38, v23  }
0x144: {  	v23 =	vmul.f32 v40, v36;
	v36 =	vsub.f32 $1.000000000e+00, v46;
	v38 =	vmul.f32 v39, v22  }
0x145: {  	v39 =	vmul.f32 v25, v24;
	v2 =	vmul.f32 $1.442695020e+00, v2  }
0x146: {  	v22 =	vmul.f32 $1.442695020e+00, v23;
	v23 =	vmul.f32 v36, v27  }
0x147: {  	v24 =	vmul.f32 $1.442695020e+00, v29;
	(erf) = vpow2.f32 v2  }
0x148: {  	s31 =	sadd.s32 $0x100, s31;
	v2 =	vmul.f32 $1.442695020e+00, v23;
	(erf) = vpow2.f32 v22  }
0x149: {  	v25 =	vmul.f32 $1.442695020e+00, v28;
	v27 =	vmul.f32 $1.442695020e+00, v31;
	v22 =	vld [tilespmem:s31+$0x50]  }
0x14a: {  	v28 =	vmul.f32 $1.442695020e+00, v39;
	v23 =	vld [tilespmem:s31+$0x40];
	(erf) = vpow2.f32 v2  }
0x14b: {  	s30 =	sadd.s32 $0x100, s30;
	v29 =	vmul.f32 $1.442695020e+00, v33;
	v30 =	vmul.f32 $1.442695020e+00, v30;
	v2 =	vld [tilespmem:s31+$0xFFFFFF80]  }
0x14c: {  	v33 =	vmul.f32 $1.442695020e+00, v38;
	v31 =	vld [tilespmem:s30+$0xFFFFFF80];
	(erf) = vpow2.f32 v28  }
0x14d: {  	v35 =	vmul.f32 $1.442695020e+00, v35;
	v32 =	vmul.f32 $1.442695020e+00, v32;
	v28 =	vld [tilespmem:s31+$0xFFFFFF90]  }
0x14e: {  	v37 =	vmul.f32 $1.442695020e+00, v37;
	v36 =	vld [tilespmem:s30+$0xFFFFFF90];
	(erf) = vpow2.f32 v33  }
0x14f: {  	v26 =	vmul.f32 $1.442695020e+00, v26;
	v34 =	vmul.f32 $1.442695020e+00, v34;
	v33 =	vld [tilespmem:s31+$0xFFFFFFA0]  }
0x150: {  	v39 =	vmul.f32 $1.442695020e+00, v41;
	v38 =	vld [tilespmem:s30+$0xFFFFFFA0];
	v40 =	vpop (erf);
	(erf) = vpow2.f32 v37  }
0x151: {  	v2 =	vmul.f32 v40, v2;
	v31 =	vmul.f32 v40, v31;
	v37 =	vld [tilespmem:s31+$0xFFFFFFB0];
	v41 =	vpop (erf)  }
0x152: {  	v19 =	vadd.f32 v40, v19;
	v42 =	vmul.f32 v41, v28;
	v40 =	vld [tilespmem:s30+$0xFFFFFFB0];
	(erf) = vpow2.f32 v39  }
0x153: {  	v2 =	vadd.f32 v2, v20;
	v20 =	vadd.f32 v31, v21;
	v21 =	vmul.f32 v41, v36;
	v31 =	vld [tilespmem:s31+$0xFFFFFFC0];
	v36 =	vpop (erf)  }
0x154: {  	v19 =	vadd.f32 v41, v19;
	v33 =	vmul.f32 v36, v33;
	v39 =	vld [tilespmem:s30+$0xFFFFFFC0];
	(erf) = vpow2.f32 v26  }
0x155: {  	v2 =	vadd.f32 v42, v2;
	v20 =	vadd.f32 v21, v20;
	v21 =	vmul.f32 v36, v38;
	v26 =	vld [tilespmem:s31+$0xFFFFFFD0];
	v28 =	vpop (erf)  }
0x156: {  	v19 =	vadd.f32 v36, v19;
	v38 =	vmul.f32 v28, v37;
	v37 =	vld [tilespmem:s30+$0xFFFFFFD0];
	(erf) = vpow2.f32 v34  }
0x157: {  	v2 =	vadd.f32 v33, v2;
	v20 =	vadd.f32 v21, v20;
	v21 =	vmul.f32 v28, v40;
	v33 =	vld [tilespmem:s31+$0xFFFFFFE0];
	v34 =	vpop (erf)  }
0x158: {  	v19 =	vadd.f32 v28, v19;
	v28 =	vmul.f32 v34, v31;
	v31 =	vld [tilespmem:s30+$0xFFFFFFE0];
	(erf) = vpow2.f32 v35  }
0x159: {  	v2 =	vadd.f32 v38, v2;
	v20 =	vadd.f32 v21, v20;
	v21 =	vmul.f32 v34, v39;
	v35 =	vld [tilespmem:s31+$0xFFFFFFF0];
	v36 =	vpop (erf)  }
0x15a: {  	v19 =	vadd.f32 v34, v19;
	v26 =	vmul.f32 v36, v26;
	v34 =	vld [tilespmem:s30+$0xFFFFFFF0];
	(erf) = vpow2.f32 v32  }
0x15b: {  	v2 =	vadd.f32 v28, v2;
	v20 =	vadd.f32 v21, v20;
	v21 =	vmul.f32 v36, v37;
	v28 =	vld [tilespmem:s31+$0x0];
	v32 =	vpop (erf)  }
0x15c: {  	v19 =	vadd.f32 v36, v19;
	v37 =	vmul.f32 v32, v33;
	v36 =	vld [tilespmem:s30+$0x0];
	(erf) = vpow2.f32 v29  }
0x15d: {  	v2 =	vadd.f32 v26, v2;
	v20 =	vadd.f32 v21, v20;
	v21 =	vmul.f32 v32, v31;
	v26 =	vld [tilespmem:s31+$0x10];
	v29 =	vpop (erf)  }
0x15e: {  	v19 =	vadd.f32 v32, v19;
	v35 =	vmul.f32 v29, v35;
	v32 =	vld [tilespmem:s30+$0x10];
	(erf) = vpow2.f32 v30  }
0x15f: {  	v2 =	vadd.f32 v37, v2;
	v20 =	vadd.f32 v21, v20;
	v21 =	vmul.f32 v29, v34;
	v30 =	vld [tilespmem:s31+$0x20];
	v33 =	vpop (erf)  }
0x160: {  	v19 =	vadd.f32 v29, v19;
	v34 =	vmul.f32 v33, v28;
	v29 =	vld [tilespmem:s30+$0x20];
	(erf) = vpow2.f32 v27  }
0x161: {  	v2 =	vadd.f32 v35, v2;
	v20 =	vadd.f32 v21, v20;
	v21 =	vmul.f32 v33, v36;
	v27 =	vld [tilespmem:s31+$0x30];
	v31 =	vpop (erf)  }
0x162: {  	s28 =	sadd.s32 $0x10, s28;
	v19 =	vadd.f32 v33, v19;
	v35 =	vmul.f32 v31, v26;
	v33 =	vld [tilespmem:s30+$0x30];
	(erf) = vpow2.f32 v25  }
0x163: {  	v25 =	vld [tilespmem:s28+$0x0];
	v2 =	vadd.f32 v34, v2;
	v20 =	vadd.f32 v21, v20;
	v21 =	vmul.f32 v31, v32;
	v28 =	vpop (erf)  }
0x164: {  	s29 =	sadd.s32 $0x10, s29;
	v19 =	vadd.f32 v31, v19;
	v32 =	vmul.f32 v28, v30;
	v31 =	vld [tilespmem:s30+$0x40];
	(erf) = vpow2.f32 v24  }
0x165: {  	v24 =	vld [tilespmem:s29+$0x0];
	v2 =	vadd.f32 v35, v2;
	v20 =	vadd.f32 v21, v20;
	v21 =	vmul.f32 v28, v29;
	v26 =	vpop (erf)  }
0x166: {  	v19 =	vadd.f32 v28, v19;
	v27 =	vmul.f32 v26, v27;
	v28 =	vld [tilespmem:s30+$0x50]  }
0x167: {  	v2 =	vadd.f32 v32, v2;
	v20 =	vadd.f32 v21, v20;
	v21 =	vmul.f32 v26, v33;
	v29 =	vld [tilespmem:s31+$0x60];
	v30 =	vpop (erf)  }
0x168: {  	v19 =	vadd.f32 v26, v19;
	v32 =	vperm.xlane v25, v16;
	v34 =	vmul.f32 v30, v23;
	v26 =	vld [tilespmem:s30+$0x60]  }
0x169: {  	v2 =	vadd.f32 v27, v2;
	v20 =	vadd.f32 v21, v20;
	v21 =	vmul.f32 v30, v31;
	v27 =	vld [tilespmem:s31+$0x70];
	v31 =	vpop (erf)  }
0x16a: {  	v19 =	vadd.f32 v30, v19;
	v33 =	vperm.xlane v24, v16;
	v35 =	vmul.f32 v31, v22;
	v30 =	vld [tilespmem:s30+$0x70]  }
0x16b: {  	v2 =	vadd.f32 v34, v2;
	v20 =	vadd.f32 v21, v20;
	v21 =	vmul.f32 v31, v28;
	v23 =	vpop (erf)  }
0x16c: {  	v28 =	vperm.xlane v25, v15;
	v19 =	vadd.f32 v31, v19;
	v29 =	vmul.f32 v23, v29  }
0x16d: {  	v2 =	vadd.f32 v35, v2;
	v20 =	vadd.f32 v21, v20;
	v21 =	vmul.f32 v23, v26;
	v22 =	vpop (erf)  }
0x16e: {  	v26 =	vperm.xlane v24, v15;
	v19 =	vadd.f32 v23, v19;
	v23 =	vmul.f32 v22, v27  }
0x16f: {  	v2 =	vadd.f32 v29, v2;
	v21 =	vadd.f32 v21, v20;
	v27 =	vmul.f32 v22, v30  }
0x170: {  	v29 =	vperm.xlane v25, v14;
	v30 =	vperm.xlane v24, v14;
	v19 =	vadd.f32 v22, v19  }
0x171: {  	v22 =	vperm.xlane v25, v13;
	v20 =	vadd.f32 v23, v2;
	v21 =	vadd.f32 v27, v21  }
0x172: {  	v2 =	vperm.xlane v25, v12;
	v23 =	vperm.xlane v24, v13  }
0x173: {  	v31 =	vperm.xlane v24, v12;
	v27 =	vperm.xlane v25, v11  }
0x174: {  	v34 =	vperm.xlane v25, v10;
	v35 =	vperm.xlane v24, v11  }
0x175: {  	v36 =	vperm.xlane v25, v9;
	v37 =	vperm.xlane v24, v10  }
0x176: {  	v38 =	vperm.xlane v25, v8;
	v39 =	vperm.xlane v24, v9  }
0x177: {  	v40 =	vperm.xlane v25, v7;
	v41 =	vperm.xlane v24, v8  }
0x178: {  	v42 =	vperm.xlane v25, v6;
	v43 =	vperm.xlane v24, v7  }
0x179: {  	v44 =	vperm.xlane v25, v5;
	v45 =	vperm.xlane v24, v6  }
0x17a: {  	v46 =	vperm.xlane v25, v4;
	v47 =	vperm.xlane v24, v5  }
0x17b: {  	v48 =	vperm.xlane v25, v3;
	v49 =	vperm.xlane v24, v4  }
0x17c: {  	v50 =	vperm.xlane v25, v1;
	v51 =	vperm.xlane v24, v3  }
0x17d: {  	v52 =	vperm.xlane v24, v1;
	v25 =	vperm.xlane v25, v0  }
0x17e: {  	v32 =	vmul.f32 v32, v18;
	v24 =	vperm.xlane v24, v0  }
0x17f: {  	v33 =	vmul.f32 v33, v17;
	v28 =	vmul.f32 v28, v18  }
0x180: {  	v26 =	vmul.f32 v26, v17;
	v53 =	vmul.f32 v29, v18  }
0x181: {  	v22 =	vmul.f32 v22, v18;
	v54 =	vmul.f32 v30, v17  }
0x182: {  	v2 =	vmul.f32 v2, v18;
	v23 =	vmul.f32 v23, v17  }
0x183: {  	v55 =	vmul.f32 v31, v17;
	v27 =	vmul.f32 v27, v18  }
0x184: {  	v56 =	vmul.f32 v34, v18;
	v34 =	vmul.f32 v35, v17  }
0x185: {  	v35 =	vmul.f32 v36, v18;
	v36 =	vmul.f32 v37, v17  }
0x186: {  	v37 =	vmul.f32 v38, v18;
	v38 =	vmul.f32 v39, v17  }
0x187: {  	v39 =	vmul.f32 v40, v18;
	v40 =	vmul.f32 v41, v17  }
0x188: {  	v41 =	vmul.f32 v42, v18;
	v42 =	vmul.f32 v43, v17  }
0x189: {  	v43 =	vmul.f32 v44, v18;
	v44 =	vmul.f32 v45, v17  }
0x18a: {  	v45 =	vmul.f32 v46, v18;
	v46 =	vmul.f32 v47, v17  }
0x18b: {  	v47 =	vmul.f32 v48, v18;
	v48 =	vmul.f32 v49, v17  }
0x18c: {  	v49 =	vmul.f32 v51, v17;
	v28 =	vadd.f32 v26, v28;
	v29 =	vadd.f32 v33, v32  }
0x18d: {  	v50 =	vmul.f32 v50, v18;
	v31 =	vadd.f32 v54, v53;
	v30 =	vadd.f32 v23, v22  }
0x18e: {  	v51 =	vmul.f32 v52, v17;
	v32 =	vadd.f32 v34, v27;
	v33 =	vadd.f32 v55, v2  }
0x18f: {  	v2 =	vmul.f32 v25, v18;
	v34 =	vadd.f32 v38, v35;
	v35 =	vadd.f32 v36, v56  }
0x190: {  	v26 =	vadd.f32 v40, v37;
	v52 =	vmul.f32 v24, v17;
	v25 =	vadd.f32 v42, v39  }
0x191: {  	v23 =	vadd.f32 v44, v41;
	v38 =	vmul.f32 v28, v28;
	v39 =	vmul.f32 v29, v29  }
0x192: {  	v22 =	vadd.f32 v46, v43;
	v41 =	vmul.f32 v31, v31;
	v40 =	vmul.f32 v30, v30  }
.Ltmp7:
0x193: {  	v24 =	vadd.f32 v48, v45;
	v42 =	vmul.f32 v32, v32;
	v43 =	vmul.f32 v33, v33;
	(pc) =	sbr.rel @p1 .LBB2_8-.Ltmp7, $4  }
0x194: {  	v27 =	vadd.f32 v49, v47;
	v44 =	vmul.f32 v34, v34;
	v45 =	vmul.f32 v35, v35  }
0x195: {  	v48 =	vmul.f32 v26, v26;
	v36 =	vadd.f32 v51, v50;
	v47 =	vmul.f32 v25, v25  }
0x196: {  	v37 =	vadd.f32 v52, v2;
	v49 =	vmul.f32 v22, v22;
	v50 =	vmul.f32 v23, v23  }
0x197: {  	s0 =	sadd.s32 $0xFFFFFFFF, s0;
	v51 =	vmul.f32 v24, v24;
	v46 =	vmul.f32 v27, v27  }
.LBB2_9:
0x198: {  	v2 =	vmul.f32 v37, v37  }
0x199: {  	v52 =	vmul.f32 v36, v36;
	v38 =	vmul.f32 $3.703703700e-04, v38  }
0x19a: {  	v39 =	vmul.f32 $3.703703700e-04, v39;
	v40 =	vmul.f32 $3.703703700e-04, v40  }
0x19b: {  	v41 =	vmul.f32 $3.703703700e-04, v41;
	v42 =	vmul.f32 $3.703703700e-04, v42  }
0x19c: {  	v43 =	vmul.f32 $3.703703700e-04, v43;
	v44 =	vmul.f32 $3.703703700e-04, v44  }
0x19d: {  	v45 =	vmul.f32 $3.703703700e-04, v45;
	v47 =	vmul.f32 $3.703703700e-04, v47  }
0x19e: {  	v48 =	vmul.f32 $3.703703700e-04, v48;
	v49 =	vmul.f32 $3.703703700e-04, v49  }
0x19f: {  	v50 =	vmul.f32 $3.703703700e-04, v50;
	v51 =	vmul.f32 $3.703703700e-04, v51;
	v39 =	vsub.f32 $1.000000000e+00, v39  }
0x1a0: {  	v46 =	vmul.f32 $3.703703700e-04, v46;
	v41 =	vsub.f32 $1.000000000e+00, v41;
	v38 =	vsub.f32 $1.000000000e+00, v38  }
0x1a1: {  	v43 =	vsub.f32 $1.000000000e+00, v43;
	v40 =	vsub.f32 $1.000000000e+00, v40;
	v52 =	vmul.f32 $3.703703700e-04, v52  }
0x1a2: {  	v45 =	vsub.f32 $1.000000000e+00, v45;
	v42 =	vsub.f32 $1.000000000e+00, v42;
	v2 =	vmul.f32 $3.703703700e-04, v2  }
0x1a3: {  	v48 =	vsub.f32 $1.000000000e+00, v48;
	v44 =	vsub.f32 $1.000000000e+00, v44;
	v28 =	vmul.f32 v38, v28  }
0x1a4: {  	v47 =	vsub.f32 $1.000000000e+00, v47;
	v29 =	vmul.f32 v39, v29;
	v30 =	vmul.f32 v40, v30  }
0x1a5: {  	v31 =	vmul.f32 v41, v31;
	v32 =	vmul.f32 v42, v32;
	v2 =	vsub.f32 $1.000000000e+00, v2  }
0x1a6: {  	v61 =	vsub.f32 $1.000000000e+00, v50;
	v33 =	vmul.f32 v43, v33;
	v34 =	vmul.f32 v44, v34  }
0x1a7: {  	v35 =	vmul.f32 v45, v35;
	v63 =	vsub.f32 $1.000000000e+00, v52;
	v2 =	vmul.f32 v2, v37  }
0x1a8: {  	v25 =	vmul.f32 v47, v25;
	v26 =	vmul.f32 v48, v26;
	v47 =	vsub.f32 $1.000000000e+00, v46  }
0x1a9: {  	v45 =	vmul.f32 v63, v36;
	v2 =	vmul.f32 $1.442695020e+00, v2  }
0x1aa: {  	v44 =	vsub.f32 $1.000000000e+00, v51;
	v23 =	vmul.f32 v61, v23;
	v27 =	vmul.f32 v47, v27  }
0x1ab: {  	v62 =	vsub.f32 $1.000000000e+00, v49;
	v36 =	vmul.f32 $1.442695020e+00, v45;
	(erf) = vpow2.f32 v2  }
0x1ac: {  	v24 =	vmul.f32 v44, v24;
	v2 =	vmul.f32 $1.442695020e+00, v27  }
0x1ad: {  	s0 =	sadd.s32 @p0 $0x100, s31;
	v22 =	vmul.f32 v62, v22;
	(erf) = vpow2.f32 v36  }
0x1ae: {  	s26 =	smov.u32 @p0 s0;
	v24 =	vmul.f32 $1.442695020e+00, v24;
	(erf) = vpow2.f32 v2  }
0x1af: {  	s0 =	sadd.s32 @p0 $0x100, s30;
	v50 =	vld [tilespmem:s26+$0xFFFFFF90];
	v29 =	vmul.f32 $1.442695020e+00, v29;
	v48 =	vmul.f32 $1.442695020e+00, v33  }
0x1b0: {  	s25 =	smov.u32 @p0 s0;
	v30 =	vmul.f32 $1.442695020e+00, v30;
	v2 =	vld [tilespmem:s26+$0xFFFFFF80];
	(erf) = vpow2.f32 v24  }
0x1b1: {  	v49 =	vld [tilespmem:s25+$0xFFFFFF80];
	v22 =	vmul.f32 $1.442695020e+00, v22;
	v35 =	vmul.f32 $1.442695020e+00, v35  }
0x1b2: {  	v54 =	vld [tilespmem:s26+$0xFFFFFFB0];
	v32 =	vmul.f32 $1.442695020e+00, v32;
	v23 =	vmul.f32 $1.442695020e+00, v23  }
0x1b3: {  	v51 =	vld [tilespmem:s25+$0xFFFFFF90];
	v26 =	vmul.f32 $1.442695020e+00, v26;
	(erf) = vpow2.f32 v22  }
0x1b4: {  	v34 =	vmul.f32 $1.442695020e+00, v34;
	v25 =	vmul.f32 $1.442695020e+00, v25;
	v22 =	vld [tilespmem:s26+$0xFFFFFFA0];
	v53 =	vpop (erf)  }
0x1b5: {  	v52 =	vld [tilespmem:s25+$0xFFFFFFA0];
	(erf) = vpow2.f32 v23;
	v2 =	vmul.f32 v53, v2  }
0x1b6: {  	v59 =	vld [tilespmem:s26+$0xFFFFFFD0];
	v23 =	vmul.f32 v53, v49;
	v55 =	vpop (erf);
	v19 =	vadd.f32 v53, v19;
	(erf) = vpow2.f32 v25  }
0x1b7: {  	v56 =	vld [tilespmem:s25+$0xFFFFFFB0];
	v24 =	vmul.f32 v55, v50;
	v57 =	vpop (erf);
	(erf) = vpow2.f32 v26;
	v2 =	vadd.f32 v2, v20  }
0x1b8: {  	v20 =	vadd.f32 v23, v21;
	v21 =	vmul.f32 v55, v51;
	v23 =	vld [tilespmem:s26+$0xFFFFFFC0];
	v19 =	vadd.f32 v55, v19  }
0x1b9: {  	v58 =	vld [tilespmem:s25+$0xFFFFFFC0];
	v22 =	vmul.f32 v57, v22;
	v60 =	vpop (erf);
	(erf) = vpow2.f32 v34;
	v2 =	vadd.f32 v24, v2  }
0x1ba: {  	v62 =	vld [tilespmem:s25+$0xFFFFFFD0];
	v20 =	vadd.f32 v21, v20;
	v21 =	vmul.f32 v57, v52;
	v19 =	vadd.f32 v57, v19  }
0x1bb: {  	v38 =	vld [tilespmem:s26+$0xFFFFFFF0];
	v27 =	vmul.f32 $1.442695020e+00, v31;
	v61 =	vmul.f32 v60, v54;
	v2 =	vadd.f32 v22, v2  }
0x1bc: {  	v63 =	vpop (erf);
	v20 =	vadd.f32 v21, v20;
	v21 =	vmul.f32 v60, v56;
	v22 =	vld [tilespmem:s26+$0xFFFFFFE0];
	v19 =	vadd.f32 v60, v19  }
0x1bd: {  	v37 =	vld [tilespmem:s25+$0xFFFFFFE0];
	(erf) = vpow2.f32 v35;
	v23 =	vmul.f32 v63, v23;
	v2 =	vadd.f32 v61, v2  }
0x1be: {  	v40 =	vld [tilespmem:s25+$0xFFFFFFF0];
	v20 =	vadd.f32 v21, v20;
	v21 =	vmul.f32 v63, v58;
	v39 =	vpop (erf);
	v19 =	vadd.f32 v63, v19  }
0x1bf: {  	(erf) = vpow2.f32 v32;
	v24 =	vmul.f32 v39, v59;
	v2 =	vadd.f32 v23, v2;
	v23 =	vld [tilespmem:s26+$0x0]  }
0x1c0: {  	v41 =	vpop (erf);
	(erf) = vpow2.f32 v48;
	v20 =	vadd.f32 v21, v20;
	v21 =	vmul.f32 v39, v62  }
0x1c1: {  	v42 =	vld [tilespmem:s25+$0x0];
	v19 =	vadd.f32 v39, v19;
	v22 =	vmul.f32 v41, v22;
	v2 =	vadd.f32 v24, v2  }
0x1c2: {  	v43 =	vld [tilespmem:s26+$0x10];
	v44 =	vpop (erf);
	(erf) = vpow2.f32 v30;
	v20 =	vadd.f32 v21, v20;
	v21 =	vmul.f32 v41, v37  }
0x1c3: {  	v45 =	vld [tilespmem:s25+$0x10];
	v25 =	vmul.f32 v44, v38;
	v46 =	vpop (erf);
	v19 =	vadd.f32 v41, v19;
	v2 =	vadd.f32 v22, v2  }
0x1c4: {  	v20 =	vadd.f32 v21, v20;
	v21 =	vmul.f32 v44, v40;
	v22 =	vld [tilespmem:s26+$0x20];
	v23 =	vmul.f32 v46, v23  }
0x1c5: {  	v28 =	vmul.f32 $1.442695020e+00, v28;
	v47 =	vld [tilespmem:s25+$0x20];
	(erf) = vpow2.f32 v27;
	v19 =	vadd.f32 v44, v19  }
0x1c6: {  	v48 =	vld [tilespmem:s26+$0x30];
	v49 =	vpop (erf);
	v2 =	vadd.f32 v25, v2;
	v20 =	vadd.f32 v21, v20;
	v21 =	vmul.f32 v46, v42  }
0x1c7: {  	v50 =	vld [tilespmem:s25+$0x30];
	(erf) = vpow2.f32 v28;
	v24 =	vmul.f32 v49, v43;
	v19 =	vadd.f32 v46, v19  }
0x1c8: {  	v51 =	vld [tilespmem:s26+$0x40];
	v2 =	vadd.f32 v23, v2;
	v20 =	vadd.f32 v21, v20;
	v21 =	vmul.f32 v49, v45;
	v23 =	vpop (erf)  }
0x1c9: {  	v52 =	vld [tilespmem:s25+$0x40];
	v19 =	vadd.f32 v49, v19;
	(erf) = vpow2.f32 v29;
	v22 =	vmul.f32 v23, v22  }
0x1ca: {  	v53 =	vld [tilespmem:s26+$0x50];
	v2 =	vadd.f32 v24, v2;
	v20 =	vadd.f32 v21, v20;
	v21 =	vmul.f32 v23, v47;
	v54 =	vpop (erf)  }
0x1cb: {  	v55 =	vld [tilespmem:s25+$0x50];
	v19 =	vadd.f32 v23, v19;
	v23 =	vmul.f32 v54, v48  }
0x1cc: {  	v56 =	vpop (erf);
	v2 =	vadd.f32 v22, v2;
	v20 =	vadd.f32 v21, v20;
	v21 =	vmul.f32 v54, v50;
	v22 =	vld [tilespmem:s26+$0x60]  }
0x1cd: {  	v58 =	vld [tilespmem:s25+$0x60];
	v19 =	vadd.f32 v54, v19;
	v57 =	vmul.f32 v56, v51  }
0x1ce: {  	v59 =	vpop (erf);
	v2 =	vadd.f32 v23, v2;
	v20 =	vadd.f32 v21, v20;
	v21 =	vmul.f32 v56, v52;
	v23 =	vld [tilespmem:s26+$0x70]  }
0x1cf: {  	v61 =	vld [tilespmem:s25+$0x70];
	v60 =	vmul.f32 v59, v53;
	v19 =	vadd.f32 v56, v19  }
0x1d0: {  	v62 =	vpop (erf);
	v2 =	vadd.f32 v57, v2;
	v20 =	vadd.f32 v21, v20;
	v21 =	vmul.f32 v59, v55  }
0x1d1: {  	v19 =	vadd.f32 v59, v19;
	v22 =	vmul.f32 v62, v22  }
.Ltmp8:
0x1d2: {  	v2 =	vadd.f32 v60, v2;
	v20 =	vadd.f32 v21, v20;
	v21 =	vmul.f32 v62, v58;
	v63 =	vpop (erf);
	(pc) =	sbr.rel .LBB2_10-.Ltmp8, $4  }
0x1d3: {  	v19 =	vadd.f32 v62, v19;
	v23 =	vmul.f32 v63, v23  }
0x1d4: {  	v2 =	vadd.f32 v22, v2;
	v20 =	vadd.f32 v21, v20;
	v21 =	vmul.f32 v63, v61  }
0x1d5: {  	v19 =	vadd.f32 v63, v19  }
0x1d6: {  	v23 =	vadd.f32 v23, v2;
	v22 =	vadd.f32 v21, v20  }
.LBB2_5:
.Ltmp9:
0x1d7: {  	(pc) =	sbr.rel .LBB2_9-.Ltmp9, $2  }
0x1d8: {  	_ =	sdelay $0x2  }
0x1d9: {  	s31 =	simm.s32 $0x2080;
	s30 =	simm.s32 $0xA080;
	v20 =	vimm.f32 $0.0e+00;
	v21 =	vimm.f32 $0.0e+00  }
.LBB2_7:
.Ltmp10:
0x1da: {  	(pc) =	sbr.rel .LBB2_9-.Ltmp10, $2  }
0x1db: {  	_ =	sdelay $0x2  }
0x1dc: {  	s31 =	simm.s32 $0x2080;
	s30 =	simm.s32 $0xA080  }
.LBB2_12:
0x1dd: {  	_ =	sfence.sel $0x180000  }
0x1de: {  	[bflag:$0x0] =	sbarrier.arrive $0xFFFF  }
0x1df: {  	_ =	strace $0x90000047  }
0x1e0: {  	[bflag:$0x2] =	sbarrier.arrive $0xFFFF  }
0x1e1: {  	p0 =	sne.s32 s1, $0x0;
	s0 =	rddreg [dreg:$0x2]  }
0x1e2: {  	s0 =	sadd.s32 @!p0 $0x100000, s0  }
0x1e3: {  	[sflag:s0] =	ssyncadd.tile.s32 @!p0 $0x1;
	_ =	shalt  }
.Lfunc_end2:
_tile_overlayer_lowered:
.L_overlay_start_2:
0x1e4: {  	(tag) =	ssettag $0x2  }
0x1e5: {  	s0 =	rddreg [dreg:$0x0];
	s2 =	stileid.u32  }
0x1e6: {  	s1 =	rddreg [dreg:$0x1];
	p0 =	sne.s32 s2, $0x0  }
0x1e7: {  	s3 =	rddreg [dreg:$0x2];
	[bflag:$0x3] =	sbarrier.arrive $0xFFFF;
	s2 =	simm.s32 @!p0 $0x1C01  }
0x1e8: {  	[timem:s3], [sflag:s2] =	dma.local @!p0 [hbm:s0], s1  }
0x1e9: {  	s0 =	simm.s32 @!p0 $0x1  }
0x1ea: {  	_ =	swait.ge @!p0 [sflag:s0], s1  }
0x1eb: {  	s1 =	ssub.s32 @!p0 $0x0, s1;
	[sflag:s0] =	ssyncset.done @!p0 $0x0  }
0x1ec: {  	[sflag:s0] =	ssyncadd.s32 @!p0 s1  }
0x1ed: {  	[bflag:$0x3] =	sbarrier.arrive $0xFFFF  }
0x1ee: {  	_ =	shalt  }

</sc_bundles>
